<compile_context>
chip_gen: v7x
topology: tpu7x:2x2x1
jax: 0.10.2.dev20260603
libtpu: 0.0.44.dev20260713+nightly
codegen_flags: <defaults>
</compile_context>

<pallas_src>
import jax
import jax.numpy as jnp
from jax import lax
from jax.experimental import pallas as pl
from jax.experimental.pallas import tpu as pltpu
from jax.experimental.pallas import tpu_sc as plsc

L = 16
NC = 2
NS = 16
NW = NC * NS
N_COMP = 5
C_DIM = 64
NSLOT = 3


def _make_body(n_comp, per_w):

    def body(x_hbm, comp_hbm, *rest):
        embs = rest[:n_comp]
        outs = rest[n_comp:2 * n_comp]
        x_v, cidx_v, cvals_v, rows_v, semc, semg, semw = rest[2 * n_comp:]
        t_vocab = comp_hbm.shape[0] // n_comp
        nslot = min(NSLOT, n_comp)

        wid = lax.axis_index("s") * NC + lax.axis_index("c")
        base = wid * per_w

        pltpu.sync_copy(x_hbm.at[pl.ds(base, per_w)], x_v)
        for i in range(n_comp):
            off = jnp.int32(i * t_vocab)
            for j in range(per_w // L):
                cidx_v[pl.ds(i * per_w + j * L, L)] = x_v[pl.ds(j * L, L)] + off

        cg = [
            pltpu.async_copy(
                comp_hbm.at[cidx_v.at[pl.ds(i * per_w, per_w)]],
                cvals_v.at[pl.ds(i * per_w, per_w)], semc.at[i])
            for i in range(n_comp)
        ]

        gd = [None] * n_comp
        wd = [None] * n_comp

        def fire(i):
            gd[i] = pltpu.async_copy(
                embs[i].at[cvals_v.at[pl.ds(i * per_w, per_w)]],
                rows_v.at[i % nslot], semg.at[i % nslot])

        def fire_wb(i):
            wd[i] = pltpu.async_copy(
                rows_v.at[i % nslot], outs[i].at[pl.ds(base, per_w)],
                semw.at[i % nslot])

        for i in range(n_comp):
            if i >= nslot:
                wd[i - nslot].wait()
            cg[i].wait()
            fire(i)
            if i >= 1:
                gd[i - 1].wait()
                fire_wb(i - 1)
        gd[n_comp - 1].wait()
        fire_wb(n_comp - 1)
        for i in range(max(0, n_comp - nslot), n_comp):
            wd[i].wait()

    return body


def _sc_call(x, comp_cm, embs, batch, per_w):
    n_comp = len(embs)
    mesh = plsc.VectorSubcoreMesh(core_axis_name="c", subcore_axis_name="s")
    out_type = tuple(
        jax.ShapeDtypeStruct((batch, C_DIM), jnp.float32) for _ in range(n_comp)
    )
    nslot = min(NSLOT, n_comp)
    scratch = [
        pltpu.VMEM((per_w,), jnp.int32),
        pltpu.VMEM((n_comp * per_w,), jnp.int32),
        pltpu.VMEM((n_comp * per_w,), jnp.int32),
        pltpu.VMEM((nslot, per_w, C_DIM), jnp.float32),
        pltpu.SemaphoreType.DMA((n_comp,)),
        pltpu.SemaphoreType.DMA((nslot,)),
        pltpu.SemaphoreType.DMA((nslot,)),
    ]
    f = pl.kernel(
        _make_body(n_comp, per_w), mesh=mesh, out_type=out_type,
        scratch_types=scratch,
        compiler_params=pltpu.CompilerParams(use_tc_tiling_on_sc=False),
    )
    return f(x, comp_cm, *embs)


def kernel(x, comp_table, emb0, emb1, emb2, emb3, emb4):
    batch = x.shape[0]
    per_w = batch // NW
    t_vocab = comp_table.shape[0]
    srcs = (emb0, emb1, emb2, emb3, emb4)
    reps = [max(1, min(1024, 4096 // e.shape[0])) for e in srcs]
    embs = tuple(
        jnp.tile(e.at[0].set(0.0), (r, 1)) for e, r in zip(srcs, reps)
    )
    t_ids = jnp.arange(t_vocab, dtype=jnp.int32)
    cols = [
        comp_table[:, i] + (t_ids % reps[i]) * e.shape[0]
        for i, e in enumerate(srcs)
    ]
    groups = [(0, 3), (3, 5)]
    outs = ()
    for lo, hi in groups:
        cm = cols[lo] if hi - lo == 1 else jnp.concatenate(cols[lo:hi])
        outs += _sc_call(x, cm.reshape(-1), embs[lo:hi], batch, per_w)
    return outs

# --- scband reference (transcript-rebuilt; emitter-appended) ---
"""Pipeline reference for scband-tce-30451318128786 (READ-ONLY COPY).

The authoritative reference and input builder live on the scoring server;
editing this copy changes nothing except your own understanding.
"""

import jax, jax.numpy as jnp
import numpy as np

BOUNDS = [5, 3000, 13, 54, 32]
C_DIM = 64
T_VOCAB = 10000
BATCH = 16384


def setup_inputs(seed: int = 0) -> dict:
    key = jax.random.key(seed)
    ks = jax.random.split(key, 1 + len(BOUNDS) + len(BOUNDS))
    x = jax.random.randint(ks[0], (BATCH,), 0, T_VOCAB, dtype=jnp.int32)
    # kg.dataset timestamp_vocabulary: maps timestamp id -> its temporal components
    cols = []
    for i, b in enumerate(BOUNDS):
        cols.append(jax.random.randint(ks[1 + i], (T_VOCAB,), 0, b, dtype=jnp.int32))
    comp_table = jnp.stack(cols, axis=1)  # [T_VOCAB, n_components]
    inp = {"x": x, "comp_table": comp_table}
    # nn.Embedding tables with xavier_normal init (padding_idx=0 handled in forward)
    for i, b in enumerate(BOUNDS):
        scale = np.sqrt(2.0 / (b + C_DIM))
        inp[f"emb{i}"] = jax.random.normal(ks[1 + len(BOUNDS) + i], (b, C_DIM), dtype=jnp.float32) * scale
    return inp


def reference(x, comp_table, emb0, emb1, emb2, emb3, emb4):
    embs = [emb0, emb1, emb2, emb3, emb4]
    # 'create component dict': gather each timestamp's components from the vocabulary
    comps = jnp.take(comp_table, x, axis=0)  # [B, n_components]
    tce = []
    # 'create component embeddings': per-component embedding lookup
    for i, e in enumerate(embs):
        e = e.at[0].set(0.0)  # padding_idx=0
        tce.append(jnp.take(e, comps[:, i], axis=0))  # [B, c_dim]
    return tuple(tce)

if __name__ == "__main__":
    import jax
    _d = setup_inputs()
    print(jax.jit(kernel)(*tuple(_d.values())))

</pallas_src>

<mosaic_0001>
#map = affine_map<(d0, d1) -> (0)>
#map1 = affine_map<(d0, d1) -> (0, 0)>
module attributes {stable_mosaic.version = 14 : i64} {
  func.func @body(%arg0: i32, %arg1: i32, %arg2: memref<16384xi32, #tpu.memory_space<hbm>>, %arg3: memref<20000xi32, #tpu.memory_space<hbm>>, %arg4: memref<4050x64xf32, #tpu.memory_space<hbm>>, %arg5: memref<4096x64xf32, #tpu.memory_space<hbm>>, %arg6: memref<16384x64xf32, #tpu.memory_space<hbm>>, %arg7: memref<16384x64xf32, #tpu.memory_space<hbm>>, %arg8: memref<512xi32, #tpu.memory_space<vmem>>, %arg9: memref<1024xi32, #tpu.memory_space<vmem>>, %arg10: memref<1024xi32, #tpu.memory_space<vmem>>, %arg11: memref<2x512x64xf32, #tpu.memory_space<vmem>>, %arg12: memref<2x!tpu.dma_semaphore, #tpu.memory_space<semaphore_mem>>, %arg13: memref<2x!tpu.dma_semaphore, #tpu.memory_space<semaphore_mem>>, %arg14: memref<2x!tpu.dma_semaphore, #tpu.memory_space<semaphore_mem>>) attributes {dimension_semantics = [#tpu.dimension_semantics<core_parallel>, #tpu.dimension_semantics<subcore_parallel>], iteration_bounds = array<i64: 2, 16>, scalar_prefetch = 0 : i64, scratch_operands = 7 : i64, tpu.core_type = #tpu.core_type<sc_vector_subcore>, window_params = [{transform_indices = #map}, {transform_indices = #map}, {transform_indices = #map1}, {transform_indices = #map1}, {transform_indices = #map1}, {transform_indices = #map1}]} {
    %mul3A = arith.constant 2 : i32
    %mul3A_0 = arith.muli %arg1, %mul3A : i32
    %add3A = arith.addi %mul3A_0, %arg0 : i32
    %mul3A_1 = arith.constant 512 : i32
    %mul3A_2 = arith.muli %add3A, %mul3A_1 : i32
    "tpu.region"() ({
      %run_scoped3A = tpu.sem_alloc : memref<!tpu.dma_semaphore, #tpu.memory_space<semaphore_mem>>
      %dma_start3A_791 = tpu.memref_slice %arg2[%mul3A_2] : memref<16384xi32, #tpu.memory_space<hbm>> -> memref<512xi32, #tpu.memory_space<hbm>>
      %dma_start3A_792 = tpu.memref_slice %arg2[%mul3A_2] : memref<16384xi32, #tpu.memory_space<hbm>> -> memref<512xi32, #tpu.memory_space<hbm>>
      tpu.enqueue_dma source(%dma_start3A_792 : memref<512xi32, #tpu.memory_space<hbm>>) target(%arg8 : memref<512xi32, #tpu.memory_space<vmem>>) target_semaphore(%run_scoped3A : memref<!tpu.dma_semaphore, #tpu.memory_space<semaphore_mem>>)
      %dma_wait3A_793 = tpu.memref_slice %arg2[%mul3A_2] : memref<16384xi32, #tpu.memory_space<hbm>> -> memref<512xi32, #tpu.memory_space<hbm>>
      %dma_wait3A_794 = tpu.memref_slice %arg2[%mul3A_2] : memref<16384xi32, #tpu.memory_space<hbm>> -> memref<512xi32, #tpu.memory_space<hbm>>
      tpu.wait_dma2 semaphore(%run_scoped3A : memref<!tpu.dma_semaphore, #tpu.memory_space<semaphore_mem>>) src(%dma_wait3A_794 : memref<512xi32, #tpu.memory_space<hbm>>) dst(%arg8 : memref<512xi32, #tpu.memory_space<vmem>>)
      tpu.yield
    }) : () -> ()
    %get3A = arith.constant 0 : index
    %get3A_3 = tpu.vector_load %arg8[%get3A] {strides = array<i32>} : memref<512xi32, #tpu.memory_space<vmem>>, vector<16xi32>,
    %get3A_4 = vector.shape_cast %get3A_3 : vector<16xi32> to vector<16xi32>
    %add3A_5 = arith.constant 0 : i32
    %add3A_6 = vector.broadcast %add3A_5 : i32 to vector<16xi32>
    %add3A_7 = arith.addi %get3A_4, %add3A_6 : vector<16xi32>
    %swap3A = arith.constant 0 : index
    %swap3A_8 = tpu.vector_load %arg9[%swap3A] {strides = array<i32>} : memref<1024xi32, #tpu.memory_space<vmem>>, vector<16xi32>,
    %swap3A_9 = vector.shape_cast %swap3A_8 : vector<16xi32> to vector<16xi32>
    %swap3A_10 = vector.shape_cast %add3A_7 : vector<16xi32> to vector<16xi32>
    tpu.vector_store %arg9[%swap3A], %swap3A_10 {strides = array<i32>} : memref<1024xi32, #tpu.memory_space<vmem>>, vector<16xi32>,
    %get3A_11 = arith.constant 16 : index
    %get3A_12 = tpu.vector_load %arg8[%get3A_11] {strides = array<i32>} : memref<512xi32, #tpu.memory_space<vmem>>, vector<16xi32>,
    %get3A_13 = vector.shape_cast %get3A_12 : vector<16xi32> to vector<16xi32>
    %add3A_14 = arith.constant 0 : i32
    %add3A_15 = vector.broadcast %add3A_14 : i32 to vector<16xi32>
    %add3A_16 = arith.addi %get3A_13, %add3A_15 : vector<16xi32>
    %swap3A_17 = arith.constant 16 : index
    %swap3A_18 = tpu.vector_load %arg9[%swap3A_17] {strides = array<i32>} : memref<1024xi32, #tpu.memory_space<vmem>>, vector<16xi32>,
    %swap3A_19 = vector.shape_cast %swap3A_18 : vector<16xi32> to vector<16xi32>
    %swap3A_20 = vector.shape_cast %add3A_16 : vector<16xi32> to vector<16xi32>
    tpu.vector_store %arg9[%swap3A_17], %swap3A_20 {strides = array<i32>} : memref<1024xi32, #tpu.memory_space<vmem>>, vector<16xi32>,
    %get3A_21 = arith.constant 32 : index
    %get3A_22 = tpu.vector_load %arg8[%get3A_21] {strides = array<i32>} : memref<512xi32, #tpu.memory_space<vmem>>, vector<16xi32>,
    %get3A_23 = vector.shape_cast %get3A_22 : vector<16xi32> to vector<16xi32>
    %add3A_24 = arith.constant 0 : i32
    %add3A_25 = vector.broadcast %add3A_24 : i32 to vector<16xi32>
    %add3A_26 = arith.addi %get3A_23, %add3A_25 : vector<16xi32>
    %swap3A_27 = arith.constant 32 : index
    %swap3A_28 = tpu.vector_load %arg9[%swap3A_27] {strides = array<i32>} : memref<1024xi32, #tpu.memory_space<vmem>>, vector<16xi32>,
    %swap3A_29 = vector.shape_cast %swap3A_28 : vector<16xi32> to vector<16xi32>
    %swap3A_30 = vector.shape_cast %add3A_26 : vector<16xi32> to vector<16xi32>
    tpu.vector_store %arg9[%swap3A_27], %swap3A_30 {strides = array<i32>} : memref<1024xi32, #tpu.memory_space<vmem>>, vector<16xi32>,
    %get3A_31 = arith.constant 48 : index
    %get3A_32 = tpu.vector_load %arg8[%get3A_31] {strides = array<i32>} : memref<512xi32, #tpu.memory_space<vmem>>, vector<16xi32>,
    %get3A_33 = vector.shape_cast %get3A_32 : vector<16xi32> to vector<16xi32>
    %add3A_34 = arith.constant 0 : i32
    %add3A_35 = vector.broadcast %add3A_34 : i32 to vector<16xi32>
    %add3A_36 = arith.addi %get3A_33, %add3A_35 : vector<16xi32>
    %swap3A_37 = arith.constant 48 : index
    %swap3A_38 = tpu.vector_load %arg9[%swap3A_37] {strides = array<i32>} : memref<1024xi32, #tpu.memory_space<vmem>>, vector<16xi32>,
    %swap3A_39 = vector.shape_cast %swap3A_38 : vector<16xi32> to vector<16xi32>
    %swap3A_40 = vector.shape_cast %add3A_36 : vector<16xi32> to vector<16xi32>
    tpu.vector_store %arg9[%swap3A_37], %swap3A_40 {strides = array<i32>} : memref<1024xi32, #tpu.memory_space<vmem>>, vector<16xi32>,
    %get3A_41 = arith.constant 64 : index
    %get3A_42 = tpu.vector_load %arg8[%get3A_41] {strides = array<i32>} : memref<512xi32, #tpu.memory_space<vmem>>, vector<16xi32>,
    %get3A_43 = vector.shape_cast %get3A_42 : vector<16xi32> to vector<16xi32>
    %add3A_44 = arith.constant 0 : i32
    %add3A_45 = vector.broadcast %add3A_44 : i32 to vector<16xi32>
    %add3A_46 = arith.addi %get3A_43, %add3A_45 : vector<16xi32>
    %swap3A_47 = arith.constant 64 : index
    %swap3A_48 = tpu.vector_load %arg9[%swap3A_47] {strides = array<i32>} : memref<1024xi32, #tpu.memory_space<vmem>>, vector<16xi32>,
    %swap3A_49 = vector.shape_cast %swap3A_48 : vector<16xi32> to vector<16xi32>
    %swap3A_50 = vector.shape_cast %add3A_46 : vector<16xi32> to vector<16xi32>
    tpu.vector_store %arg9[%swap3A_47], %swap3A_50 {strides = array<i32>} : memref<1024xi32, #tpu.memory_space<vmem>>, vector<16xi32>,
    %get3A_51 = arith.constant 80 : index
    %get3A_52 = tpu.vector_load %arg8[%get3A_51] {strides = array<i32>} : memref<512xi32, #tpu.memory_space<vmem>>, vector<16xi32>,
    %get3A_53 = vector.shape_cast %get3A_52 : vector<16xi32> to vector<16xi32>
    %add3A_54 = arith.constant 0 : i32
    %add3A_55 = vector.broadcast %add3A_54 : i32 to vector<16xi32>
    %add3A_56 = arith.addi %get3A_53, %add3A_55 : vector<16xi32>
    %swap3A_57 = arith.constant 80 : index
    %swap3A_58 = tpu.vector_load %arg9[%swap3A_57] {strides = array<i32>} : memref<1024xi32, #tpu.memory_space<vmem>>, vector<16xi32>,
    %swap3A_59 = vector.shape_cast %swap3A_58 : vector<16xi32> to vector<16xi32>
    %swap3A_60 = vector.shape_cast %add3A_56 : vector<16xi32> to vector<16xi32>
    tpu.vector_store %arg9[%swap3A_57], %swap3A_60 {strides = array<i32>} : memref<1024xi32, #tpu.memory_space<vmem>>, vector<16xi32>,
    %get3A_61 = arith.constant 96 : index
    %get3A_62 = tpu.vector_load %arg8[%get3A_61] {strides = array<i32>} : memref<512xi32, #tpu.memory_space<vmem>>, vector<16xi32>,
    %get3A_63 = vector.shape_cast %get3A_62 : vector<16xi32> to vector<16xi32>
    %add3A_64 = arith.constant 0 : i32
    %add3A_65 = vector.broadcast %add3A_64 : i32 to vector<16xi32>
    %add3A_66 = arith.addi %get3A_63, %add3A_65 : vector<16xi32>
    %swap3A_67 = arith.constant 96 : index
    %swap3A_68 = tpu.vector_load %arg9[%swap3A_67] {strides = array<i32>} : memref<1024xi32, #tpu.memory_space<vmem>>, vector<16xi32>,
    %swap3A_69 = vector.shape_cast %swap3A_68 : vector<16xi32> to vector<16xi32>
    %swap3A_70 = vector.shape_cast %add3A_66 : vector<16xi32> to vector<16xi32>
    tpu.vector_store %arg9[%swap3A_67], %swap3A_70 {strides = array<i32>} : memref<1024xi32, #tpu.memory_space<vmem>>, vector<16xi32>,
    %get3A_71 = arith.constant 112 : index
    %get3A_72 = tpu.vector_load %arg8[%get3A_71] {strides = array<i32>} : memref<512xi32, #tpu.memory_space<vmem>>, vector<16xi32>,
    %get3A_73 = vector.shape_cast %get3A_72 : vector<16xi32> to vector<16xi32>
    %add3A_74 = arith.constant 0 : i32
    %add3A_75 = vector.broadcast %add3A_74 : i32 to vector<16xi32>
    %add3A_76 = arith.addi %get3A_73, %add3A_75 : vector<16xi32>
    %swap3A_77 = arith.constant 112 : index
    %swap3A_78 = tpu.vector_load %arg9[%swap3A_77] {strides = array<i32>} : memref<1024xi32, #tpu.memory_space<vmem>>, vector<16xi32>,
    %swap3A_79 = vector.shape_cast %swap3A_78 : vector<16xi32> to vector<16xi32>
    %swap3A_80 = vector.shape_cast %add3A_76 : vector<16xi32> to vector<16xi32>
    tpu.vector_store %arg9[%swap3A_77], %swap3A_80 {strides = array<i32>} : memref<1024xi32, #tpu.memory_space<vmem>>, vector<16xi32>,
    %get3A_81 = arith.constant 128 : index
    %get3A_82 = tpu.vector_load %arg8[%get3A_81] {strides = array<i32>} : memref<512xi32, #tpu.memory_space<vmem>>, vector<16xi32>,
    %get3A_83 = vector.shape_cast %get3A_82 : vector<16xi32> to vector<16xi32>
    %add3A_84 = arith.constant 0 : i32
    %add3A_85 = vector.broadcast %add3A_84 : i32 to vector<16xi32>
    %add3A_86 = arith.addi %get3A_83, %add3A_85 : vector<16xi32>
    %swap3A_87 = arith.constant 128 : index
    %swap3A_88 = tpu.vector_load %arg9[%swap3A_87] {strides = array<i32>} : memref<1024xi32, #tpu.memory_space<vmem>>, vector<16xi32>,
    %swap3A_89 = vector.shape_cast %swap3A_88 : vector<16xi32> to vector<16xi32>
    %swap3A_90 = vector.shape_cast %add3A_86 : vector<16xi32> to vector<16xi32>
    tpu.vector_store %arg9[%swap3A_87], %swap3A_90 {strides = array<i32>} : memref<1024xi32, #tpu.memory_space<vmem>>, vector<16xi32>,
    %get3A_91 = arith.constant 144 : index
    %get3A_92 = tpu.vector_load %arg8[%get3A_91] {strides = array<i32>} : memref<512xi32, #tpu.memory_space<vmem>>, vector<16xi32>,
    %get3A_93 = vector.shape_cast %get3A_92 : vector<16xi32> to vector<16xi32>
    %add3A_94 = arith.constant 0 : i32
    %add3A_95 = vector.broadcast %add3A_94 : i32 to vector<16xi32>
    %add3A_96 = arith.addi %get3A_93, %add3A_95 : vector<16xi32>
    %swap3A_97 = arith.constant 144 : index
    %swap3A_98 = tpu.vector_load %arg9[%swap3A_97] {strides = array<i32>} : memref<1024xi32, #tpu.memory_space<vmem>>, vector<16xi32>,
    %swap3A_99 = vector.shape_cast %swap3A_98 : vector<16xi32> to vector<16xi32>
    %swap3A_100 = vector.shape_cast %add3A_96 : vector<16xi32> to vector<16xi32>
    tpu.vector_store %arg9[%swap3A_97], %swap3A_100 {strides = array<i32>} : memref<1024xi32, #tpu.memory_space<vmem>>, vector<16xi32>,
    %get3A_101 = arith.constant 160 : index
    %get3A_102 = tpu.vector_load %arg8[%get3A_101] {strides = array<i32>} : memref<512xi32, #tpu.memory_space<vmem>>, vector<16xi32>,
    %get3A_103 = vector.shape_cast %get3A_102 : vector<16xi32> to vector<16xi32>
    %add3A_104 = arith.constant 0 : i32
    %add3A_105 = vector.broadcast %add3A_104 : i32 to vector<16xi32>
    %add3A_106 = arith.addi %get3A_103, %add3A_105 : vector<16xi32>
    %swap3A_107 = arith.constant 160 : index
    %swap3A_108 = tpu.vector_load %arg9[%swap3A_107] {strides = array<i32>} : memref<1024xi32, #tpu.memory_space<vmem>>, vector<16xi32>,
    %swap3A_109 = vector.shape_cast %swap3A_108 : vector<16xi32> to vector<16xi32>
    %swap3A_110 = vector.shape_cast %add3A_106 : vector<16xi32> to vector<16xi32>
    tpu.vector_store %arg9[%swap3A_107], %swap3A_110 {strides = array<i32>} : memref<1024xi32, #tpu.memory_space<vmem>>, vector<16xi32>,
    %get3A_111 = arith.constant 176 : index
    %get3A_112 = tpu.vector_load %arg8[%get3A_111] {strides = array<i32>} : memref<512xi32, #tpu.memory_space<vmem>>, vector<16xi32>,
    %get3A_113 = vector.shape_cast %get3A_112 : vector<16xi32> to vector<16xi32>
    %add3A_114 = arith.constant 0 : i32
    %add3A_115 = vector.broadcast %add3A_114 : i32 to vector<16xi32>
    %add3A_116 = arith.addi %get3A_113, %add3A_115 : vector<16xi32>
    %swap3A_117 = arith.constant 176 : index
    %swap3A_118 = tpu.vector_load %arg9[%swap3A_117] {strides = array<i32>} : memref<1024xi32, #tpu.memory_space<vmem>>, vector<16xi32>,
    %swap3A_119 = vector.shape_cast %swap3A_118 : vector<16xi32> to vector<16xi32>
    %swap3A_120 = vector.shape_cast %add3A_116 : vector<16xi32> to vector<16xi32>
    tpu.vector_store %arg9[%swap3A_117], %swap3A_120 {strides = array<i32>} : memref<1024xi32, #tpu.memory_space<vmem>>, vector<16xi32>,
    %get3A_121 = arith.constant 192 : index
    %get3A_122 = tpu.vector_load %arg8[%get3A_121] {strides = array<i32>} : memref<512xi32, #tpu.memory_space<vmem>>, vector<16xi32>,
    %get3A_123 = vector.shape_cast %get3A_122 : vector<16xi32> to vector<16xi32>
    %add3A_124 = arith.constant 0 : i32
    %add3A_125 = vector.broadcast %add3A_124 : i32 to vector<16xi32>
    %add3A_126 = arith.addi %get3A_123, %add3A_125 : vector<16xi32>
    %swap3A_127 = arith.constant 192 : index
    %swap3A_128 = tpu.vector_load %arg9[%swap3A_127] {strides = array<i32>} : memref<1024xi32, #tpu.memory_space<vmem>>, vector<16xi32>,
    %swap3A_129 = vector.shape_cast %swap3A_128 : vector<16xi32> to vector<16xi32>
    %swap3A_130 = vector.shape_cast %add3A_126 : vector<16xi32> to vector<16xi32>
    tpu.vector_store %arg9[%swap3A_127], %swap3A_130 {strides = array<i32>} : memref<1024xi32, #tpu.memory_space<vmem>>, vector<16xi32>,
    %get3A_131 = arith.constant 208 : index
    %get3A_132 = tpu.vector_load %arg8[%get3A_131] {strides = array<i32>} : memref<512xi32, #tpu.memory_space<vmem>>, vector<16xi32>,
    %get3A_133 = vector.shape_cast %get3A_132 : vector<16xi32> to vector<16xi32>
    %add3A_134 = arith.constant 0 : i32
    %add3A_135 = vector.broadcast %add3A_134 : i32 to vector<16xi32>
    %add3A_136 = arith.addi %get3A_133, %add3A_135 : vector<16xi32>
    %swap3A_137 = arith.constant 208 : index
    %swap3A_138 = tpu.vector_load %arg9[%swap3A_137] {strides = array<i32>} : memref<1024xi32, #tpu.memory_space<vmem>>, vector<16xi32>,
    %swap3A_139 = vector.shape_cast %swap3A_138 : vector<16xi32> to vector<16xi32>
    %swap3A_140 = vector.shape_cast %add3A_136 : vector<16xi32> to vector<16xi32>
    tpu.vector_store %arg9[%swap3A_137], %swap3A_140 {strides = array<i32>} : memref<1024xi32, #tpu.memory_space<vmem>>, vector<16xi32>,
    %get3A_141 = arith.constant 224 : index
    %get3A_142 = tpu.vector_load %arg8[%get3A_141] {strides = array<i32>} : memref<512xi32, #tpu.memory_space<vmem>>, vector<16xi32>,
    %get3A_143 = vector.shape_cast %get3A_142 : vector<16xi32> to vector<16xi32>
    %add3A_144 = arith.constant 0 : i32
    %add3A_145 = vector.broadcast %add3A_144 : i32 to vector<16xi32>
    %add3A_146 = arith.addi %get3A_143, %add3A_145 : vector<16xi32>
    %swap3A_147 = arith.constant 224 : index
    %swap3A_148 = tpu.vector_load %arg9[%swap3A_147] {strides = array<i32>} : memref<1024xi32, #tpu.memory_space<vmem>>, vector<16xi32>,
    %swap3A_149 = vector.shape_cast %swap3A_148 : vector<16xi32> to vector<16xi32>
    %swap3A_150 = vector.shape_cast %add3A_146 : vector<16xi32> to vector<16xi32>
    tpu.vector_store %arg9[%swap3A_147], %swap3A_150 {strides = array<i32>} : memref<1024xi32, #tpu.memory_space<vmem>>, vector<16xi32>,
    %get3A_151 = arith.constant 240 : index
    %get3A_152 = tpu.vector_load %arg8[%get3A_151] {strides = array<i32>} : memref<512xi32, #tpu.memory_space<vmem>>, vector<16xi32>,
    %get3A_153 = vector.shape_cast %get3A_152 : vector<16xi32> to vector<16xi32>
    %add3A_154 = arith.constant 0 : i32
    %add3A_155 = vector.broadcast %add3A_154 : i32 to vector<16xi32>
    %add3A_156 = arith.addi %get3A_153, %add3A_155 : vector<16xi32>
    %swap3A_157 = arith.constant 240 : index
    %swap3A_158 = tpu.vector_load %arg9[%swap3A_157] {strides = array<i32>} : memref<1024xi32, #tpu.memory_space<vmem>>, vector<16xi32>,
    %swap3A_159 = vector.shape_cast %swap3A_158 : vector<16xi32> to vector<16xi32>
    %swap3A_160 = vector.shape_cast %add3A_156 : vector<16xi32> to vector<16xi32>
    tpu.vector_store %arg9[%swap3A_157], %swap3A_160 {strides = array<i32>} : memref<1024xi32, #tpu.memory_space<vmem>>, vector<16xi32>,
    %get3A_161 = arith.constant 256 : index
    %get3A_162 = tpu.vector_load %arg8[%get3A_161] {strides = array<i32>} : memref<512xi32, #tpu.memory_space<vmem>>, vector<16xi32>,
    %get3A_163 = vector.shape_cast %get3A_162 : vector<16xi32> to vector<16xi32>
    %add3A_164 = arith.constant 0 : i32
    %add3A_165 = vector.broadcast %add3A_164 : i32 to vector<16xi32>
    %add3A_166 = arith.addi %get3A_163, %add3A_165 : vector<16xi32>
    %swap3A_167 = arith.constant 256 : index
    %swap3A_168 = tpu.vector_load %arg9[%swap3A_167] {strides = array<i32>} : memref<1024xi32, #tpu.memory_space<vmem>>, vector<16xi32>,
    %swap3A_169 = vector.shape_cast %swap3A_168 : vector<16xi32> to vector<16xi32>
    %swap3A_170 = vector.shape_cast %add3A_166 : vector<16xi32> to vector<16xi32>
    tpu.vector_store %arg9[%swap3A_167], %swap3A_170 {strides = array<i32>} : memref<1024xi32, #tpu.memory_space<vmem>>, vector<16xi32>,
    %get3A_171 = arith.constant 272 : index
    %get3A_172 = tpu.vector_load %arg8[%get3A_171] {strides = array<i32>} : memref<512xi32, #tpu.memory_space<vmem>>, vector<16xi32>,
    %get3A_173 = vector.shape_cast %get3A_172 : vector<16xi32> to vector<16xi32>
    %add3A_174 = arith.constant 0 : i32
    %add3A_175 = vector.broadcast %add3A_174 : i32 to vector<16xi32>
    %add3A_176 = arith.addi %get3A_173, %add3A_175 : vector<16xi32>
    %swap3A_177 = arith.constant 272 : index
    %swap3A_178 = tpu.vector_load %arg9[%swap3A_177] {strides = array<i32>} : memref<1024xi32, #tpu.memory_space<vmem>>, vector<16xi32>,
    %swap3A_179 = vector.shape_cast %swap3A_178 : vector<16xi32> to vector<16xi32>
    %swap3A_180 = vector.shape_cast %add3A_176 : vector<16xi32> to vector<16xi32>
    tpu.vector_store %arg9[%swap3A_177], %swap3A_180 {strides = array<i32>} : memref<1024xi32, #tpu.memory_space<vmem>>, vector<16xi32>,
    %get3A_181 = arith.constant 288 : index
    %get3A_182 = tpu.vector_load %arg8[%get3A_181] {strides = array<i32>} : memref<512xi32, #tpu.memory_space<vmem>>, vector<16xi32>,
    %get3A_183 = vector.shape_cast %get3A_182 : vector<16xi32> to vector<16xi32>
    %add3A_184 = arith.constant 0 : i32
    %add3A_185 = vector.broadcast %add3A_184 : i32 to vector<16xi32>
    %add3A_186 = arith.addi %get3A_183, %add3A_185 : vector<16xi32>
    %swap3A_187 = arith.constant 288 : index
    %swap3A_188 = tpu.vector_load %arg9[%swap3A_187] {strides = array<i32>} : memref<1024xi32, #tpu.memory_space<vmem>>, vector<16xi32>,
    %swap3A_189 = vector.shape_cast %swap3A_188 : vector<16xi32> to vector<16xi32>
    %swap3A_190 = vector.shape_cast %add3A_186 : vector<16xi32> to vector<16xi32>
    tpu.vector_store %arg9[%swap3A_187], %swap3A_190 {strides = array<i32>} : memref<1024xi32, #tpu.memory_space<vmem>>, vector<16xi32>,
    %get3A_191 = arith.constant 304 : index
    %get3A_192 = tpu.vector_load %arg8[%get3A_191] {strides = array<i32>} : memref<512xi32, #tpu.memory_space<vmem>>, vector<16xi32>,
    %get3A_193 = vector.shape_cast %get3A_192 : vector<16xi32> to vector<16xi32>
    %add3A_194 = arith.constant 0 : i32
    %add3A_195 = vector.broadcast %add3A_194 : i32 to vector<16xi32>
    %add3A_196 = arith.addi %get3A_193, %add3A_195 : vector<16xi32>
    %swap3A_197 = arith.constant 304 : index
    %swap3A_198 = tpu.vector_load %arg9[%swap3A_197] {strides = array<i32>} : memref<1024xi32, #tpu.memory_space<vmem>>, vector<16xi32>,
    %swap3A_199 = vector.shape_cast %swap3A_198 : vector<16xi32> to vector<16xi32>
    %swap3A_200 = vector.shape_cast %add3A_196 : vector<16xi32> to vector<16xi32>
    tpu.vector_store %arg9[%swap3A_197], %swap3A_200 {strides = array<i32>} : memref<1024xi32, #tpu.memory_space<vmem>>, vector<16xi32>,
    %get3A_201 = arith.constant 320 : index
    %get3A_202 = tpu.vector_load %arg8[%get3A_201] {strides = array<i32>} : memref<512xi32, #tpu.memory_space<vmem>>, vector<16xi32>,
    %get3A_203 = vector.shape_cast %get3A_202 : vector<16xi32> to vector<16xi32>
    %add3A_204 = arith.constant 0 : i32
    %add3A_205 = vector.broadcast %add3A_204 : i32 to vector<16xi32>
    %add3A_206 = arith.addi %get3A_203, %add3A_205 : vector<16xi32>
    %swap3A_207 = arith.constant 320 : index
    %swap3A_208 = tpu.vector_load %arg9[%swap3A_207] {strides = array<i32>} : memref<1024xi32, #tpu.memory_space<vmem>>, vector<16xi32>,
    %swap3A_209 = vector.shape_cast %swap3A_208 : vector<16xi32> to vector<16xi32>
    %swap3A_210 = vector.shape_cast %add3A_206 : vector<16xi32> to vector<16xi32>
    tpu.vector_store %arg9[%swap3A_207], %swap3A_210 {strides = array<i32>} : memref<1024xi32, #tpu.memory_space<vmem>>, vector<16xi32>,
    %get3A_211 = arith.constant 336 : index
    %get3A_212 = tpu.vector_load %arg8[%get3A_211] {strides = array<i32>} : memref<512xi32, #tpu.memory_space<vmem>>, vector<16xi32>,
    %get3A_213 = vector.shape_cast %get3A_212 : vector<16xi32> to vector<16xi32>
    %add3A_214 = arith.constant 0 : i32
    %add3A_215 = vector.broadcast %add3A_214 : i32 to vector<16xi32>
    %add3A_216 = arith.addi %get3A_213, %add3A_215 : vector<16xi32>
    %swap3A_217 = arith.constant 336 : index
    %swap3A_218 = tpu.vector_load %arg9[%swap3A_217] {strides = array<i32>} : memref<1024xi32, #tpu.memory_space<vmem>>, vector<16xi32>,
    %swap3A_219 = vector.shape_cast %swap3A_218 : vector<16xi32> to vector<16xi32>
    %swap3A_220 = vector.shape_cast %add3A_216 : vector<16xi32> to vector<16xi32>
    tpu.vector_store %arg9[%swap3A_217], %swap3A_220 {strides = array<i32>} : memref<1024xi32, #tpu.memory_space<vmem>>, vector<16xi32>,
    %get3A_221 = arith.constant 352 : index
    %get3A_222 = tpu.vector_load %arg8[%get3A_221] {strides = array<i32>} : memref<512xi32, #tpu.memory_space<vmem>>, vector<16xi32>,
    %get3A_223 = vector.shape_cast %get3A_222 : vector<16xi32> to vector<16xi32>
    %add3A_224 = arith.constant 0 : i32
    %add3A_225 = vector.broadcast %add3A_224 : i32 to vector<16xi32>
    %add3A_226 = arith.addi %get3A_223, %add3A_225 : vector<16xi32>
    %swap3A_227 = arith.constant 352 : index
    %swap3A_228 = tpu.vector_load %arg9[%swap3A_227] {strides = array<i32>} : memref<1024xi32, #tpu.memory_space<vmem>>, vector<16xi32>,
    %swap3A_229 = vector.shape_cast %swap3A_228 : vector<16xi32> to vector<16xi32>
    %swap3A_230 = vector.shape_cast %add3A_226 : vector<16xi32> to vector<16xi32>
    tpu.vector_store %arg9[%swap3A_227], %swap3A_230 {strides = array<i32>} : memref<1024xi32, #tpu.memory_space<vmem>>, vector<16xi32>,
    %get3A_231 = arith.constant 368 : index
    %get3A_232 = tpu.vector_load %arg8[%get3A_231] {strides = array<i32>} : memref<512xi32, #tpu.memory_space<vmem>>, vector<16xi32>,
    %get3A_233 = vector.shape_cast %get3A_232 : vector<16xi32> to vector<16xi32>
    %add3A_234 = arith.constant 0 : i32
    %add3A_235 = vector.broadcast %add3A_234 : i32 to vector<16xi32>
    %add3A_236 = arith.addi %get3A_233, %add3A_235 : vector<16xi32>
    %swap3A_237 = arith.constant 368 : index
    %swap3A_238 = tpu.vector_load %arg9[%swap3A_237] {strides = array<i32>} : memref<1024xi32, #tpu.memory_space<vmem>>, vector<16xi32>,
    %swap3A_239 = vector.shape_cast %swap3A_238 : vector<16xi32> to vector<16xi32>
    %swap3A_240 = vector.shape_cast %add3A_236 : vector<16xi32> to vector<16xi32>
    tpu.vector_store %arg9[%swap3A_237], %swap3A_240 {strides = array<i32>} : memref<1024xi32, #tpu.memory_space<vmem>>, vector<16xi32>,
    %get3A_241 = arith.constant 384 : index
    %get3A_242 = tpu.vector_load %arg8[%get3A_241] {strides = array<i32>} : memref<512xi32, #tpu.memory_space<vmem>>, vector<16xi32>,
    %get3A_243 = vector.shape_cast %get3A_242 : vector<16xi32> to vector<16xi32>
    %add3A_244 = arith.constant 0 : i32
    %add3A_245 = vector.broadcast %add3A_244 : i32 to vector<16xi32>
    %add3A_246 = arith.addi %get3A_243, %add3A_245 : vector<16xi32>
    %swap3A_247 = arith.constant 384 : index
    %swap3A_248 = tpu.vector_load %arg9[%swap3A_247] {strides = array<i32>} : memref<1024xi32, #tpu.memory_space<vmem>>, vector<16xi32>,
    %swap3A_249 = vector.shape_cast %swap3A_248 : vector<16xi32> to vector<16xi32>
    %swap3A_250 = vector.shape_cast %add3A_246 : vector<16xi32> to vector<16xi32>
    tpu.vector_store %arg9[%swap3A_247], %swap3A_250 {strides = array<i32>} : memref<1024xi32, #tpu.memory_space<vmem>>, vector<16xi32>,
    %get3A_251 = arith.constant 400 : index
    %get3A_252 = tpu.vector_load %arg8[%get3A_251] {strides = array<i32>} : memref<512xi32, #tpu.memory_space<vmem>>, vector<16xi32>,
    %get3A_253 = vector.shape_cast %get3A_252 : vector<16xi32> to vector<16xi32>
    %add3A_254 = arith.constant 0 : i32
    %add3A_255 = vector.broadcast %add3A_254 : i32 to vector<16xi32>
    %add3A_256 = arith.addi %get3A_253, %add3A_255 : vector<16xi32>
    %swap3A_257 = arith.constant 400 : index
    %swap3A_258 = tpu.vector_load %arg9[%swap3A_257] {strides = array<i32>} : memref<1024xi32, #tpu.memory_space<vmem>>, vector<16xi32>,
    %swap3A_259 = vector.shape_cast %swap3A_258 : vector<16xi32> to vector<16xi32>
    %swap3A_260 = vector.shape_cast %add3A_256 : vector<16xi32> to vector<16xi32>
    tpu.vector_store %arg9[%swap3A_257], %swap3A_260 {strides = array<i32>} : memref<1024xi32, #tpu.memory_space<vmem>>, vector<16xi32>,
    %get3A_261 = arith.constant 416 : index
    %get3A_262 = tpu.vector_load %arg8[%get3A_261] {strides = array<i32>} : memref<512xi32, #tpu.memory_space<vmem>>, vector<16xi32>,
    %get3A_263 = vector.shape_cast %get3A_262 : vector<16xi32> to vector<16xi32>
    %add3A_264 = arith.constant 0 : i32
    %add3A_265 = vector.broadcast %add3A_264 : i32 to vector<16xi32>
    %add3A_266 = arith.addi %get3A_263, %add3A_265 : vector<16xi32>
    %swap3A_267 = arith.constant 416 : index
    %swap3A_268 = tpu.vector_load %arg9[%swap3A_267] {strides = array<i32>} : memref<1024xi32, #tpu.memory_space<vmem>>, vector<16xi32>,
    %swap3A_269 = vector.shape_cast %swap3A_268 : vector<16xi32> to vector<16xi32>
    %swap3A_270 = vector.shape_cast %add3A_266 : vector<16xi32> to vector<16xi32>
    tpu.vector_store %arg9[%swap3A_267], %swap3A_270 {strides = array<i32>} : memref<1024xi32, #tpu.memory_space<vmem>>, vector<16xi32>,
    %get3A_271 = arith.constant 432 : index
    %get3A_272 = tpu.vector_load %arg8[%get3A_271] {strides = array<i32>} : memref<512xi32, #tpu.memory_space<vmem>>, vector<16xi32>,
    %get3A_273 = vector.shape_cast %get3A_272 : vector<16xi32> to vector<16xi32>
    %add3A_274 = arith.constant 0 : i32
    %add3A_275 = vector.broadcast %add3A_274 : i32 to vector<16xi32>
    %add3A_276 = arith.addi %get3A_273, %add3A_275 : vector<16xi32>
    %swap3A_277 = arith.constant 432 : index
    %swap3A_278 = tpu.vector_load %arg9[%swap3A_277] {strides = array<i32>} : memref<1024xi32, #tpu.memory_space<vmem>>, vector<16xi32>,
    %swap3A_279 = vector.shape_cast %swap3A_278 : vector<16xi32> to vector<16xi32>
    %swap3A_280 = vector.shape_cast %add3A_276 : vector<16xi32> to vector<16xi32>
    tpu.vector_store %arg9[%swap3A_277], %swap3A_280 {strides = array<i32>} : memref<1024xi32, #tpu.memory_space<vmem>>, vector<16xi32>,
    %get3A_281 = arith.constant 448 : index
    %get3A_282 = tpu.vector_load %arg8[%get3A_281] {strides = array<i32>} : memref<512xi32, #tpu.memory_space<vmem>>, vector<16xi32>,
    %get3A_283 = vector.shape_cast %get3A_282 : vector<16xi32> to vector<16xi32>
    %add3A_284 = arith.constant 0 : i32
    %add3A_285 = vector.broadcast %add3A_284 : i32 to vector<16xi32>
    %add3A_286 = arith.addi %get3A_283, %add3A_285 : vector<16xi32>
    %swap3A_287 = arith.constant 448 : index
    %swap3A_288 = tpu.vector_load %arg9[%swap3A_287] {strides = array<i32>} : memref<1024xi32, #tpu.memory_space<vmem>>, vector<16xi32>,
    %swap3A_289 = vector.shape_cast %swap3A_288 : vector<16xi32> to vector<16xi32>
    %swap3A_290 = vector.shape_cast %add3A_286 : vector<16xi32> to vector<16xi32>
    tpu.vector_store %arg9[%swap3A_287], %swap3A_290 {strides = array<i32>} : memref<1024xi32, #tpu.memory_space<vmem>>, vector<16xi32>,
    %get3A_291 = arith.constant 464 : index
    %get3A_292 = tpu.vector_load %arg8[%get3A_291] {strides = array<i32>} : memref<512xi32, #tpu.memory_space<vmem>>, vector<16xi32>,
    %get3A_293 = vector.shape_cast %get3A_292 : vector<16xi32> to vector<16xi32>
    %add3A_294 = arith.constant 0 : i32
    %add3A_295 = vector.broadcast %add3A_294 : i32 to vector<16xi32>
    %add3A_296 = arith.addi %get3A_293, %add3A_295 : vector<16xi32>
    %swap3A_297 = arith.constant 464 : index
    %swap3A_298 = tpu.vector_load %arg9[%swap3A_297] {strides = array<i32>} : memref<1024xi32, #tpu.memory_space<vmem>>, vector<16xi32>,
    %swap3A_299 = vector.shape_cast %swap3A_298 : vector<16xi32> to vector<16xi32>
    %swap3A_300 = vector.shape_cast %add3A_296 : vector<16xi32> to vector<16xi32>
    tpu.vector_store %arg9[%swap3A_297], %swap3A_300 {strides = array<i32>} : memref<1024xi32, #tpu.memory_space<vmem>>, vector<16xi32>,
    %get3A_301 = arith.constant 480 : index
    %get3A_302 = tpu.vector_load %arg8[%get3A_301] {strides = array<i32>} : memref<512xi32, #tpu.memory_space<vmem>>, vector<16xi32>,
    %get3A_303 = vector.shape_cast %get3A_302 : vector<16xi32> to vector<16xi32>
    %add3A_304 = arith.constant 0 : i32
    %add3A_305 = vector.broadcast %add3A_304 : i32 to vector<16xi32>
    %add3A_306 = arith.addi %get3A_303, %add3A_305 : vector<16xi32>
    %swap3A_307 = arith.constant 480 : index
    %swap3A_308 = tpu.vector_load %arg9[%swap3A_307] {strides = array<i32>} : memref<1024xi32, #tpu.memory_space<vmem>>, vector<16xi32>,
    %swap3A_309 = vector.shape_cast %swap3A_308 : vector<16xi32> to vector<16xi32>
    %swap3A_310 = vector.shape_cast %add3A_306 : vector<16xi32> to vector<16xi32>
    tpu.vector_store %arg9[%swap3A_307], %swap3A_310 {strides = array<i32>} : memref<1024xi32, #tpu.memory_space<vmem>>, vector<16xi32>,
    %get3A_311 = arith.constant 496 : index
    %get3A_312 = tpu.vector_load %arg8[%get3A_311] {strides = array<i32>} : memref<512xi32, #tpu.memory_space<vmem>>, vector<16xi32>,
    %get3A_313 = vector.shape_cast %get3A_312 : vector<16xi32> to vector<16xi32>
    %add3A_314 = arith.constant 0 : i32
    %add3A_315 = vector.broadcast %add3A_314 : i32 to vector<16xi32>
    %add3A_316 = arith.addi %get3A_313, %add3A_315 : vector<16xi32>
    %swap3A_317 = arith.constant 496 : index
    %swap3A_318 = tpu.vector_load %arg9[%swap3A_317] {strides = array<i32>} : memref<1024xi32, #tpu.memory_space<vmem>>, vector<16xi32>,
    %swap3A_319 = vector.shape_cast %swap3A_318 : vector<16xi32> to vector<16xi32>
    %swap3A_320 = vector.shape_cast %add3A_316 : vector<16xi32> to vector<16xi32>
    tpu.vector_store %arg9[%swap3A_317], %swap3A_320 {strides = array<i32>} : memref<1024xi32, #tpu.memory_space<vmem>>, vector<16xi32>,
    %get3A_321 = arith.constant 0 : index
    %get3A_322 = tpu.vector_load %arg8[%get3A_321] {strides = array<i32>} : memref<512xi32, #tpu.memory_space<vmem>>, vector<16xi32>,
    %get3A_323 = vector.shape_cast %get3A_322 : vector<16xi32> to vector<16xi32>
    %add3A_324 = arith.constant 10000 : i32
    %add3A_325 = vector.broadcast %add3A_324 : i32 to vector<16xi32>
    %add3A_326 = arith.addi %get3A_323, %add3A_325 : vector<16xi32>
    %swap3A_327 = arith.constant 512 : index
    %swap3A_328 = tpu.vector_load %arg9[%swap3A_327] {strides = array<i32>} : memref<1024xi32, #tpu.memory_space<vmem>>, vector<16xi32>,
    %swap3A_329 = vector.shape_cast %swap3A_328 : vector<16xi32> to vector<16xi32>
    %swap3A_330 = vector.shape_cast %add3A_326 : vector<16xi32> to vector<16xi32>
    tpu.vector_store %arg9[%swap3A_327], %swap3A_330 {strides = array<i32>} : memref<1024xi32, #tpu.memory_space<vmem>>, vector<16xi32>,
    %get3A_331 = arith.constant 16 : index
    %get3A_332 = tpu.vector_load %arg8[%get3A_331] {strides = array<i32>} : memref<512xi32, #tpu.memory_space<vmem>>, vector<16xi32>,
    %get3A_333 = vector.shape_cast %get3A_332 : vector<16xi32> to vector<16xi32>
    %add3A_334 = arith.constant 10000 : i32
    %add3A_335 = vector.broadcast %add3A_334 : i32 to vector<16xi32>
    %add3A_336 = arith.addi %get3A_333, %add3A_335 : vector<16xi32>
    %swap3A_337 = arith.constant 528 : index
    %swap3A_338 = tpu.vector_load %arg9[%swap3A_337] {strides = array<i32>} : memref<1024xi32, #tpu.memory_space<vmem>>, vector<16xi32>,
    %swap3A_339 = vector.shape_cast %swap3A_338 : vector<16xi32> to vector<16xi32>
    %swap3A_340 = vector.shape_cast %add3A_336 : vector<16xi32> to vector<16xi32>
    tpu.vector_store %arg9[%swap3A_337], %swap3A_340 {strides = array<i32>} : memref<1024xi32, #tpu.memory_space<vmem>>, vector<16xi32>,
    %get3A_341 = arith.constant 32 : index
    %get3A_342 = tpu.vector_load %arg8[%get3A_341] {strides = array<i32>} : memref<512xi32, #tpu.memory_space<vmem>>, vector<16xi32>,
    %get3A_343 = vector.shape_cast %get3A_342 : vector<16xi32> to vector<16xi32>
    %add3A_344 = arith.constant 10000 : i32
    %add3A_345 = vector.broadcast %add3A_344 : i32 to vector<16xi32>
    %add3A_346 = arith.addi %get3A_343, %add3A_345 : vector<16xi32>
    %swap3A_347 = arith.constant 544 : index
    %swap3A_348 = tpu.vector_load %arg9[%swap3A_347] {strides = array<i32>} : memref<1024xi32, #tpu.memory_space<vmem>>, vector<16xi32>,
    %swap3A_349 = vector.shape_cast %swap3A_348 : vector<16xi32> to vector<16xi32>
    %swap3A_350 = vector.shape_cast %add3A_346 : vector<16xi32> to vector<16xi32>
    tpu.vector_store %arg9[%swap3A_347], %swap3A_350 {strides = array<i32>} : memref<1024xi32, #tpu.memory_space<vmem>>, vector<16xi32>,
    %get3A_351 = arith.constant 48 : index
    %get3A_352 = tpu.vector_load %arg8[%get3A_351] {strides = array<i32>} : memref<512xi32, #tpu.memory_space<vmem>>, vector<16xi32>,
    %get3A_353 = vector.shape_cast %get3A_352 : vector<16xi32> to vector<16xi32>
    %add3A_354 = arith.constant 10000 : i32
    %add3A_355 = vector.broadcast %add3A_354 : i32 to vector<16xi32>
    %add3A_356 = arith.addi %get3A_353, %add3A_355 : vector<16xi32>
    %swap3A_357 = arith.constant 560 : index
    %swap3A_358 = tpu.vector_load %arg9[%swap3A_357] {strides = array<i32>} : memref<1024xi32, #tpu.memory_space<vmem>>, vector<16xi32>,
    %swap3A_359 = vector.shape_cast %swap3A_358 : vector<16xi32> to vector<16xi32>
    %swap3A_360 = vector.shape_cast %add3A_356 : vector<16xi32> to vector<16xi32>
    tpu.vector_store %arg9[%swap3A_357], %swap3A_360 {strides = array<i32>} : memref<1024xi32, #tpu.memory_space<vmem>>, vector<16xi32>,
    %get3A_361 = arith.constant 64 : index
    %get3A_362 = tpu.vector_load %arg8[%get3A_361] {strides = array<i32>} : memref<512xi32, #tpu.memory_space<vmem>>, vector<16xi32>,
    %get3A_363 = vector.shape_cast %get3A_362 : vector<16xi32> to vector<16xi32>
    %add3A_364 = arith.constant 10000 : i32
    %add3A_365 = vector.broadcast %add3A_364 : i32 to vector<16xi32>
    %add3A_366 = arith.addi %get3A_363, %add3A_365 : vector<16xi32>
    %swap3A_367 = arith.constant 576 : index
    %swap3A_368 = tpu.vector_load %arg9[%swap3A_367] {strides = array<i32>} : memref<1024xi32, #tpu.memory_space<vmem>>, vector<16xi32>,
    %swap3A_369 = vector.shape_cast %swap3A_368 : vector<16xi32> to vector<16xi32>
    %swap3A_370 = vector.shape_cast %add3A_366 : vector<16xi32> to vector<16xi32>
    tpu.vector_store %arg9[%swap3A_367], %swap3A_370 {strides = array<i32>} : memref<1024xi32, #tpu.memory_space<vmem>>, vector<16xi32>,
    %get3A_371 = arith.constant 80 : index
    %get3A_372 = tpu.vector_load %arg8[%get3A_371] {strides = array<i32>} : memref<512xi32, #tpu.memory_space<vmem>>, vector<16xi32>,
    %get3A_373 = vector.shape_cast %get3A_372 : vector<16xi32> to vector<16xi32>
    %add3A_374 = arith.constant 10000 : i32
    %add3A_375 = vector.broadcast %add3A_374 : i32 to vector<16xi32>
    %add3A_376 = arith.addi %get3A_373, %add3A_375 : vector<16xi32>
    %swap3A_377 = arith.constant 592 : index
    %swap3A_378 = tpu.vector_load %arg9[%swap3A_377] {strides = array<i32>} : memref<1024xi32, #tpu.memory_space<vmem>>, vector<16xi32>,
    %swap3A_379 = vector.shape_cast %swap3A_378 : vector<16xi32> to vector<16xi32>
    %swap3A_380 = vector.shape_cast %add3A_376 : vector<16xi32> to vector<16xi32>
    tpu.vector_store %arg9[%swap3A_377], %swap3A_380 {strides = array<i32>} : memref<1024xi32, #tpu.memory_space<vmem>>, vector<16xi32>,
    %get3A_381 = arith.constant 96 : index
    %get3A_382 = tpu.vector_load %arg8[%get3A_381] {strides = array<i32>} : memref<512xi32, #tpu.memory_space<vmem>>, vector<16xi32>,
    %get3A_383 = vector.shape_cast %get3A_382 : vector<16xi32> to vector<16xi32>
    %add3A_384 = arith.constant 10000 : i32
    %add3A_385 = vector.broadcast %add3A_384 : i32 to vector<16xi32>
    %add3A_386 = arith.addi %get3A_383, %add3A_385 : vector<16xi32>
    %swap3A_387 = arith.constant 608 : index
    %swap3A_388 = tpu.vector_load %arg9[%swap3A_387] {strides = array<i32>} : memref<1024xi32, #tpu.memory_space<vmem>>, vector<16xi32>,
    %swap3A_389 = vector.shape_cast %swap3A_388 : vector<16xi32> to vector<16xi32>
    %swap3A_390 = vector.shape_cast %add3A_386 : vector<16xi32> to vector<16xi32>
    tpu.vector_store %arg9[%swap3A_387], %swap3A_390 {strides = array<i32>} : memref<1024xi32, #tpu.memory_space<vmem>>, vector<16xi32>,
    %get3A_391 = arith.constant 112 : index
    %get3A_392 = tpu.vector_load %arg8[%get3A_391] {strides = array<i32>} : memref<512xi32, #tpu.memory_space<vmem>>, vector<16xi32>,
    %get3A_393 = vector.shape_cast %get3A_392 : vector<16xi32> to vector<16xi32>
    %add3A_394 = arith.constant 10000 : i32
    %add3A_395 = vector.broadcast %add3A_394 : i32 to vector<16xi32>
    %add3A_396 = arith.addi %get3A_393, %add3A_395 : vector<16xi32>
    %swap3A_397 = arith.constant 624 : index
    %swap3A_398 = tpu.vector_load %arg9[%swap3A_397] {strides = array<i32>} : memref<1024xi32, #tpu.memory_space<vmem>>, vector<16xi32>,
    %swap3A_399 = vector.shape_cast %swap3A_398 : vector<16xi32> to vector<16xi32>
    %swap3A_400 = vector.shape_cast %add3A_396 : vector<16xi32> to vector<16xi32>
    tpu.vector_store %arg9[%swap3A_397], %swap3A_400 {strides = array<i32>} : memref<1024xi32, #tpu.memory_space<vmem>>, vector<16xi32>,
    %get3A_401 = arith.constant 128 : index
    %get3A_402 = tpu.vector_load %arg8[%get3A_401] {strides = array<i32>} : memref<512xi32, #tpu.memory_space<vmem>>, vector<16xi32>,
    %get3A_403 = vector.shape_cast %get3A_402 : vector<16xi32> to vector<16xi32>
    %add3A_404 = arith.constant 10000 : i32
    %add3A_405 = vector.broadcast %add3A_404 : i32 to vector<16xi32>
    %add3A_406 = arith.addi %get3A_403, %add3A_405 : vector<16xi32>
    %swap3A_407 = arith.constant 640 : index
    %swap3A_408 = tpu.vector_load %arg9[%swap3A_407] {strides = array<i32>} : memref<1024xi32, #tpu.memory_space<vmem>>, vector<16xi32>,
    %swap3A_409 = vector.shape_cast %swap3A_408 : vector<16xi32> to vector<16xi32>
    %swap3A_410 = vector.shape_cast %add3A_406 : vector<16xi32> to vector<16xi32>
    tpu.vector_store %arg9[%swap3A_407], %swap3A_410 {strides = array<i32>} : memref<1024xi32, #tpu.memory_space<vmem>>, vector<16xi32>,
    %get3A_411 = arith.constant 144 : index
    %get3A_412 = tpu.vector_load %arg8[%get3A_411] {strides = array<i32>} : memref<512xi32, #tpu.memory_space<vmem>>, vector<16xi32>,
    %get3A_413 = vector.shape_cast %get3A_412 : vector<16xi32> to vector<16xi32>
    %add3A_414 = arith.constant 10000 : i32
    %add3A_415 = vector.broadcast %add3A_414 : i32 to vector<16xi32>
    %add3A_416 = arith.addi %get3A_413, %add3A_415 : vector<16xi32>
    %swap3A_417 = arith.constant 656 : index
    %swap3A_418 = tpu.vector_load %arg9[%swap3A_417] {strides = array<i32>} : memref<1024xi32, #tpu.memory_space<vmem>>, vector<16xi32>,
    %swap3A_419 = vector.shape_cast %swap3A_418 : vector<16xi32> to vector<16xi32>
    %swap3A_420 = vector.shape_cast %add3A_416 : vector<16xi32> to vector<16xi32>
    tpu.vector_store %arg9[%swap3A_417], %swap3A_420 {strides = array<i32>} : memref<1024xi32, #tpu.memory_space<vmem>>, vector<16xi32>,
    %get3A_421 = arith.constant 160 : index
    %get3A_422 = tpu.vector_load %arg8[%get3A_421] {strides = array<i32>} : memref<512xi32, #tpu.memory_space<vmem>>, vector<16xi32>,
    %get3A_423 = vector.shape_cast %get3A_422 : vector<16xi32> to vector<16xi32>
    %add3A_424 = arith.constant 10000 : i32
    %add3A_425 = vector.broadcast %add3A_424 : i32 to vector<16xi32>
    %add3A_426 = arith.addi %get3A_423, %add3A_425 : vector<16xi32>
    %swap3A_427 = arith.constant 672 : index
    %swap3A_428 = tpu.vector_load %arg9[%swap3A_427] {strides = array<i32>} : memref<1024xi32, #tpu.memory_space<vmem>>, vector<16xi32>,
    %swap3A_429 = vector.shape_cast %swap3A_428 : vector<16xi32> to vector<16xi32>
    %swap3A_430 = vector.shape_cast %add3A_426 : vector<16xi32> to vector<16xi32>
    tpu.vector_store %arg9[%swap3A_427], %swap3A_430 {strides = array<i32>} : memref<1024xi32, #tpu.memory_space<vmem>>, vector<16xi32>,
    %get3A_431 = arith.constant 176 : index
    %get3A_432 = tpu.vector_load %arg8[%get3A_431] {strides = array<i32>} : memref<512xi32, #tpu.memory_space<vmem>>, vector<16xi32>,
    %get3A_433 = vector.shape_cast %get3A_432 : vector<16xi32> to vector<16xi32>
    %add3A_434 = arith.constant 10000 : i32
    %add3A_435 = vector.broadcast %add3A_434 : i32 to vector<16xi32>
    %add3A_436 = arith.addi %get3A_433, %add3A_435 : vector<16xi32>
    %swap3A_437 = arith.constant 688 : index
    %swap3A_438 = tpu.vector_load %arg9[%swap3A_437] {strides = array<i32>} : memref<1024xi32, #tpu.memory_space<vmem>>, vector<16xi32>,
    %swap3A_439 = vector.shape_cast %swap3A_438 : vector<16xi32> to vector<16xi32>
    %swap3A_440 = vector.shape_cast %add3A_436 : vector<16xi32> to vector<16xi32>
    tpu.vector_store %arg9[%swap3A_437], %swap3A_440 {strides = array<i32>} : memref<1024xi32, #tpu.memory_space<vmem>>, vector<16xi32>,
    %get3A_441 = arith.constant 192 : index
    %get3A_442 = tpu.vector_load %arg8[%get3A_441] {strides = array<i32>} : memref<512xi32, #tpu.memory_space<vmem>>, vector<16xi32>,
    %get3A_443 = vector.shape_cast %get3A_442 : vector<16xi32> to vector<16xi32>
    %add3A_444 = arith.constant 10000 : i32
    %add3A_445 = vector.broadcast %add3A_444 : i32 to vector<16xi32>
    %add3A_446 = arith.addi %get3A_443, %add3A_445 : vector<16xi32>
    %swap3A_447 = arith.constant 704 : index
    %swap3A_448 = tpu.vector_load %arg9[%swap3A_447] {strides = array<i32>} : memref<1024xi32, #tpu.memory_space<vmem>>, vector<16xi32>,
    %swap3A_449 = vector.shape_cast %swap3A_448 : vector<16xi32> to vector<16xi32>
    %swap3A_450 = vector.shape_cast %add3A_446 : vector<16xi32> to vector<16xi32>
    tpu.vector_store %arg9[%swap3A_447], %swap3A_450 {strides = array<i32>} : memref<1024xi32, #tpu.memory_space<vmem>>, vector<16xi32>,
    %get3A_451 = arith.constant 208 : index
    %get3A_452 = tpu.vector_load %arg8[%get3A_451] {strides = array<i32>} : memref<512xi32, #tpu.memory_space<vmem>>, vector<16xi32>,
    %get3A_453 = vector.shape_cast %get3A_452 : vector<16xi32> to vector<16xi32>
    %add3A_454 = arith.constant 10000 : i32
    %add3A_455 = vector.broadcast %add3A_454 : i32 to vector<16xi32>
    %add3A_456 = arith.addi %get3A_453, %add3A_455 : vector<16xi32>
    %swap3A_457 = arith.constant 720 : index
    %swap3A_458 = tpu.vector_load %arg9[%swap3A_457] {strides = array<i32>} : memref<1024xi32, #tpu.memory_space<vmem>>, vector<16xi32>,
    %swap3A_459 = vector.shape_cast %swap3A_458 : vector<16xi32> to vector<16xi32>
    %swap3A_460 = vector.shape_cast %add3A_456 : vector<16xi32> to vector<16xi32>
    tpu.vector_store %arg9[%swap3A_457], %swap3A_460 {strides = array<i32>} : memref<1024xi32, #tpu.memory_space<vmem>>, vector<16xi32>,
    %get3A_461 = arith.constant 224 : index
    %get3A_462 = tpu.vector_load %arg8[%get3A_461] {strides = array<i32>} : memref<512xi32, #tpu.memory_space<vmem>>, vector<16xi32>,
    %get3A_463 = vector.shape_cast %get3A_462 : vector<16xi32> to vector<16xi32>
    %add3A_464 = arith.constant 10000 : i32
    %add3A_465 = vector.broadcast %add3A_464 : i32 to vector<16xi32>
    %add3A_466 = arith.addi %get3A_463, %add3A_465 : vector<16xi32>
    %swap3A_467 = arith.constant 736 : index
    %swap3A_468 = tpu.vector_load %arg9[%swap3A_467] {strides = array<i32>} : memref<1024xi32, #tpu.memory_space<vmem>>, vector<16xi32>,
    %swap3A_469 = vector.shape_cast %swap3A_468 : vector<16xi32> to vector<16xi32>
    %swap3A_470 = vector.shape_cast %add3A_466 : vector<16xi32> to vector<16xi32>
    tpu.vector_store %arg9[%swap3A_467], %swap3A_470 {strides = array<i32>} : memref<1024xi32, #tpu.memory_space<vmem>>, vector<16xi32>,
    %get3A_471 = arith.constant 240 : index
    %get3A_472 = tpu.vector_load %arg8[%get3A_471] {strides = array<i32>} : memref<512xi32, #tpu.memory_space<vmem>>, vector<16xi32>,
    %get3A_473 = vector.shape_cast %get3A_472 : vector<16xi32> to vector<16xi32>
    %add3A_474 = arith.constant 10000 : i32
    %add3A_475 = vector.broadcast %add3A_474 : i32 to vector<16xi32>
    %add3A_476 = arith.addi %get3A_473, %add3A_475 : vector<16xi32>
    %swap3A_477 = arith.constant 752 : index
    %swap3A_478 = tpu.vector_load %arg9[%swap3A_477] {strides = array<i32>} : memref<1024xi32, #tpu.memory_space<vmem>>, vector<16xi32>,
    %swap3A_479 = vector.shape_cast %swap3A_478 : vector<16xi32> to vector<16xi32>
    %swap3A_480 = vector.shape_cast %add3A_476 : vector<16xi32> to vector<16xi32>
    tpu.vector_store %arg9[%swap3A_477], %swap3A_480 {strides = array<i32>} : memref<1024xi32, #tpu.memory_space<vmem>>, vector<16xi32>,
    %get3A_481 = arith.constant 256 : index
    %get3A_482 = tpu.vector_load %arg8[%get3A_481] {strides = array<i32>} : memref<512xi32, #tpu.memory_space<vmem>>, vector<16xi32>,
    %get3A_483 = vector.shape_cast %get3A_482 : vector<16xi32> to vector<16xi32>
    %add3A_484 = arith.constant 10000 : i32
    %add3A_485 = vector.broadcast %add3A_484 : i32 to vector<16xi32>
    %add3A_486 = arith.addi %get3A_483, %add3A_485 : vector<16xi32>
    %swap3A_487 = arith.constant 768 : index
    %swap3A_488 = tpu.vector_load %arg9[%swap3A_487] {strides = array<i32>} : memref<1024xi32, #tpu.memory_space<vmem>>, vector<16xi32>,
    %swap3A_489 = vector.shape_cast %swap3A_488 : vector<16xi32> to vector<16xi32>
    %swap3A_490 = vector.shape_cast %add3A_486 : vector<16xi32> to vector<16xi32>
    tpu.vector_store %arg9[%swap3A_487], %swap3A_490 {strides = array<i32>} : memref<1024xi32, #tpu.memory_space<vmem>>, vector<16xi32>,
    %get3A_491 = arith.constant 272 : index
    %get3A_492 = tpu.vector_load %arg8[%get3A_491] {strides = array<i32>} : memref<512xi32, #tpu.memory_space<vmem>>, vector<16xi32>,
    %get3A_493 = vector.shape_cast %get3A_492 : vector<16xi32> to vector<16xi32>
    %add3A_494 = arith.constant 10000 : i32
    %add3A_495 = vector.broadcast %add3A_494 : i32 to vector<16xi32>
    %add3A_496 = arith.addi %get3A_493, %add3A_495 : vector<16xi32>
    %swap3A_497 = arith.constant 784 : index
    %swap3A_498 = tpu.vector_load %arg9[%swap3A_497] {strides = array<i32>} : memref<1024xi32, #tpu.memory_space<vmem>>, vector<16xi32>,
    %swap3A_499 = vector.shape_cast %swap3A_498 : vector<16xi32> to vector<16xi32>
    %swap3A_500 = vector.shape_cast %add3A_496 : vector<16xi32> to vector<16xi32>
    tpu.vector_store %arg9[%swap3A_497], %swap3A_500 {strides = array<i32>} : memref<1024xi32, #tpu.memory_space<vmem>>, vector<16xi32>,
    %get3A_501 = arith.constant 288 : index
    %get3A_502 = tpu.vector_load %arg8[%get3A_501] {strides = array<i32>} : memref<512xi32, #tpu.memory_space<vmem>>, vector<16xi32>,
    %get3A_503 = vector.shape_cast %get3A_502 : vector<16xi32> to vector<16xi32>
    %add3A_504 = arith.constant 10000 : i32
    %add3A_505 = vector.broadcast %add3A_504 : i32 to vector<16xi32>
    %add3A_506 = arith.addi %get3A_503, %add3A_505 : vector<16xi32>
    %swap3A_507 = arith.constant 800 : index
    %swap3A_508 = tpu.vector_load %arg9[%swap3A_507] {strides = array<i32>} : memref<1024xi32, #tpu.memory_space<vmem>>, vector<16xi32>,
    %swap3A_509 = vector.shape_cast %swap3A_508 : vector<16xi32> to vector<16xi32>
    %swap3A_510 = vector.shape_cast %add3A_506 : vector<16xi32> to vector<16xi32>
    tpu.vector_store %arg9[%swap3A_507], %swap3A_510 {strides = array<i32>} : memref<1024xi32, #tpu.memory_space<vmem>>, vector<16xi32>,
    %get3A_511 = arith.constant 304 : index
    %get3A_512 = tpu.vector_load %arg8[%get3A_511] {strides = array<i32>} : memref<512xi32, #tpu.memory_space<vmem>>, vector<16xi32>,
    %get3A_513 = vector.shape_cast %get3A_512 : vector<16xi32> to vector<16xi32>
    %add3A_514 = arith.constant 10000 : i32
    %add3A_515 = vector.broadcast %add3A_514 : i32 to vector<16xi32>
    %add3A_516 = arith.addi %get3A_513, %add3A_515 : vector<16xi32>
    %swap3A_517 = arith.constant 816 : index
    %swap3A_518 = tpu.vector_load %arg9[%swap3A_517] {strides = array<i32>} : memref<1024xi32, #tpu.memory_space<vmem>>, vector<16xi32>,
    %swap3A_519 = vector.shape_cast %swap3A_518 : vector<16xi32> to vector<16xi32>
    %swap3A_520 = vector.shape_cast %add3A_516 : vector<16xi32> to vector<16xi32>
    tpu.vector_store %arg9[%swap3A_517], %swap3A_520 {strides = array<i32>} : memref<1024xi32, #tpu.memory_space<vmem>>, vector<16xi32>,
    %get3A_521 = arith.constant 320 : index
    %get3A_522 = tpu.vector_load %arg8[%get3A_521] {strides = array<i32>} : memref<512xi32, #tpu.memory_space<vmem>>, vector<16xi32>,
    %get3A_523 = vector.shape_cast %get3A_522 : vector<16xi32> to vector<16xi32>
    %add3A_524 = arith.constant 10000 : i32
    %add3A_525 = vector.broadcast %add3A_524 : i32 to vector<16xi32>
    %add3A_526 = arith.addi %get3A_523, %add3A_525 : vector<16xi32>
    %swap3A_527 = arith.constant 832 : index
    %swap3A_528 = tpu.vector_load %arg9[%swap3A_527] {strides = array<i32>} : memref<1024xi32, #tpu.memory_space<vmem>>, vector<16xi32>,
    %swap3A_529 = vector.shape_cast %swap3A_528 : vector<16xi32> to vector<16xi32>
    %swap3A_530 = vector.shape_cast %add3A_526 : vector<16xi32> to vector<16xi32>
    tpu.vector_store %arg9[%swap3A_527], %swap3A_530 {strides = array<i32>} : memref<1024xi32, #tpu.memory_space<vmem>>, vector<16xi32>,
    %get3A_531 = arith.constant 336 : index
    %get3A_532 = tpu.vector_load %arg8[%get3A_531] {strides = array<i32>} : memref<512xi32, #tpu.memory_space<vmem>>, vector<16xi32>,
    %get3A_533 = vector.shape_cast %get3A_532 : vector<16xi32> to vector<16xi32>
    %add3A_534 = arith.constant 10000 : i32
    %add3A_535 = vector.broadcast %add3A_534 : i32 to vector<16xi32>
    %add3A_536 = arith.addi %get3A_533, %add3A_535 : vector<16xi32>
    %swap3A_537 = arith.constant 848 : index
    %swap3A_538 = tpu.vector_load %arg9[%swap3A_537] {strides = array<i32>} : memref<1024xi32, #tpu.memory_space<vmem>>, vector<16xi32>,
    %swap3A_539 = vector.shape_cast %swap3A_538 : vector<16xi32> to vector<16xi32>
    %swap3A_540 = vector.shape_cast %add3A_536 : vector<16xi32> to vector<16xi32>
    tpu.vector_store %arg9[%swap3A_537], %swap3A_540 {strides = array<i32>} : memref<1024xi32, #tpu.memory_space<vmem>>, vector<16xi32>,
    %get3A_541 = arith.constant 352 : index
    %get3A_542 = tpu.vector_load %arg8[%get3A_541] {strides = array<i32>} : memref<512xi32, #tpu.memory_space<vmem>>, vector<16xi32>,
    %get3A_543 = vector.shape_cast %get3A_542 : vector<16xi32> to vector<16xi32>
    %add3A_544 = arith.constant 10000 : i32
    %add3A_545 = vector.broadcast %add3A_544 : i32 to vector<16xi32>
    %add3A_546 = arith.addi %get3A_543, %add3A_545 : vector<16xi32>
    %swap3A_547 = arith.constant 864 : index
    %swap3A_548 = tpu.vector_load %arg9[%swap3A_547] {strides = array<i32>} : memref<1024xi32, #tpu.memory_space<vmem>>, vector<16xi32>,
    %swap3A_549 = vector.shape_cast %swap3A_548 : vector<16xi32> to vector<16xi32>
    %swap3A_550 = vector.shape_cast %add3A_546 : vector<16xi32> to vector<16xi32>
    tpu.vector_store %arg9[%swap3A_547], %swap3A_550 {strides = array<i32>} : memref<1024xi32, #tpu.memory_space<vmem>>, vector<16xi32>,
    %get3A_551 = arith.constant 368 : index
    %get3A_552 = tpu.vector_load %arg8[%get3A_551] {strides = array<i32>} : memref<512xi32, #tpu.memory_space<vmem>>, vector<16xi32>,
    %get3A_553 = vector.shape_cast %get3A_552 : vector<16xi32> to vector<16xi32>
    %add3A_554 = arith.constant 10000 : i32
    %add3A_555 = vector.broadcast %add3A_554 : i32 to vector<16xi32>
    %add3A_556 = arith.addi %get3A_553, %add3A_555 : vector<16xi32>
    %swap3A_557 = arith.constant 880 : index
    %swap3A_558 = tpu.vector_load %arg9[%swap3A_557] {strides = array<i32>} : memref<1024xi32, #tpu.memory_space<vmem>>, vector<16xi32>,
    %swap3A_559 = vector.shape_cast %swap3A_558 : vector<16xi32> to vector<16xi32>
    %swap3A_560 = vector.shape_cast %add3A_556 : vector<16xi32> to vector<16xi32>
    tpu.vector_store %arg9[%swap3A_557], %swap3A_560 {strides = array<i32>} : memref<1024xi32, #tpu.memory_space<vmem>>, vector<16xi32>,
    %get3A_561 = arith.constant 384 : index
    %get3A_562 = tpu.vector_load %arg8[%get3A_561] {strides = array<i32>} : memref<512xi32, #tpu.memory_space<vmem>>, vector<16xi32>,
    %get3A_563 = vector.shape_cast %get3A_562 : vector<16xi32> to vector<16xi32>
    %add3A_564 = arith.constant 10000 : i32
    %add3A_565 = vector.broadcast %add3A_564 : i32 to vector<16xi32>
    %add3A_566 = arith.addi %get3A_563, %add3A_565 : vector<16xi32>
    %swap3A_567 = arith.constant 896 : index
    %swap3A_568 = tpu.vector_load %arg9[%swap3A_567] {strides = array<i32>} : memref<1024xi32, #tpu.memory_space<vmem>>, vector<16xi32>,
    %swap3A_569 = vector.shape_cast %swap3A_568 : vector<16xi32> to vector<16xi32>
    %swap3A_570 = vector.shape_cast %add3A_566 : vector<16xi32> to vector<16xi32>
    tpu.vector_store %arg9[%swap3A_567], %swap3A_570 {strides = array<i32>} : memref<1024xi32, #tpu.memory_space<vmem>>, vector<16xi32>,
    %get3A_571 = arith.constant 400 : index
    %get3A_572 = tpu.vector_load %arg8[%get3A_571] {strides = array<i32>} : memref<512xi32, #tpu.memory_space<vmem>>, vector<16xi32>,
    %get3A_573 = vector.shape_cast %get3A_572 : vector<16xi32> to vector<16xi32>
    %add3A_574 = arith.constant 10000 : i32
    %add3A_575 = vector.broadcast %add3A_574 : i32 to vector<16xi32>
    %add3A_576 = arith.addi %get3A_573, %add3A_575 : vector<16xi32>
    %swap3A_577 = arith.constant 912 : index
    %swap3A_578 = tpu.vector_load %arg9[%swap3A_577] {strides = array<i32>} : memref<1024xi32, #tpu.memory_space<vmem>>, vector<16xi32>,
    %swap3A_579 = vector.shape_cast %swap3A_578 : vector<16xi32> to vector<16xi32>
    %swap3A_580 = vector.shape_cast %add3A_576 : vector<16xi32> to vector<16xi32>
    tpu.vector_store %arg9[%swap3A_577], %swap3A_580 {strides = array<i32>} : memref<1024xi32, #tpu.memory_space<vmem>>, vector<16xi32>,
    %get3A_581 = arith.constant 416 : index
    %get3A_582 = tpu.vector_load %arg8[%get3A_581] {strides = array<i32>} : memref<512xi32, #tpu.memory_space<vmem>>, vector<16xi32>,
    %get3A_583 = vector.shape_cast %get3A_582 : vector<16xi32> to vector<16xi32>
    %add3A_584 = arith.constant 10000 : i32
    %add3A_585 = vector.broadcast %add3A_584 : i32 to vector<16xi32>
    %add3A_586 = arith.addi %get3A_583, %add3A_585 : vector<16xi32>
    %swap3A_587 = arith.constant 928 : index
    %swap3A_588 = tpu.vector_load %arg9[%swap3A_587] {strides = array<i32>} : memref<1024xi32, #tpu.memory_space<vmem>>, vector<16xi32>,
    %swap3A_589 = vector.shape_cast %swap3A_588 : vector<16xi32> to vector<16xi32>
    %swap3A_590 = vector.shape_cast %add3A_586 : vector<16xi32> to vector<16xi32>
    tpu.vector_store %arg9[%swap3A_587], %swap3A_590 {strides = array<i32>} : memref<1024xi32, #tpu.memory_space<vmem>>, vector<16xi32>,
    %get3A_591 = arith.constant 432 : index
    %get3A_592 = tpu.vector_load %arg8[%get3A_591] {strides = array<i32>} : memref<512xi32, #tpu.memory_space<vmem>>, vector<16xi32>,
    %get3A_593 = vector.shape_cast %get3A_592 : vector<16xi32> to vector<16xi32>
    %add3A_594 = arith.constant 10000 : i32
    %add3A_595 = vector.broadcast %add3A_594 : i32 to vector<16xi32>
    %add3A_596 = arith.addi %get3A_593, %add3A_595 : vector<16xi32>
    %swap3A_597 = arith.constant 944 : index
    %swap3A_598 = tpu.vector_load %arg9[%swap3A_597] {strides = array<i32>} : memref<1024xi32, #tpu.memory_space<vmem>>, vector<16xi32>,
    %swap3A_599 = vector.shape_cast %swap3A_598 : vector<16xi32> to vector<16xi32>
    %swap3A_600 = vector.shape_cast %add3A_596 : vector<16xi32> to vector<16xi32>
    tpu.vector_store %arg9[%swap3A_597], %swap3A_600 {strides = array<i32>} : memref<1024xi32, #tpu.memory_space<vmem>>, vector<16xi32>,
    %get3A_601 = arith.constant 448 : index
    %get3A_602 = tpu.vector_load %arg8[%get3A_601] {strides = array<i32>} : memref<512xi32, #tpu.memory_space<vmem>>, vector<16xi32>,
    %get3A_603 = vector.shape_cast %get3A_602 : vector<16xi32> to vector<16xi32>
    %add3A_604 = arith.constant 10000 : i32
    %add3A_605 = vector.broadcast %add3A_604 : i32 to vector<16xi32>
    %add3A_606 = arith.addi %get3A_603, %add3A_605 : vector<16xi32>
    %swap3A_607 = arith.constant 960 : index
    %swap3A_608 = tpu.vector_load %arg9[%swap3A_607] {strides = array<i32>} : memref<1024xi32, #tpu.memory_space<vmem>>, vector<16xi32>,
    %swap3A_609 = vector.shape_cast %swap3A_608 : vector<16xi32> to vector<16xi32>
    %swap3A_610 = vector.shape_cast %add3A_606 : vector<16xi32> to vector<16xi32>
    tpu.vector_store %arg9[%swap3A_607], %swap3A_610 {strides = array<i32>} : memref<1024xi32, #tpu.memory_space<vmem>>, vector<16xi32>,
    %get3A_611 = arith.constant 464 : index
    %get3A_612 = tpu.vector_load %arg8[%get3A_611] {strides = array<i32>} : memref<512xi32, #tpu.memory_space<vmem>>, vector<16xi32>,
    %get3A_613 = vector.shape_cast %get3A_612 : vector<16xi32> to vector<16xi32>
    %add3A_614 = arith.constant 10000 : i32
    %add3A_615 = vector.broadcast %add3A_614 : i32 to vector<16xi32>
    %add3A_616 = arith.addi %get3A_613, %add3A_615 : vector<16xi32>
    %swap3A_617 = arith.constant 976 : index
    %swap3A_618 = tpu.vector_load %arg9[%swap3A_617] {strides = array<i32>} : memref<1024xi32, #tpu.memory_space<vmem>>, vector<16xi32>,
    %swap3A_619 = vector.shape_cast %swap3A_618 : vector<16xi32> to vector<16xi32>
    %swap3A_620 = vector.shape_cast %add3A_616 : vector<16xi32> to vector<16xi32>
    tpu.vector_store %arg9[%swap3A_617], %swap3A_620 {strides = array<i32>} : memref<1024xi32, #tpu.memory_space<vmem>>, vector<16xi32>,
    %get3A_621 = arith.constant 480 : index
    %get3A_622 = tpu.vector_load %arg8[%get3A_621] {strides = array<i32>} : memref<512xi32, #tpu.memory_space<vmem>>, vector<16xi32>,
    %get3A_623 = vector.shape_cast %get3A_622 : vector<16xi32> to vector<16xi32>
    %add3A_624 = arith.constant 10000 : i32
    %add3A_625 = vector.broadcast %add3A_624 : i32 to vector<16xi32>
    %add3A_626 = arith.addi %get3A_623, %add3A_625 : vector<16xi32>
    %swap3A_627 = arith.constant 992 : index
    %swap3A_628 = tpu.vector_load %arg9[%swap3A_627] {strides = array<i32>} : memref<1024xi32, #tpu.memory_space<vmem>>, vector<16xi32>,
    %swap3A_629 = vector.shape_cast %swap3A_628 : vector<16xi32> to vector<16xi32>
    %swap3A_630 = vector.shape_cast %add3A_626 : vector<16xi32> to vector<16xi32>
    tpu.vector_store %arg9[%swap3A_627], %swap3A_630 {strides = array<i32>} : memref<1024xi32, #tpu.memory_space<vmem>>, vector<16xi32>,
    %get3A_631 = arith.constant 496 : index
    %get3A_632 = tpu.vector_load %arg8[%get3A_631] {strides = array<i32>} : memref<512xi32, #tpu.memory_space<vmem>>, vector<16xi32>,
    %get3A_633 = vector.shape_cast %get3A_632 : vector<16xi32> to vector<16xi32>
    %add3A_634 = arith.constant 10000 : i32
    %add3A_635 = vector.broadcast %add3A_634 : i32 to vector<16xi32>
    %add3A_636 = arith.addi %get3A_633, %add3A_635 : vector<16xi32>
    %swap3A_637 = arith.constant 1008 : index
    %swap3A_638 = tpu.vector_load %arg9[%swap3A_637] {strides = array<i32>} : memref<1024xi32, #tpu.memory_space<vmem>>, vector<16xi32>,
    %swap3A_639 = vector.shape_cast %swap3A_638 : vector<16xi32> to vector<16xi32>
    %swap3A_640 = vector.shape_cast %add3A_636 : vector<16xi32> to vector<16xi32>
    tpu.vector_store %arg9[%swap3A_637], %swap3A_640 {strides = array<i32>} : memref<1024xi32, #tpu.memory_space<vmem>>, vector<16xi32>,
    %dma_start3A = arith.constant 0 : i32
    %dma_start3A_641 = arith.constant 0 : i32
    %dma_start3A_642 = tpu.memref_slice %arg10[%dma_start3A_641] : memref<1024xi32, #tpu.memory_space<vmem>> -> memref<512xi32, #tpu.memory_space<vmem>>
    %dma_start3A_643 = arith.constant 0 : i32
    %dma_start3A_644 = tpu.memref_slice %arg9[%dma_start3A_643] : memref<1024xi32, #tpu.memory_space<vmem>> -> memref<512xi32, #tpu.memory_space<vmem>>
    %dma_start3A_645 = arith.constant 0 : i32
    %dma_start3A_646 = tpu.memref_slice %arg3[%dma_start3A_645] : memref<20000xi32, #tpu.memory_space<hbm>> -> memref<20000xi32, #tpu.memory_space<hbm>>
    %dma_start3A_647 = tpu.memref_slice %arg12[%dma_start3A] : memref<2x!tpu.dma_semaphore, #tpu.memory_space<semaphore_mem>> -> memref<1x!tpu.dma_semaphore, #tpu.memory_space<semaphore_mem>>
    %dma_start3A_648 = tpu.memref_squeeze %dma_start3A_647 : memref<1x!tpu.dma_semaphore, #tpu.memory_space<semaphore_mem>> -> memref<!tpu.dma_semaphore, #tpu.memory_space<semaphore_mem>>
    tpu.enqueue_indirect_dma source(%dma_start3A_646 : memref<20000xi32, #tpu.memory_space<hbm>>) target(%dma_start3A_642 : memref<512xi32, #tpu.memory_space<vmem>>) offsets(%dma_start3A_644 : memref<512xi32, #tpu.memory_space<vmem>>) semaphore(%dma_start3A_648 : memref<!tpu.dma_semaphore, #tpu.memory_space<semaphore_mem>>)
    %dma_start3A_649 = arith.constant 1 : i32
    %dma_start3A_650 = arith.constant 512 : i32
    %dma_start3A_651 = tpu.memref_slice %arg10[%dma_start3A_650] : memref<1024xi32, #tpu.memory_space<vmem>> -> memref<512xi32, #tpu.memory_space<vmem>>
    %dma_start3A_652 = arith.constant 512 : i32
    %dma_start3A_653 = tpu.memref_slice %arg9[%dma_start3A_652] : memref<1024xi32, #tpu.memory_space<vmem>> -> memref<512xi32, #tpu.memory_space<vmem>>
    %dma_start3A_654 = arith.constant 0 : i32
    %dma_start3A_655 = tpu.memref_slice %arg3[%dma_start3A_654] : memref<20000xi32, #tpu.memory_space<hbm>> -> memref<20000xi32, #tpu.memory_space<hbm>>
    %dma_start3A_656 = tpu.memref_slice %arg12[%dma_start3A_649] : memref<2x!tpu.dma_semaphore, #tpu.memory_space<semaphore_mem>> -> memref<1x!tpu.dma_semaphore, #tpu.memory_space<semaphore_mem>>
    %dma_start3A_657 = tpu.memref_squeeze %dma_start3A_656 : memref<1x!tpu.dma_semaphore, #tpu.memory_space<semaphore_mem>> -> memref<!tpu.dma_semaphore, #tpu.memory_space<semaphore_mem>>
    tpu.enqueue_indirect_dma source(%dma_start3A_655 : memref<20000xi32, #tpu.memory_space<hbm>>) target(%dma_start3A_651 : memref<512xi32, #tpu.memory_space<vmem>>) offsets(%dma_start3A_653 : memref<512xi32, #tpu.memory_space<vmem>>) semaphore(%dma_start3A_657 : memref<!tpu.dma_semaphore, #tpu.memory_space<semaphore_mem>>)
    %dma_wait3A = arith.constant 0 : i32
    %dma_wait3A_658 = arith.constant 0 : i32
    %dma_wait3A_659 = tpu.memref_slice %arg10[%dma_wait3A_658] : memref<1024xi32, #tpu.memory_space<vmem>> -> memref<512xi32, #tpu.memory_space<vmem>>
    %dma_wait3A_660 = arith.constant 0 : i32
    %dma_wait3A_661 = tpu.memref_slice %arg9[%dma_wait3A_660] : memref<1024xi32, #tpu.memory_space<vmem>> -> memref<512xi32, #tpu.memory_space<vmem>>
    %dma_wait3A_662 = arith.constant 0 : i32
    %dma_wait3A_663 = tpu.memref_slice %arg3[%dma_wait3A_662] : memref<20000xi32, #tpu.memory_space<hbm>> -> memref<20000xi32, #tpu.memory_space<hbm>>
    %dma_wait3A_664 = tpu.memref_slice %arg12[%dma_wait3A] : memref<2x!tpu.dma_semaphore, #tpu.memory_space<semaphore_mem>> -> memref<1x!tpu.dma_semaphore, #tpu.memory_space<semaphore_mem>>
    %dma_wait3A_665 = tpu.memref_squeeze %dma_wait3A_664 : memref<1x!tpu.dma_semaphore, #tpu.memory_space<semaphore_mem>> -> memref<!tpu.dma_semaphore, #tpu.memory_space<semaphore_mem>>
    tpu.wait_indirect_dma semaphore(%dma_wait3A_665 : memref<!tpu.dma_semaphore, #tpu.memory_space<semaphore_mem>>) src(%dma_wait3A_663 : memref<20000xi32, #tpu.memory_space<hbm>>) dst(%dma_wait3A_659 : memref<512xi32, #tpu.memory_space<vmem>>)
    %dma_start3A_666 = arith.constant 0 : i32
    %dma_start3A_667 = arith.constant 0 : i32
    %dma_start3A_668 = arith.constant 0 : i32
    %dma_start3A_669 = arith.constant 0 : i32
    %dma_start3A_670 = tpu.memref_slice %arg11[%dma_start3A_666, %dma_start3A_668, %dma_start3A_669] : memref<2x512x64xf32, #tpu.memory_space<vmem>> -> memref<1x512x64xf32, #tpu.memory_space<vmem>>
    %dma_start3A_671 = tpu.memref_squeeze %dma_start3A_670 : memref<1x512x64xf32, #tpu.memory_space<vmem>> -> memref<512x64xf32, #tpu.memory_space<vmem>>
    %dma_start3A_672 = arith.constant 0 : i32
    %dma_start3A_673 = tpu.memref_slice %arg10[%dma_start3A_672] : memref<1024xi32, #tpu.memory_space<vmem>> -> memref<512xi32, #tpu.memory_space<vmem>>
    %dma_start3A_674 = arith.constant 0 : i32
    %dma_start3A_675 = arith.constant 0 : i32
    %dma_start3A_676 = tpu.memref_slice %arg4[%dma_start3A_674, %dma_start3A_675] : memref<4050x64xf32, #tpu.memory_space<hbm>> -> memref<4050x64xf32, #tpu.memory_space<hbm>>
    %dma_start3A_677 = tpu.memref_slice %arg13[%dma_start3A_667] : memref<2x!tpu.dma_semaphore, #tpu.memory_space<semaphore_mem>> -> memref<1x!tpu.dma_semaphore, #tpu.memory_space<semaphore_mem>>
    %dma_start3A_678 = tpu.memref_squeeze %dma_start3A_677 : memref<1x!tpu.dma_semaphore, #tpu.memory_space<semaphore_mem>> -> memref<!tpu.dma_semaphore, #tpu.memory_space<semaphore_mem>>
    tpu.enqueue_indirect_dma source(%dma_start3A_676 : memref<4050x64xf32, #tpu.memory_space<hbm>>) target(%dma_start3A_671 : memref<512x64xf32, #tpu.memory_space<vmem>>) offsets(%dma_start3A_673 : memref<512xi32, #tpu.memory_space<vmem>>) semaphore(%dma_start3A_678 : memref<!tpu.dma_semaphore, #tpu.memory_space<semaphore_mem>>)
    %dma_wait3A_679 = arith.constant 1 : i32
    %dma_wait3A_680 = arith.constant 512 : i32
    %dma_wait3A_681 = tpu.memref_slice %arg10[%dma_wait3A_680] : memref<1024xi32, #tpu.memory_space<vmem>> -> memref<512xi32, #tpu.memory_space<vmem>>
    %dma_wait3A_682 = arith.constant 512 : i32
    %dma_wait3A_683 = tpu.memref_slice %arg9[%dma_wait3A_682] : memref<1024xi32, #tpu.memory_space<vmem>> -> memref<512xi32, #tpu.memory_space<vmem>>
    %dma_wait3A_684 = arith.constant 0 : i32
    %dma_wait3A_685 = tpu.memref_slice %arg3[%dma_wait3A_684] : memref<20000xi32, #tpu.memory_space<hbm>> -> memref<20000xi32, #tpu.memory_space<hbm>>
    %dma_wait3A_686 = tpu.memref_slice %arg12[%dma_wait3A_679] : memref<2x!tpu.dma_semaphore, #tpu.memory_space<semaphore_mem>> -> memref<1x!tpu.dma_semaphore, #tpu.memory_space<semaphore_mem>>
    %dma_wait3A_687 = tpu.memref_squeeze %dma_wait3A_686 : memref<1x!tpu.dma_semaphore, #tpu.memory_space<semaphore_mem>> -> memref<!tpu.dma_semaphore, #tpu.memory_space<semaphore_mem>>
    tpu.wait_indirect_dma semaphore(%dma_wait3A_687 : memref<!tpu.dma_semaphore, #tpu.memory_space<semaphore_mem>>) src(%dma_wait3A_685 : memref<20000xi32, #tpu.memory_space<hbm>>) dst(%dma_wait3A_681 : memref<512xi32, #tpu.memory_space<vmem>>)
    %dma_start3A_688 = arith.constant 1 : i32
    %dma_start3A_689 = arith.constant 1 : i32
    %dma_start3A_690 = arith.constant 0 : i32
    %dma_start3A_691 = arith.constant 0 : i32
    %dma_start3A_692 = tpu.memref_slice %arg11[%dma_start3A_688, %dma_start3A_690, %dma_start3A_691] : memref<2x512x64xf32, #tpu.memory_space<vmem>> -> memref<1x512x64xf32, #tpu.memory_space<vmem>>
    %dma_start3A_693 = tpu.memref_squeeze %dma_start3A_692 : memref<1x512x64xf32, #tpu.memory_space<vmem>> -> memref<512x64xf32, #tpu.memory_space<vmem>>
    %dma_start3A_694 = arith.constant 512 : i32
    %dma_start3A_695 = tpu.memref_slice %arg10[%dma_start3A_694] : memref<1024xi32, #tpu.memory_space<vmem>> -> memref<512xi32, #tpu.memory_space<vmem>>
    %dma_start3A_696 = arith.constant 0 : i32
    %dma_start3A_697 = arith.constant 0 : i32
    %dma_start3A_698 = tpu.memref_slice %arg5[%dma_start3A_696, %dma_start3A_697] : memref<4096x64xf32, #tpu.memory_space<hbm>> -> memref<4096x64xf32, #tpu.memory_space<hbm>>
    %dma_start3A_699 = tpu.memref_slice %arg13[%dma_start3A_689] : memref<2x!tpu.dma_semaphore, #tpu.memory_space<semaphore_mem>> -> memref<1x!tpu.dma_semaphore, #tpu.memory_space<semaphore_mem>>
    %dma_start3A_700 = tpu.memref_squeeze %dma_start3A_699 : memref<1x!tpu.dma_semaphore, #tpu.memory_space<semaphore_mem>> -> memref<!tpu.dma_semaphore, #tpu.memory_space<semaphore_mem>>
    tpu.enqueue_indirect_dma source(%dma_start3A_698 : memref<4096x64xf32, #tpu.memory_space<hbm>>) target(%dma_start3A_693 : memref<512x64xf32, #tpu.memory_space<vmem>>) offsets(%dma_start3A_695 : memref<512xi32, #tpu.memory_space<vmem>>) semaphore(%dma_start3A_700 : memref<!tpu.dma_semaphore, #tpu.memory_space<semaphore_mem>>)
    %dma_wait3A_701 = arith.constant 0 : i32
    %dma_wait3A_702 = arith.constant 0 : i32
    %dma_wait3A_703 = arith.constant 0 : i32
    %dma_wait3A_704 = arith.constant 0 : i32
    %dma_wait3A_705 = tpu.memref_slice %arg11[%dma_wait3A_701, %dma_wait3A_703, %dma_wait3A_704] : memref<2x512x64xf32, #tpu.memory_space<vmem>> -> memref<1x512x64xf32, #tpu.memory_space<vmem>>
    %dma_wait3A_706 = tpu.memref_squeeze %dma_wait3A_705 : memref<1x512x64xf32, #tpu.memory_space<vmem>> -> memref<512x64xf32, #tpu.memory_space<vmem>>
    %dma_wait3A_707 = arith.constant 0 : i32
    %dma_wait3A_708 = tpu.memref_slice %arg10[%dma_wait3A_707] : memref<1024xi32, #tpu.memory_space<vmem>> -> memref<512xi32, #tpu.memory_space<vmem>>
    %dma_wait3A_709 = arith.constant 0 : i32
    %dma_wait3A_710 = arith.constant 0 : i32
    %dma_wait3A_711 = tpu.memref_slice %arg4[%dma_wait3A_709, %dma_wait3A_710] : memref<4050x64xf32, #tpu.memory_space<hbm>> -> memref<4050x64xf32, #tpu.memory_space<hbm>>
    %dma_wait3A_712 = tpu.memref_slice %arg13[%dma_wait3A_702] : memref<2x!tpu.dma_semaphore, #tpu.memory_space<semaphore_mem>> -> memref<1x!tpu.dma_semaphore, #tpu.memory_space<semaphore_mem>>
    %dma_wait3A_713 = tpu.memref_squeeze %dma_wait3A_712 : memref<1x!tpu.dma_semaphore, #tpu.memory_space<semaphore_mem>> -> memref<!tpu.dma_semaphore, #tpu.memory_space<semaphore_mem>>
    tpu.wait_indirect_dma semaphore(%dma_wait3A_713 : memref<!tpu.dma_semaphore, #tpu.memory_space<semaphore_mem>>) src(%dma_wait3A_711 : memref<4050x64xf32, #tpu.memory_space<hbm>>) dst(%dma_wait3A_706 : memref<512x64xf32, #tpu.memory_space<vmem>>)
    %dma_start3A_714 = arith.constant 0 : i32
    %dma_start3A_715 = arith.constant 0 : i32
    %dma_start3A_716 = arith.constant 0 : i32
    %dma_start3A_717 = arith.constant 0 : i32
    %dma_start3A_718 = tpu.memref_slice %arg11[%dma_start3A_714, %dma_start3A_716, %dma_start3A_717] : memref<2x512x64xf32, #tpu.memory_space<vmem>> -> memref<1x512x64xf32, #tpu.memory_space<vmem>>
    %dma_start3A_719 = tpu.memref_squeeze %dma_start3A_718 : memref<1x512x64xf32, #tpu.memory_space<vmem>> -> memref<512x64xf32, #tpu.memory_space<vmem>>
    %dma_start3A_720 = arith.constant 0 : i32
    %dma_start3A_721 = tpu.memref_slice %arg6[%mul3A_2, %dma_start3A_720] : memref<16384x64xf32, #tpu.memory_space<hbm>> -> memref<512x64xf32, #tpu.memory_space<hbm>>
    %dma_start3A_722 = tpu.memref_slice %arg14[%dma_start3A_715] : memref<2x!tpu.dma_semaphore, #tpu.memory_space<semaphore_mem>> -> memref<1x!tpu.dma_semaphore, #tpu.memory_space<semaphore_mem>>
    %dma_start3A_723 = tpu.memref_squeeze %dma_start3A_722 : memref<1x!tpu.dma_semaphore, #tpu.memory_space<semaphore_mem>> -> memref<!tpu.dma_semaphore, #tpu.memory_space<semaphore_mem>>
    %dma_start3A_724 = arith.constant 0 : i32
    %dma_start3A_725 = tpu.memref_slice %arg6[%mul3A_2, %dma_start3A_724] : memref<16384x64xf32, #tpu.memory_space<hbm>> -> memref<512x64xf32, #tpu.memory_space<hbm>>
    %dma_start3A_726 = arith.constant 0 : i32
    %dma_start3A_727 = arith.constant 0 : i32
    %dma_start3A_728 = tpu.memref_slice %arg11[%dma_start3A_714, %dma_start3A_726, %dma_start3A_727] : memref<2x512x64xf32, #tpu.memory_space<vmem>> -> memref<1x512x64xf32, #tpu.memory_space<vmem>>
    %dma_start3A_729 = tpu.memref_squeeze %dma_start3A_728 : memref<1x512x64xf32, #tpu.memory_space<vmem>> -> memref<512x64xf32, #tpu.memory_space<vmem>>
    tpu.enqueue_dma source(%dma_start3A_729 : memref<512x64xf32, #tpu.memory_space<vmem>>) target(%dma_start3A_725 : memref<512x64xf32, #tpu.memory_space<hbm>>) target_semaphore(%dma_start3A_723 : memref<!tpu.dma_semaphore, #tpu.memory_space<semaphore_mem>>)
    %dma_wait3A_730 = arith.constant 1 : i32
    %dma_wait3A_731 = arith.constant 1 : i32
    %dma_wait3A_732 = arith.constant 0 : i32
    %dma_wait3A_733 = arith.constant 0 : i32
    %dma_wait3A_734 = tpu.memref_slice %arg11[%dma_wait3A_730, %dma_wait3A_732, %dma_wait3A_733] : memref<2x512x64xf32, #tpu.memory_space<vmem>> -> memref<1x512x64xf32, #tpu.memory_space<vmem>>
    %dma_wait3A_735 = tpu.memref_squeeze %dma_wait3A_734 : memref<1x512x64xf32, #tpu.memory_space<vmem>> -> memref<512x64xf32, #tpu.memory_space<vmem>>
    %dma_wait3A_736 = arith.constant 512 : i32
    %dma_wait3A_737 = tpu.memref_slice %arg10[%dma_wait3A_736] : memref<1024xi32, #tpu.memory_space<vmem>> -> memref<512xi32, #tpu.memory_space<vmem>>
    %dma_wait3A_738 = arith.constant 0 : i32
    %dma_wait3A_739 = arith.constant 0 : i32
    %dma_wait3A_740 = tpu.memref_slice %arg5[%dma_wait3A_738, %dma_wait3A_739] : memref<4096x64xf32, #tpu.memory_space<hbm>> -> memref<4096x64xf32, #tpu.memory_space<hbm>>
    %dma_wait3A_741 = tpu.memref_slice %arg13[%dma_wait3A_731] : memref<2x!tpu.dma_semaphore, #tpu.memory_space<semaphore_mem>> -> memref<1x!tpu.dma_semaphore, #tpu.memory_space<semaphore_mem>>
    %dma_wait3A_742 = tpu.memref_squeeze %dma_wait3A_741 : memref<1x!tpu.dma_semaphore, #tpu.memory_space<semaphore_mem>> -> memref<!tpu.dma_semaphore, #tpu.memory_space<semaphore_mem>>
    tpu.wait_indirect_dma semaphore(%dma_wait3A_742 : memref<!tpu.dma_semaphore, #tpu.memory_space<semaphore_mem>>) src(%dma_wait3A_740 : memref<4096x64xf32, #tpu.memory_space<hbm>>) dst(%dma_wait3A_735 : memref<512x64xf32, #tpu.memory_space<vmem>>)
    %dma_start3A_743 = arith.constant 1 : i32
    %dma_start3A_744 = arith.constant 1 : i32
    %dma_start3A_745 = arith.constant 0 : i32
    %dma_start3A_746 = arith.constant 0 : i32
    %dma_start3A_747 = tpu.memref_slice %arg11[%dma_start3A_743, %dma_start3A_745, %dma_start3A_746] : memref<2x512x64xf32, #tpu.memory_space<vmem>> -> memref<1x512x64xf32, #tpu.memory_space<vmem>>
    %dma_start3A_748 = tpu.memref_squeeze %dma_start3A_747 : memref<1x512x64xf32, #tpu.memory_space<vmem>> -> memref<512x64xf32, #tpu.memory_space<vmem>>
    %dma_start3A_749 = arith.constant 0 : i32
    %dma_start3A_750 = tpu.memref_slice %arg7[%mul3A_2, %dma_start3A_749] : memref<16384x64xf32, #tpu.memory_space<hbm>> -> memref<512x64xf32, #tpu.memory_space<hbm>>
    %dma_start3A_751 = tpu.memref_slice %arg14[%dma_start3A_744] : memref<2x!tpu.dma_semaphore, #tpu.memory_space<semaphore_mem>> -> memref<1x!tpu.dma_semaphore, #tpu.memory_space<semaphore_mem>>
    %dma_start3A_752 = tpu.memref_squeeze %dma_start3A_751 : memref<1x!tpu.dma_semaphore, #tpu.memory_space<semaphore_mem>> -> memref<!tpu.dma_semaphore, #tpu.memory_space<semaphore_mem>>
    %dma_start3A_753 = arith.constant 0 : i32
    %dma_start3A_754 = tpu.memref_slice %arg7[%mul3A_2, %dma_start3A_753] : memref<16384x64xf32, #tpu.memory_space<hbm>> -> memref<512x64xf32, #tpu.memory_space<hbm>>
    %dma_start3A_755 = arith.constant 0 : i32
    %dma_start3A_756 = arith.constant 0 : i32
    %dma_start3A_757 = tpu.memref_slice %arg11[%dma_start3A_743, %dma_start3A_755, %dma_start3A_756] : memref<2x512x64xf32, #tpu.memory_space<vmem>> -> memref<1x512x64xf32, #tpu.memory_space<vmem>>
    %dma_start3A_758 = tpu.memref_squeeze %dma_start3A_757 : memref<1x512x64xf32, #tpu.memory_space<vmem>> -> memref<512x64xf32, #tpu.memory_space<vmem>>
    tpu.enqueue_dma source(%dma_start3A_758 : memref<512x64xf32, #tpu.memory_space<vmem>>) target(%dma_start3A_754 : memref<512x64xf32, #tpu.memory_space<hbm>>) target_semaphore(%dma_start3A_752 : memref<!tpu.dma_semaphore, #tpu.memory_space<semaphore_mem>>)
    %dma_wait3A_759 = arith.constant 0 : i32
    %dma_wait3A_760 = arith.constant 0 : i32
    %dma_wait3A_761 = arith.constant 0 : i32
    %dma_wait3A_762 = arith.constant 0 : i32
    %dma_wait3A_763 = tpu.memref_slice %arg11[%dma_wait3A_759, %dma_wait3A_761, %dma_wait3A_762] : memref<2x512x64xf32, #tpu.memory_space<vmem>> -> memref<1x512x64xf32, #tpu.memory_space<vmem>>
    %dma_wait3A_764 = tpu.memref_squeeze %dma_wait3A_763 : memref<1x512x64xf32, #tpu.memory_space<vmem>> -> memref<512x64xf32, #tpu.memory_space<vmem>>
    %dma_wait3A_765 = arith.constant 0 : i32
    %dma_wait3A_766 = tpu.memref_slice %arg6[%mul3A_2, %dma_wait3A_765] : memref<16384x64xf32, #tpu.memory_space<hbm>> -> memref<512x64xf32, #tpu.memory_space<hbm>>
    %dma_wait3A_767 = tpu.memref_slice %arg14[%dma_wait3A_760] : memref<2x!tpu.dma_semaphore, #tpu.memory_space<semaphore_mem>> -> memref<1x!tpu.dma_semaphore, #tpu.memory_space<semaphore_mem>>
    %dma_wait3A_768 = tpu.memref_squeeze %dma_wait3A_767 : memref<1x!tpu.dma_semaphore, #tpu.memory_space<semaphore_mem>> -> memref<!tpu.dma_semaphore, #tpu.memory_space<semaphore_mem>>
    %dma_wait3A_769 = arith.constant 0 : i32
    %dma_wait3A_770 = tpu.memref_slice %arg6[%mul3A_2, %dma_wait3A_769] : memref<16384x64xf32, #tpu.memory_space<hbm>> -> memref<512x64xf32, #tpu.memory_space<hbm>>
    %dma_wait3A_771 = arith.constant 0 : i32
    %dma_wait3A_772 = arith.constant 0 : i32
    %dma_wait3A_773 = tpu.memref_slice %arg11[%dma_wait3A_759, %dma_wait3A_771, %dma_wait3A_772] : memref<2x512x64xf32, #tpu.memory_space<vmem>> -> memref<1x512x64xf32, #tpu.memory_space<vmem>>
    %dma_wait3A_774 = tpu.memref_squeeze %dma_wait3A_773 : memref<1x512x64xf32, #tpu.memory_space<vmem>> -> memref<512x64xf32, #tpu.memory_space<vmem>>
    tpu.wait_dma2 semaphore(%dma_wait3A_768 : memref<!tpu.dma_semaphore, #tpu.memory_space<semaphore_mem>>) src(%dma_wait3A_774 : memref<512x64xf32, #tpu.memory_space<vmem>>) dst(%dma_wait3A_770 : memref<512x64xf32, #tpu.memory_space<hbm>>)
    %dma_wait3A_775 = arith.constant 1 : i32
    %dma_wait3A_776 = arith.constant 1 : i32
    %dma_wait3A_777 = arith.constant 0 : i32
    %dma_wait3A_778 = arith.constant 0 : i32
    %dma_wait3A_779 = tpu.memref_slice %arg11[%dma_wait3A_775, %dma_wait3A_777, %dma_wait3A_778] : memref<2x512x64xf32, #tpu.memory_space<vmem>> -> memref<1x512x64xf32, #tpu.memory_space<vmem>>
    %dma_wait3A_780 = tpu.memref_squeeze %dma_wait3A_779 : memref<1x512x64xf32, #tpu.memory_space<vmem>> -> memref<512x64xf32, #tpu.memory_space<vmem>>
    %dma_wait3A_781 = arith.constant 0 : i32
    %dma_wait3A_782 = tpu.memref_slice %arg7[%mul3A_2, %dma_wait3A_781] : memref<16384x64xf32, #tpu.memory_space<hbm>> -> memref<512x64xf32, #tpu.memory_space<hbm>>
    %dma_wait3A_783 = tpu.memref_slice %arg14[%dma_wait3A_776] : memref<2x!tpu.dma_semaphore, #tpu.memory_space<semaphore_mem>> -> memref<1x!tpu.dma_semaphore, #tpu.memory_space<semaphore_mem>>
    %dma_wait3A_784 = tpu.memref_squeeze %dma_wait3A_783 : memref<1x!tpu.dma_semaphore, #tpu.memory_space<semaphore_mem>> -> memref<!tpu.dma_semaphore, #tpu.memory_space<semaphore_mem>>
    %dma_wait3A_785 = arith.constant 0 : i32
    %dma_wait3A_786 = tpu.memref_slice %arg7[%mul3A_2, %dma_wait3A_785] : memref<16384x64xf32, #tpu.memory_space<hbm>> -> memref<512x64xf32, #tpu.memory_space<hbm>>
    %dma_wait3A_787 = arith.constant 0 : i32
    %dma_wait3A_788 = arith.constant 0 : i32
    %dma_wait3A_789 = tpu.memref_slice %arg11[%dma_wait3A_775, %dma_wait3A_787, %dma_wait3A_788] : memref<2x512x64xf32, #tpu.memory_space<vmem>> -> memref<1x512x64xf32, #tpu.memory_space<vmem>>
    %dma_wait3A_790 = tpu.memref_squeeze %dma_wait3A_789 : memref<1x512x64xf32, #tpu.memory_space<vmem>> -> memref<512x64xf32, #tpu.memory_space<vmem>>
    tpu.wait_dma2 semaphore(%dma_wait3A_784 : memref<!tpu.dma_semaphore, #tpu.memory_space<semaphore_mem>>) src(%dma_wait3A_790 : memref<512x64xf32, #tpu.memory_space<vmem>>) dst(%dma_wait3A_786 : memref<512x64xf32, #tpu.memory_space<hbm>>)
    return
  }
}

#map = affine_map<(d0, d1) -> (0)>
#map1 = affine_map<(d0, d1) -> (0, 0)>
module attributes {stable_mosaic.version = 14 : i64} {
  func.func @body(%arg0: i32, %arg1: i32, %arg2: memref<16384xi32, #tpu.memory_space<hbm>>, %arg3: memref<30000xi32, #tpu.memory_space<hbm>>, %arg4: memref<4095x64xf32, #tpu.memory_space<hbm>>, %arg5: memref<3000x64xf32, #tpu.memory_space<hbm>>, %arg6: memref<4095x64xf32, #tpu.memory_space<hbm>>, %arg7: memref<16384x64xf32, #tpu.memory_space<hbm>>, %arg8: memref<16384x64xf32, #tpu.memory_space<hbm>>, %arg9: memref<16384x64xf32, #tpu.memory_space<hbm>>, %arg10: memref<512xi32, #tpu.memory_space<vmem>>, %arg11: memref<1536xi32, #tpu.memory_space<vmem>>, %arg12: memref<1536xi32, #tpu.memory_space<vmem>>, %arg13: memref<3x512x64xf32, #tpu.memory_space<vmem>>, %arg14: memref<3x!tpu.dma_semaphore, #tpu.memory_space<semaphore_mem>>, %arg15: memref<3x!tpu.dma_semaphore, #tpu.memory_space<semaphore_mem>>, %arg16: memref<3x!tpu.dma_semaphore, #tpu.memory_space<semaphore_mem>>) attributes {dimension_semantics = [#tpu.dimension_semantics<core_parallel>, #tpu.dimension_semantics<subcore_parallel>], iteration_bounds = array<i64: 2, 16>, scalar_prefetch = 0 : i64, scratch_operands = 7 : i64, tpu.core_type = #tpu.core_type<sc_vector_subcore>, window_params = [{transform_indices = #map}, {transform_indices = #map}, {transform_indices = #map1}, {transform_indices = #map1}, {transform_indices = #map1}, {transform_indices = #map1}, {transform_indices = #map1}, {transform_indices = #map1}]} {
    %mul3A = arith.constant 2 : i32
    %mul3A_0 = arith.muli %arg1, %mul3A : i32
    %add3A = arith.addi %mul3A_0, %arg0 : i32
    %mul3A_1 = arith.constant 512 : i32
    %mul3A_2 = arith.muli %add3A, %mul3A_1 : i32
    "tpu.region"() ({
      %run_scoped3A = tpu.sem_alloc : memref<!tpu.dma_semaphore, #tpu.memory_space<semaphore_mem>>
      %dma_start3A_1187 = tpu.memref_slice %arg2[%mul3A_2] : memref<16384xi32, #tpu.memory_space<hbm>> -> memref<512xi32, #tpu.memory_space<hbm>>
      %dma_start3A_1188 = tpu.memref_slice %arg2[%mul3A_2] : memref<16384xi32, #tpu.memory_space<hbm>> -> memref<512xi32, #tpu.memory_space<hbm>>
      tpu.enqueue_dma source(%dma_start3A_1188 : memref<512xi32, #tpu.memory_space<hbm>>) target(%arg10 : memref<512xi32, #tpu.memory_space<vmem>>) target_semaphore(%run_scoped3A : memref<!tpu.dma_semaphore, #tpu.memory_space<semaphore_mem>>)
      %dma_wait3A_1189 = tpu.memref_slice %arg2[%mul3A_2] : memref<16384xi32, #tpu.memory_space<hbm>> -> memref<512xi32, #tpu.memory_space<hbm>>
      %dma_wait3A_1190 = tpu.memref_slice %arg2[%mul3A_2] : memref<16384xi32, #tpu.memory_space<hbm>> -> memref<512xi32, #tpu.memory_space<hbm>>
      tpu.wait_dma2 semaphore(%run_scoped3A : memref<!tpu.dma_semaphore, #tpu.memory_space<semaphore_mem>>) src(%dma_wait3A_1190 : memref<512xi32, #tpu.memory_space<hbm>>) dst(%arg10 : memref<512xi32, #tpu.memory_space<vmem>>)
      tpu.yield
    }) : () -> ()
    %get3A = arith.constant 0 : index
    %get3A_3 = tpu.vector_load %arg10[%get3A] {strides = array<i32>} : memref<512xi32, #tpu.memory_space<vmem>>, vector<16xi32>,
    %get3A_4 = vector.shape_cast %get3A_3 : vector<16xi32> to vector<16xi32>
    %add3A_5 = arith.constant 0 : i32
    %add3A_6 = vector.broadcast %add3A_5 : i32 to vector<16xi32>
    %add3A_7 = arith.addi %get3A_4, %add3A_6 : vector<16xi32>
    %swap3A = arith.constant 0 : index
    %swap3A_8 = tpu.vector_load %arg11[%swap3A] {strides = array<i32>} : memref<1536xi32, #tpu.memory_space<vmem>>, vector<16xi32>,
    %swap3A_9 = vector.shape_cast %swap3A_8 : vector<16xi32> to vector<16xi32>
    %swap3A_10 = vector.shape_cast %add3A_7 : vector<16xi32> to vector<16xi32>
    tpu.vector_store %arg11[%swap3A], %swap3A_10 {strides = array<i32>} : memref<1536xi32, #tpu.memory_space<vmem>>, vector<16xi32>,
    %get3A_11 = arith.constant 16 : index
    %get3A_12 = tpu.vector_load %arg10[%get3A_11] {strides = array<i32>} : memref<512xi32, #tpu.memory_space<vmem>>, vector<16xi32>,
    %get3A_13 = vector.shape_cast %get3A_12 : vector<16xi32> to vector<16xi32>
    %add3A_14 = arith.constant 0 : i32
    %add3A_15 = vector.broadcast %add3A_14 : i32 to vector<16xi32>
    %add3A_16 = arith.addi %get3A_13, %add3A_15 : vector<16xi32>
    %swap3A_17 = arith.constant 16 : index
    %swap3A_18 = tpu.vector_load %arg11[%swap3A_17] {strides = array<i32>} : memref<1536xi32, #tpu.memory_space<vmem>>, vector<16xi32>,
    %swap3A_19 = vector.shape_cast %swap3A_18 : vector<16xi32> to vector<16xi32>
    %swap3A_20 = vector.shape_cast %add3A_16 : vector<16xi32> to vector<16xi32>
    tpu.vector_store %arg11[%swap3A_17], %swap3A_20 {strides = array<i32>} : memref<1536xi32, #tpu.memory_space<vmem>>, vector<16xi32>,
    %get3A_21 = arith.constant 32 : index
    %get3A_22 = tpu.vector_load %arg10[%get3A_21] {strides = array<i32>} : memref<512xi32, #tpu.memory_space<vmem>>, vector<16xi32>,
    %get3A_23 = vector.shape_cast %get3A_22 : vector<16xi32> to vector<16xi32>
    %add3A_24 = arith.constant 0 : i32
    %add3A_25 = vector.broadcast %add3A_24 : i32 to vector<16xi32>
    %add3A_26 = arith.addi %get3A_23, %add3A_25 : vector<16xi32>
    %swap3A_27 = arith.constant 32 : index
    %swap3A_28 = tpu.vector_load %arg11[%swap3A_27] {strides = array<i32>} : memref<1536xi32, #tpu.memory_space<vmem>>, vector<16xi32>,
    %swap3A_29 = vector.shape_cast %swap3A_28 : vector<16xi32> to vector<16xi32>
    %swap3A_30 = vector.shape_cast %add3A_26 : vector<16xi32> to vector<16xi32>
    tpu.vector_store %arg11[%swap3A_27], %swap3A_30 {strides = array<i32>} : memref<1536xi32, #tpu.memory_space<vmem>>, vector<16xi32>,
    %get3A_31 = arith.constant 48 : index
    %get3A_32 = tpu.vector_load %arg10[%get3A_31] {strides = array<i32>} : memref<512xi32, #tpu.memory_space<vmem>>, vector<16xi32>,
    %get3A_33 = vector.shape_cast %get3A_32 : vector<16xi32> to vector<16xi32>
    %add3A_34 = arith.constant 0 : i32
    %add3A_35 = vector.broadcast %add3A_34 : i32 to vector<16xi32>
    %add3A_36 = arith.addi %get3A_33, %add3A_35 : vector<16xi32>
    %swap3A_37 = arith.constant 48 : index
    %swap3A_38 = tpu.vector_load %arg11[%swap3A_37] {strides = array<i32>} : memref<1536xi32, #tpu.memory_space<vmem>>, vector<16xi32>,
    %swap3A_39 = vector.shape_cast %swap3A_38 : vector<16xi32> to vector<16xi32>
    %swap3A_40 = vector.shape_cast %add3A_36 : vector<16xi32> to vector<16xi32>
    tpu.vector_store %arg11[%swap3A_37], %swap3A_40 {strides = array<i32>} : memref<1536xi32, #tpu.memory_space<vmem>>, vector<16xi32>,
    %get3A_41 = arith.constant 64 : index
    %get3A_42 = tpu.vector_load %arg10[%get3A_41] {strides = array<i32>} : memref<512xi32, #tpu.memory_space<vmem>>, vector<16xi32>,
    %get3A_43 = vector.shape_cast %get3A_42 : vector<16xi32> to vector<16xi32>
    %add3A_44 = arith.constant 0 : i32
    %add3A_45 = vector.broadcast %add3A_44 : i32 to vector<16xi32>
    %add3A_46 = arith.addi %get3A_43, %add3A_45 : vector<16xi32>
    %swap3A_47 = arith.constant 64 : index
    %swap3A_48 = tpu.vector_load %arg11[%swap3A_47] {strides = array<i32>} : memref<1536xi32, #tpu.memory_space<vmem>>, vector<16xi32>,
    %swap3A_49 = vector.shape_cast %swap3A_48 : vector<16xi32> to vector<16xi32>
    %swap3A_50 = vector.shape_cast %add3A_46 : vector<16xi32> to vector<16xi32>
    tpu.vector_store %arg11[%swap3A_47], %swap3A_50 {strides = array<i32>} : memref<1536xi32, #tpu.memory_space<vmem>>, vector<16xi32>,
    %get3A_51 = arith.constant 80 : index
    %get3A_52 = tpu.vector_load %arg10[%get3A_51] {strides = array<i32>} : memref<512xi32, #tpu.memory_space<vmem>>, vector<16xi32>,
    %get3A_53 = vector.shape_cast %get3A_52 : vector<16xi32> to vector<16xi32>
    %add3A_54 = arith.constant 0 : i32
    %add3A_55 = vector.broadcast %add3A_54 : i32 to vector<16xi32>
    %add3A_56 = arith.addi %get3A_53, %add3A_55 : vector<16xi32>
    %swap3A_57 = arith.constant 80 : index
    %swap3A_58 = tpu.vector_load %arg11[%swap3A_57] {strides = array<i32>} : memref<1536xi32, #tpu.memory_space<vmem>>, vector<16xi32>,
    %swap3A_59 = vector.shape_cast %swap3A_58 : vector<16xi32> to vector<16xi32>
    %swap3A_60 = vector.shape_cast %add3A_56 : vector<16xi32> to vector<16xi32>
    tpu.vector_store %arg11[%swap3A_57], %swap3A_60 {strides = array<i32>} : memref<1536xi32, #tpu.memory_space<vmem>>, vector<16xi32>,
    %get3A_61 = arith.constant 96 : index
    %get3A_62 = tpu.vector_load %arg10[%get3A_61] {strides = array<i32>} : memref<512xi32, #tpu.memory_space<vmem>>, vector<16xi32>,
    %get3A_63 = vector.shape_cast %get3A_62 : vector<16xi32> to vector<16xi32>
    %add3A_64 = arith.constant 0 : i32
    %add3A_65 = vector.broadcast %add3A_64 : i32 to vector<16xi32>
    %add3A_66 = arith.addi %get3A_63, %add3A_65 : vector<16xi32>
    %swap3A_67 = arith.constant 96 : index
    %swap3A_68 = tpu.vector_load %arg11[%swap3A_67] {strides = array<i32>} : memref<1536xi32, #tpu.memory_space<vmem>>, vector<16xi32>,
    %swap3A_69 = vector.shape_cast %swap3A_68 : vector<16xi32> to vector<16xi32>
    %swap3A_70 = vector.shape_cast %add3A_66 : vector<16xi32> to vector<16xi32>
    tpu.vector_store %arg11[%swap3A_67], %swap3A_70 {strides = array<i32>} : memref<1536xi32, #tpu.memory_space<vmem>>, vector<16xi32>,
    %get3A_71 = arith.constant 112 : index
    %get3A_72 = tpu.vector_load %arg10[%get3A_71] {strides = array<i32>} : memref<512xi32, #tpu.memory_space<vmem>>, vector<16xi32>,
    %get3A_73 = vector.shape_cast %get3A_72 : vector<16xi32> to vector<16xi32>
    %add3A_74 = arith.constant 0 : i32
    %add3A_75 = vector.broadcast %add3A_74 : i32 to vector<16xi32>
    %add3A_76 = arith.addi %get3A_73, %add3A_75 : vector<16xi32>
    %swap3A_77 = arith.constant 112 : index
    %swap3A_78 = tpu.vector_load %arg11[%swap3A_77] {strides = array<i32>} : memref<1536xi32, #tpu.memory_space<vmem>>, vector<16xi32>,
    %swap3A_79 = vector.shape_cast %swap3A_78 : vector<16xi32> to vector<16xi32>
    %swap3A_80 = vector.shape_cast %add3A_76 : vector<16xi32> to vector<16xi32>
    tpu.vector_store %arg11[%swap3A_77], %swap3A_80 {strides = array<i32>} : memref<1536xi32, #tpu.memory_space<vmem>>, vector<16xi32>,
    %get3A_81 = arith.constant 128 : index
    %get3A_82 = tpu.vector_load %arg10[%get3A_81] {strides = array<i32>} : memref<512xi32, #tpu.memory_space<vmem>>, vector<16xi32>,
    %get3A_83 = vector.shape_cast %get3A_82 : vector<16xi32> to vector<16xi32>
    %add3A_84 = arith.constant 0 : i32
    %add3A_85 = vector.broadcast %add3A_84 : i32 to vector<16xi32>
    %add3A_86 = arith.addi %get3A_83, %add3A_85 : vector<16xi32>
    %swap3A_87 = arith.constant 128 : index
    %swap3A_88 = tpu.vector_load %arg11[%swap3A_87] {strides = array<i32>} : memref<1536xi32, #tpu.memory_space<vmem>>, vector<16xi32>,
    %swap3A_89 = vector.shape_cast %swap3A_88 : vector<16xi32> to vector<16xi32>
    %swap3A_90 = vector.shape_cast %add3A_86 : vector<16xi32> to vector<16xi32>
    tpu.vector_store %arg11[%swap3A_87], %swap3A_90 {strides = array<i32>} : memref<1536xi32, #tpu.memory_space<vmem>>, vector<16xi32>,
    %get3A_91 = arith.constant 144 : index
    %get3A_92 = tpu.vector_load %arg10[%get3A_91] {strides = array<i32>} : memref<512xi32, #tpu.memory_space<vmem>>, vector<16xi32>,
    %get3A_93 = vector.shape_cast %get3A_92 : vector<16xi32> to vector<16xi32>
    %add3A_94 = arith.constant 0 : i32
    %add3A_95 = vector.broadcast %add3A_94 : i32 to vector<16xi32>
    %add3A_96 = arith.addi %get3A_93, %add3A_95 : vector<16xi32>
    %swap3A_97 = arith.constant 144 : index
    %swap3A_98 = tpu.vector_load %arg11[%swap3A_97] {strides = array<i32>} : memref<1536xi32, #tpu.memory_space<vmem>>, vector<16xi32>,
    %swap3A_99 = vector.shape_cast %swap3A_98 : vector<16xi32> to vector<16xi32>
    %swap3A_100 = vector.shape_cast %add3A_96 : vector<16xi32> to vector<16xi32>
    tpu.vector_store %arg11[%swap3A_97], %swap3A_100 {strides = array<i32>} : memref<1536xi32, #tpu.memory_space<vmem>>, vector<16xi32>,
    %get3A_101 = arith.constant 160 : index
    %get3A_102 = tpu.vector_load %arg10[%get3A_101] {strides = array<i32>} : memref<512xi32, #tpu.memory_space<vmem>>, vector<16xi32>,
    %get3A_103 = vector.shape_cast %get3A_102 : vector<16xi32> to vector<16xi32>
    %add3A_104 = arith.constant 0 : i32
    %add3A_105 = vector.broadcast %add3A_104 : i32 to vector<16xi32>
    %add3A_106 = arith.addi %get3A_103, %add3A_105 : vector<16xi32>
    %swap3A_107 = arith.constant 160 : index
    %swap3A_108 = tpu.vector_load %arg11[%swap3A_107] {strides = array<i32>} : memref<1536xi32, #tpu.memory_space<vmem>>, vector<16xi32>,
    %swap3A_109 = vector.shape_cast %swap3A_108 : vector<16xi32> to vector<16xi32>
    %swap3A_110 = vector.shape_cast %add3A_106 : vector<16xi32> to vector<16xi32>
    tpu.vector_store %arg11[%swap3A_107], %swap3A_110 {strides = array<i32>} : memref<1536xi32, #tpu.memory_space<vmem>>, vector<16xi32>,
    %get3A_111 = arith.constant 176 : index
    %get3A_112 = tpu.vector_load %arg10[%get3A_111] {strides = array<i32>} : memref<512xi32, #tpu.memory_space<vmem>>, vector<16xi32>,
    %get3A_113 = vector.shape_cast %get3A_112 : vector<16xi32> to vector<16xi32>
    %add3A_114 = arith.constant 0 : i32
    %add3A_115 = vector.broadcast %add3A_114 : i32 to vector<16xi32>
    %add3A_116 = arith.addi %get3A_113, %add3A_115 : vector<16xi32>
    %swap3A_117 = arith.constant 176 : index
    %swap3A_118 = tpu.vector_load %arg11[%swap3A_117] {strides = array<i32>} : memref<1536xi32, #tpu.memory_space<vmem>>, vector<16xi32>,
    %swap3A_119 = vector.shape_cast %swap3A_118 : vector<16xi32> to vector<16xi32>
    %swap3A_120 = vector.shape_cast %add3A_116 : vector<16xi32> to vector<16xi32>
    tpu.vector_store %arg11[%swap3A_117], %swap3A_120 {strides = array<i32>} : memref<1536xi32, #tpu.memory_space<vmem>>, vector<16xi32>,
    %get3A_121 = arith.constant 192 : index
    %get3A_122 = tpu.vector_load %arg10[%get3A_121] {strides = array<i32>} : memref<512xi32, #tpu.memory_space<vmem>>, vector<16xi32>,
    %get3A_123 = vector.shape_cast %get3A_122 : vector<16xi32> to vector<16xi32>
    %add3A_124 = arith.constant 0 : i32
    %add3A_125 = vector.broadcast %add3A_124 : i32 to vector<16xi32>
    %add3A_126 = arith.addi %get3A_123, %add3A_125 : vector<16xi32>
    %swap3A_127 = arith.constant 192 : index
    %swap3A_128 = tpu.vector_load %arg11[%swap3A_127] {strides = array<i32>} : memref<1536xi32, #tpu.memory_space<vmem>>, vector<16xi32>,
    %swap3A_129 = vector.shape_cast %swap3A_128 : vector<16xi32> to vector<16xi32>
    %swap3A_130 = vector.shape_cast %add3A_126 : vector<16xi32> to vector<16xi32>
    tpu.vector_store %arg11[%swap3A_127], %swap3A_130 {strides = array<i32>} : memref<1536xi32, #tpu.memory_space<vmem>>, vector<16xi32>,
    %get3A_131 = arith.constant 208 : index
    %get3A_132 = tpu.vector_load %arg10[%get3A_131] {strides = array<i32>} : memref<512xi32, #tpu.memory_space<vmem>>, vector<16xi32>,
    %get3A_133 = vector.shape_cast %get3A_132 : vector<16xi32> to vector<16xi32>
    %add3A_134 = arith.constant 0 : i32
    %add3A_135 = vector.broadcast %add3A_134 : i32 to vector<16xi32>
    %add3A_136 = arith.addi %get3A_133, %add3A_135 : vector<16xi32>
    %swap3A_137 = arith.constant 208 : index
    %swap3A_138 = tpu.vector_load %arg11[%swap3A_137] {strides = array<i32>} : memref<1536xi32, #tpu.memory_space<vmem>>, vector<16xi32>,
    %swap3A_139 = vector.shape_cast %swap3A_138 : vector<16xi32> to vector<16xi32>
    %swap3A_140 = vector.shape_cast %add3A_136 : vector<16xi32> to vector<16xi32>
    tpu.vector_store %arg11[%swap3A_137], %swap3A_140 {strides = array<i32>} : memref<1536xi32, #tpu.memory_space<vmem>>, vector<16xi32>,
    %get3A_141 = arith.constant 224 : index
    %get3A_142 = tpu.vector_load %arg10[%get3A_141] {strides = array<i32>} : memref<512xi32, #tpu.memory_space<vmem>>, vector<16xi32>,
    %get3A_143 = vector.shape_cast %get3A_142 : vector<16xi32> to vector<16xi32>
    %add3A_144 = arith.constant 0 : i32
    %add3A_145 = vector.broadcast %add3A_144 : i32 to vector<16xi32>
    %add3A_146 = arith.addi %get3A_143, %add3A_145 : vector<16xi32>
    %swap3A_147 = arith.constant 224 : index
    %swap3A_148 = tpu.vector_load %arg11[%swap3A_147] {strides = array<i32>} : memref<1536xi32, #tpu.memory_space<vmem>>, vector<16xi32>,
    %swap3A_149 = vector.shape_cast %swap3A_148 : vector<16xi32> to vector<16xi32>
    %swap3A_150 = vector.shape_cast %add3A_146 : vector<16xi32> to vector<16xi32>
    tpu.vector_store %arg11[%swap3A_147], %swap3A_150 {strides = array<i32>} : memref<1536xi32, #tpu.memory_space<vmem>>, vector<16xi32>,
    %get3A_151 = arith.constant 240 : index
    %get3A_152 = tpu.vector_load %arg10[%get3A_151] {strides = array<i32>} : memref<512xi32, #tpu.memory_space<vmem>>, vector<16xi32>,
    %get3A_153 = vector.shape_cast %get3A_152 : vector<16xi32> to vector<16xi32>
    %add3A_154 = arith.constant 0 : i32
    %add3A_155 = vector.broadcast %add3A_154 : i32 to vector<16xi32>
    %add3A_156 = arith.addi %get3A_153, %add3A_155 : vector<16xi32>
    %swap3A_157 = arith.constant 240 : index
    %swap3A_158 = tpu.vector_load %arg11[%swap3A_157] {strides = array<i32>} : memref<1536xi32, #tpu.memory_space<vmem>>, vector<16xi32>,
    %swap3A_159 = vector.shape_cast %swap3A_158 : vector<16xi32> to vector<16xi32>
    %swap3A_160 = vector.shape_cast %add3A_156 : vector<16xi32> to vector<16xi32>
    tpu.vector_store %arg11[%swap3A_157], %swap3A_160 {strides = array<i32>} : memref<1536xi32, #tpu.memory_space<vmem>>, vector<16xi32>,
    %get3A_161 = arith.constant 256 : index
    %get3A_162 = tpu.vector_load %arg10[%get3A_161] {strides = array<i32>} : memref<512xi32, #tpu.memory_space<vmem>>, vector<16xi32>,
    %get3A_163 = vector.shape_cast %get3A_162 : vector<16xi32> to vector<16xi32>
    %add3A_164 = arith.constant 0 : i32
    %add3A_165 = vector.broadcast %add3A_164 : i32 to vector<16xi32>
    %add3A_166 = arith.addi %get3A_163, %add3A_165 : vector<16xi32>
    %swap3A_167 = arith.constant 256 : index
    %swap3A_168 = tpu.vector_load %arg11[%swap3A_167] {strides = array<i32>} : memref<1536xi32, #tpu.memory_space<vmem>>, vector<16xi32>,
    %swap3A_169 = vector.shape_cast %swap3A_168 : vector<16xi32> to vector<16xi32>
    %swap3A_170 = vector.shape_cast %add3A_166 : vector<16xi32> to vector<16xi32>
    tpu.vector_store %arg11[%swap3A_167], %swap3A_170 {strides = array<i32>} : memref<1536xi32, #tpu.memory_space<vmem>>, vector<16xi32>,
    %get3A_171 = arith.constant 272 : index
    %get3A_172 = tpu.vector_load %arg10[%get3A_171] {strides = array<i32>} : memref<512xi32, #tpu.memory_space<vmem>>, vector<16xi32>,
    %get3A_173 = vector.shape_cast %get3A_172 : vector<16xi32> to vector<16xi32>
    %add3A_174 = arith.constant 0 : i32
    %add3A_175 = vector.broadcast %add3A_174 : i32 to vector<16xi32>
    %add3A_176 = arith.addi %get3A_173, %add3A_175 : vector<16xi32>
    %swap3A_177 = arith.constant 272 : index
    %swap3A_178 = tpu.vector_load %arg11[%swap3A_177] {strides = array<i32>} : memref<1536xi32, #tpu.memory_space<vmem>>, vector<16xi32>,
    %swap3A_179 = vector.shape_cast %swap3A_178 : vector<16xi32> to vector<16xi32>
    %swap3A_180 = vector.shape_cast %add3A_176 : vector<16xi32> to vector<16xi32>
    tpu.vector_store %arg11[%swap3A_177], %swap3A_180 {strides = array<i32>} : memref<1536xi32, #tpu.memory_space<vmem>>, vector<16xi32>,
    %get3A_181 = arith.constant 288 : index
    %get3A_182 = tpu.vector_load %arg10[%get3A_181] {strides = array<i32>} : memref<512xi32, #tpu.memory_space<vmem>>, vector<16xi32>,
    %get3A_183 = vector.shape_cast %get3A_182 : vector<16xi32> to vector<16xi32>
    %add3A_184 = arith.constant 0 : i32
    %add3A_185 = vector.broadcast %add3A_184 : i32 to vector<16xi32>
    %add3A_186 = arith.addi %get3A_183, %add3A_185 : vector<16xi32>
    %swap3A_187 = arith.constant 288 : index
    %swap3A_188 = tpu.vector_load %arg11[%swap3A_187] {strides = array<i32>} : memref<1536xi32, #tpu.memory_space<vmem>>, vector<16xi32>,
    %swap3A_189 = vector.shape_cast %swap3A_188 : vector<16xi32> to vector<16xi32>
    %swap3A_190 = vector.shape_cast %add3A_186 : vector<16xi32> to vector<16xi32>
    tpu.vector_store %arg11[%swap3A_187], %swap3A_190 {strides = array<i32>} : memref<1536xi32, #tpu.memory_space<vmem>>, vector<16xi32>,
    %get3A_191 = arith.constant 304 : index
    %get3A_192 = tpu.vector_load %arg10[%get3A_191] {strides = array<i32>} : memref<512xi32, #tpu.memory_space<vmem>>, vector<16xi32>,
    %get3A_193 = vector.shape_cast %get3A_192 : vector<16xi32> to vector<16xi32>
    %add3A_194 = arith.constant 0 : i32
    %add3A_195 = vector.broadcast %add3A_194 : i32 to vector<16xi32>
    %add3A_196 = arith.addi %get3A_193, %add3A_195 : vector<16xi32>
    %swap3A_197 = arith.constant 304 : index
    %swap3A_198 = tpu.vector_load %arg11[%swap3A_197] {strides = array<i32>} : memref<1536xi32, #tpu.memory_space<vmem>>, vector<16xi32>,
    %swap3A_199 = vector.shape_cast %swap3A_198 : vector<16xi32> to vector<16xi32>
    %swap3A_200 = vector.shape_cast %add3A_196 : vector<16xi32> to vector<16xi32>
    tpu.vector_store %arg11[%swap3A_197], %swap3A_200 {strides = array<i32>} : memref<1536xi32, #tpu.memory_space<vmem>>, vector<16xi32>,
    %get3A_201 = arith.constant 320 : index
    %get3A_202 = tpu.vector_load %arg10[%get3A_201] {strides = array<i32>} : memref<512xi32, #tpu.memory_space<vmem>>, vector<16xi32>,
    %get3A_203 = vector.shape_cast %get3A_202 : vector<16xi32> to vector<16xi32>
    %add3A_204 = arith.constant 0 : i32
    %add3A_205 = vector.broadcast %add3A_204 : i32 to vector<16xi32>
    %add3A_206 = arith.addi %get3A_203, %add3A_205 : vector<16xi32>
    %swap3A_207 = arith.constant 320 : index
    %swap3A_208 = tpu.vector_load %arg11[%swap3A_207] {strides = array<i32>} : memref<1536xi32, #tpu.memory_space<vmem>>, vector<16xi32>,
    %swap3A_209 = vector.shape_cast %swap3A_208 : vector<16xi32> to vector<16xi32>
    %swap3A_210 = vector.shape_cast %add3A_206 : vector<16xi32> to vector<16xi32>
    tpu.vector_store %arg11[%swap3A_207], %swap3A_210 {strides = array<i32>} : memref<1536xi32, #tpu.memory_space<vmem>>, vector<16xi32>,
    %get3A_211 = arith.constant 336 : index
    %get3A_212 = tpu.vector_load %arg10[%get3A_211] {strides = array<i32>} : memref<512xi32, #tpu.memory_space<vmem>>, vector<16xi32>,
    %get3A_213 = vector.shape_cast %get3A_212 : vector<16xi32> to vector<16xi32>
    %add3A_214 = arith.constant 0 : i32
    %add3A_215 = vector.broadcast %add3A_214 : i32 to vector<16xi32>
    %add3A_216 = arith.addi %get3A_213, %add3A_215 : vector<16xi32>
    %swap3A_217 = arith.constant 336 : index
    %swap3A_218 = tpu.vector_load %arg11[%swap3A_217] {strides = array<i32>} : memref<1536xi32, #tpu.memory_space<vmem>>, vector<16xi32>,
    %swap3A_219 = vector.shape_cast %swap3A_218 : vector<16xi32> to vector<16xi32>
    %swap3A_220 = vector.shape_cast %add3A_216 : vector<16xi32> to vector<16xi32>
    tpu.vector_store %arg11[%swap3A_217], %swap3A_220 {strides = array<i32>} : memref<1536xi32, #tpu.memory_space<vmem>>, vector<16xi32>,
    %get3A_221 = arith.constant 352 : index
    %get3A_222 = tpu.vector_load %arg10[%get3A_221] {strides = array<i32>} : memref<512xi32, #tpu.memory_space<vmem>>, vector<16xi32>,
    %get3A_223 = vector.shape_cast %get3A_222 : vector<16xi32> to vector<16xi32>
    %add3A_224 = arith.constant 0 : i32
    %add3A_225 = vector.broadcast %add3A_224 : i32 to vector<16xi32>
    %add3A_226 = arith.addi %get3A_223, %add3A_225 : vector<16xi32>
    %swap3A_227 = arith.constant 352 : index
    %swap3A_228 = tpu.vector_load %arg11[%swap3A_227] {strides = array<i32>} : memref<1536xi32, #tpu.memory_space<vmem>>, vector<16xi32>,
    %swap3A_229 = vector.shape_cast %swap3A_228 : vector<16xi32> to vector<16xi32>
    %swap3A_230 = vector.shape_cast %add3A_226 : vector<16xi32> to vector<16xi32>
    tpu.vector_store %arg11[%swap3A_227], %swap3A_230 {strides = array<i32>} : memref<1536xi32, #tpu.memory_space<vmem>>, vector<16xi32>,
    %get3A_231 = arith.constant 368 : index
    %get3A_232 = tpu.vector_load %arg10[%get3A_231] {strides = array<i32>} : memref<512xi32, #tpu.memory_space<vmem>>, vector<16xi32>,
    %get3A_233 = vector.shape_cast %get3A_232 : vector<16xi32> to vector<16xi32>
    %add3A_234 = arith.constant 0 : i32
    %add3A_235 = vector.broadcast %add3A_234 : i32 to vector<16xi32>
    %add3A_236 = arith.addi %get3A_233, %add3A_235 : vector<16xi32>
    %swap3A_237 = arith.constant 368 : index
    %swap3A_238 = tpu.vector_load %arg11[%swap3A_237] {strides = array<i32>} : memref<1536xi32, #tpu.memory_space<vmem>>, vector<16xi32>,
    %swap3A_239 = vector.shape_cast %swap3A_238 : vector<16xi32> to vector<16xi32>
    %swap3A_240 = vector.shape_cast %add3A_236 : vector<16xi32> to vector<16xi32>
    tpu.vector_store %arg11[%swap3A_237], %swap3A_240 {strides = array<i32>} : memref<1536xi32, #tpu.memory_space<vmem>>, vector<16xi32>,
    %get3A_241 = arith.constant 384 : index
    %get3A_242 = tpu.vector_load %arg10[%get3A_241] {strides = array<i32>} : memref<512xi32, #tpu.memory_space<vmem>>, vector<16xi32>,
    %get3A_243 = vector.shape_cast %get3A_242 : vector<16xi32> to vector<16xi32>
    %add3A_244 = arith.constant 0 : i32
    %add3A_245 = vector.broadcast %add3A_244 : i32 to vector<16xi32>
    %add3A_246 = arith.addi %get3A_243, %add3A_245 : vector<16xi32>
    %swap3A_247 = arith.constant 384 : index
    %swap3A_248 = tpu.vector_load %arg11[%swap3A_247] {strides = array<i32>} : memref<1536xi32, #tpu.memory_space<vmem>>, vector<16xi32>,
    %swap3A_249 = vector.shape_cast %swap3A_248 : vector<16xi32> to vector<16xi32>
    %swap3A_250 = vector.shape_cast %add3A_246 : vector<16xi32> to vector<16xi32>
    tpu.vector_store %arg11[%swap3A_247], %swap3A_250 {strides = array<i32>} : memref<1536xi32, #tpu.memory_space<vmem>>, vector<16xi32>,
    %get3A_251 = arith.constant 400 : index
    %get3A_252 = tpu.vector_load %arg10[%get3A_251] {strides = array<i32>} : memref<512xi32, #tpu.memory_space<vmem>>, vector<16xi32>,
    %get3A_253 = vector.shape_cast %get3A_252 : vector<16xi32> to vector<16xi32>
    %add3A_254 = arith.constant 0 : i32
    %add3A_255 = vector.broadcast %add3A_254 : i32 to vector<16xi32>
    %add3A_256 = arith.addi %get3A_253, %add3A_255 : vector<16xi32>
    %swap3A_257 = arith.constant 400 : index
    %swap3A_258 = tpu.vector_load %arg11[%swap3A_257] {strides = array<i32>} : memref<1536xi32, #tpu.memory_space<vmem>>, vector<16xi32>,
    %swap3A_259 = vector.shape_cast %swap3A_258 : vector<16xi32> to vector<16xi32>
    %swap3A_260 = vector.shape_cast %add3A_256 : vector<16xi32> to vector<16xi32>
    tpu.vector_store %arg11[%swap3A_257], %swap3A_260 {strides = array<i32>} : memref<1536xi32, #tpu.memory_space<vmem>>, vector<16xi32>,
    %get3A_261 = arith.constant 416 : index
    %get3A_262 = tpu.vector_load %arg10[%get3A_261] {strides = array<i32>} : memref<512xi32, #tpu.memory_space<vmem>>, vector<16xi32>,
    %get3A_263 = vector.shape_cast %get3A_262 : vector<16xi32> to vector<16xi32>
    %add3A_264 = arith.constant 0 : i32
    %add3A_265 = vector.broadcast %add3A_264 : i32 to vector<16xi32>
    %add3A_266 = arith.addi %get3A_263, %add3A_265 : vector<16xi32>
    %swap3A_267 = arith.constant 416 : index
    %swap3A_268 = tpu.vector_load %arg11[%swap3A_267] {strides = array<i32>} : memref<1536xi32, #tpu.memory_space<vmem>>, vector<16xi32>,
    %swap3A_269 = vector.shape_cast %swap3A_268 : vector<16xi32> to vector<16xi32>
    %swap3A_270 = vector.shape_cast %add3A_266 : vector<16xi32> to vector<16xi32>
    tpu.vector_store %arg11[%swap3A_267], %swap3A_270 {strides = array<i32>} : memref<1536xi32, #tpu.memory_space<vmem>>, vector<16xi32>,
    %get3A_271 = arith.constant 432 : index
    %get3A_272 = tpu.vector_load %arg10[%get3A_271] {strides = array<i32>} : memref<512xi32, #tpu.memory_space<vmem>>, vector<16xi32>,
    %get3A_273 = vector.shape_cast %get3A_272 : vector<16xi32> to vector<16xi32>
    %add3A_274 = arith.constant 0 : i32
    %add3A_275 = vector.broadcast %add3A_274 : i32 to vector<16xi32>
    %add3A_276 = arith.addi %get3A_273, %add3A_275 : vector<16xi32>
    %swap3A_277 = arith.constant 432 : index
    %swap3A_278 = tpu.vector_load %arg11[%swap3A_277] {strides = array<i32>} : memref<1536xi32, #tpu.memory_space<vmem>>, vector<16xi32>,
    %swap3A_279 = vector.shape_cast %swap3A_278 : vector<16xi32> to vector<16xi32>
    %swap3A_280 = vector.shape_cast %add3A_276 : vector<16xi32> to vector<16xi32>
    tpu.vector_store %arg11[%swap3A_277], %swap3A_280 {strides = array<i32>} : memref<1536xi32, #tpu.memory_space<vmem>>, vector<16xi32>,
    %get3A_281 = arith.constant 448 : index
    %get3A_282 = tpu.vector_load %arg10[%get3A_281] {strides = array<i32>} : memref<512xi32, #tpu.memory_space<vmem>>, vector<16xi32>,
    %get3A_283 = vector.shape_cast %get3A_282 : vector<16xi32> to vector<16xi32>
    %add3A_284 = arith.constant 0 : i32
    %add3A_285 = vector.broadcast %add3A_284 : i32 to vector<16xi32>
    %add3A_286 = arith.addi %get3A_283, %add3A_285 : vector<16xi32>
    %swap3A_287 = arith.constant 448 : index
    %swap3A_288 = tpu.vector_load %arg11[%swap3A_287] {strides = array<i32>} : memref<1536xi32, #tpu.memory_space<vmem>>, vector<16xi32>,
    %swap3A_289 = vector.shape_cast %swap3A_288 : vector<16xi32> to vector<16xi32>
    %swap3A_290 = vector.shape_cast %add3A_286 : vector<16xi32> to vector<16xi32>
    tpu.vector_store %arg11[%swap3A_287], %swap3A_290 {strides = array<i32>} : memref<1536xi32, #tpu.memory_space<vmem>>, vector<16xi32>,
    %get3A_291 = arith.constant 464 : index
    %get3A_292 = tpu.vector_load %arg10[%get3A_291] {strides = array<i32>} : memref<512xi32, #tpu.memory_space<vmem>>, vector<16xi32>,
    %get3A_293 = vector.shape_cast %get3A_292 : vector<16xi32> to vector<16xi32>
    %add3A_294 = arith.constant 0 : i32
    %add3A_295 = vector.broadcast %add3A_294 : i32 to vector<16xi32>
    %add3A_296 = arith.addi %get3A_293, %add3A_295 : vector<16xi32>
    %swap3A_297 = arith.constant 464 : index
    %swap3A_298 = tpu.vector_load %arg11[%swap3A_297] {strides = array<i32>} : memref<1536xi32, #tpu.memory_space<vmem>>, vector<16xi32>,
    %swap3A_299 = vector.shape_cast %swap3A_298 : vector<16xi32> to vector<16xi32>
    %swap3A_300 = vector.shape_cast %add3A_296 : vector<16xi32> to vector<16xi32>
    tpu.vector_store %arg11[%swap3A_297], %swap3A_300 {strides = array<i32>} : memref<1536xi32, #tpu.memory_space<vmem>>, vector<16xi32>,
    %get3A_301 = arith.constant 480 : index
    %get3A_302 = tpu.vector_load %arg10[%get3A_301] {strides = array<i32>} : memref<512xi32, #tpu.memory_space<vmem>>, vector<16xi32>,
    %get3A_303 = vector.shape_cast %get3A_302 : vector<16xi32> to vector<16xi32>
    %add3A_304 = arith.constant 0 : i32
    %add3A_305 = vector.broadcast %add3A_304 : i32 to vector<16xi32>
    %add3A_306 = arith.addi %get3A_303, %add3A_305 : vector<16xi32>
    %swap3A_307 = arith.constant 480 : index
    %swap3A_308 = tpu.vector_load %arg11[%swap3A_307] {strides = array<i32>} : memref<1536xi32, #tpu.memory_space<vmem>>, vector<16xi32>,
    %swap3A_309 = vector.shape_cast %swap3A_308 : vector<16xi32> to vector<16xi32>
    %swap3A_310 = vector.shape_cast %add3A_306 : vector<16xi32> to vector<16xi32>
    tpu.vector_store %arg11[%swap3A_307], %swap3A_310 {strides = array<i32>} : memref<1536xi32, #tpu.memory_space<vmem>>, vector<16xi32>,
    %get3A_311 = arith.constant 496 : index
    %get3A_312 = tpu.vector_load %arg10[%get3A_311] {strides = array<i32>} : memref<512xi32, #tpu.memory_space<vmem>>, vector<16xi32>,
    %get3A_313 = vector.shape_cast %get3A_312 : vector<16xi32> to vector<16xi32>
    %add3A_314 = arith.constant 0 : i32
    %add3A_315 = vector.broadcast %add3A_314 : i32 to vector<16xi32>
    %add3A_316 = arith.addi %get3A_313, %add3A_315 : vector<16xi32>
    %swap3A_317 = arith.constant 496 : index
    %swap3A_318 = tpu.vector_load %arg11[%swap3A_317] {strides = array<i32>} : memref<1536xi32, #tpu.memory_space<vmem>>, vector<16xi32>,
    %swap3A_319 = vector.shape_cast %swap3A_318 : vector<16xi32> to vector<16xi32>
    %swap3A_320 = vector.shape_cast %add3A_316 : vector<16xi32> to vector<16xi32>
    tpu.vector_store %arg11[%swap3A_317], %swap3A_320 {strides = array<i32>} : memref<1536xi32, #tpu.memory_space<vmem>>, vector<16xi32>,
    %get3A_321 = arith.constant 0 : index
    %get3A_322 = tpu.vector_load %arg10[%get3A_321] {strides = array<i32>} : memref<512xi32, #tpu.memory_space<vmem>>, vector<16xi32>,
    %get3A_323 = vector.shape_cast %get3A_322 : vector<16xi32> to vector<16xi32>
    %add3A_324 = arith.constant 10000 : i32
    %add3A_325 = vector.broadcast %add3A_324 : i32 to vector<16xi32>
    %add3A_326 = arith.addi %get3A_323, %add3A_325 : vector<16xi32>
    %swap3A_327 = arith.constant 512 : index
    %swap3A_328 = tpu.vector_load %arg11[%swap3A_327] {strides = array<i32>} : memref<1536xi32, #tpu.memory_space<vmem>>, vector<16xi32>,
    %swap3A_329 = vector.shape_cast %swap3A_328 : vector<16xi32> to vector<16xi32>
    %swap3A_330 = vector.shape_cast %add3A_326 : vector<16xi32> to vector<16xi32>
    tpu.vector_store %arg11[%swap3A_327], %swap3A_330 {strides = array<i32>} : memref<1536xi32, #tpu.memory_space<vmem>>, vector<16xi32>,
    %get3A_331 = arith.constant 16 : index
    %get3A_332 = tpu.vector_load %arg10[%get3A_331] {strides = array<i32>} : memref<512xi32, #tpu.memory_space<vmem>>, vector<16xi32>,
    %get3A_333 = vector.shape_cast %get3A_332 : vector<16xi32> to vector<16xi32>
    %add3A_334 = arith.constant 10000 : i32
    %add3A_335 = vector.broadcast %add3A_334 : i32 to vector<16xi32>
    %add3A_336 = arith.addi %get3A_333, %add3A_335 : vector<16xi32>
    %swap3A_337 = arith.constant 528 : index
    %swap3A_338 = tpu.vector_load %arg11[%swap3A_337] {strides = array<i32>} : memref<1536xi32, #tpu.memory_space<vmem>>, vector<16xi32>,
    %swap3A_339 = vector.shape_cast %swap3A_338 : vector<16xi32> to vector<16xi32>
    %swap3A_340 = vector.shape_cast %add3A_336 : vector<16xi32> to vector<16xi32>
    tpu.vector_store %arg11[%swap3A_337], %swap3A_340 {strides = array<i32>} : memref<1536xi32, #tpu.memory_space<vmem>>, vector<16xi32>,
    %get3A_341 = arith.constant 32 : index
    %get3A_342 = tpu.vector_load %arg10[%get3A_341] {strides = array<i32>} : memref<512xi32, #tpu.memory_space<vmem>>, vector<16xi32>,
    %get3A_343 = vector.shape_cast %get3A_342 : vector<16xi32> to vector<16xi32>
    %add3A_344 = arith.constant 10000 : i32
    %add3A_345 = vector.broadcast %add3A_344 : i32 to vector<16xi32>
    %add3A_346 = arith.addi %get3A_343, %add3A_345 : vector<16xi32>
    %swap3A_347 = arith.constant 544 : index
    %swap3A_348 = tpu.vector_load %arg11[%swap3A_347] {strides = array<i32>} : memref<1536xi32, #tpu.memory_space<vmem>>, vector<16xi32>,
    %swap3A_349 = vector.shape_cast %swap3A_348 : vector<16xi32> to vector<16xi32>
    %swap3A_350 = vector.shape_cast %add3A_346 : vector<16xi32> to vector<16xi32>
    tpu.vector_store %arg11[%swap3A_347], %swap3A_350 {strides = array<i32>} : memref<1536xi32, #tpu.memory_space<vmem>>, vector<16xi32>,
    %get3A_351 = arith.constant 48 : index
    %get3A_352 = tpu.vector_load %arg10[%get3A_351] {strides = array<i32>} : memref<512xi32, #tpu.memory_space<vmem>>, vector<16xi32>,
    %get3A_353 = vector.shape_cast %get3A_352 : vector<16xi32> to vector<16xi32>
    %add3A_354 = arith.constant 10000 : i32
    %add3A_355 = vector.broadcast %add3A_354 : i32 to vector<16xi32>
    %add3A_356 = arith.addi %get3A_353, %add3A_355 : vector<16xi32>
    %swap3A_357 = arith.constant 560 : index
    %swap3A_358 = tpu.vector_load %arg11[%swap3A_357] {strides = array<i32>} : memref<1536xi32, #tpu.memory_space<vmem>>, vector<16xi32>,
    %swap3A_359 = vector.shape_cast %swap3A_358 : vector<16xi32> to vector<16xi32>
    %swap3A_360 = vector.shape_cast %add3A_356 : vector<16xi32> to vector<16xi32>
    tpu.vector_store %arg11[%swap3A_357], %swap3A_360 {strides = array<i32>} : memref<1536xi32, #tpu.memory_space<vmem>>, vector<16xi32>,
    %get3A_361 = arith.constant 64 : index
    %get3A_362 = tpu.vector_load %arg10[%get3A_361] {strides = array<i32>} : memref<512xi32, #tpu.memory_space<vmem>>, vector<16xi32>,
    %get3A_363 = vector.shape_cast %get3A_362 : vector<16xi32> to vector<16xi32>
    %add3A_364 = arith.constant 10000 : i32
    %add3A_365 = vector.broadcast %add3A_364 : i32 to vector<16xi32>
    %add3A_366 = arith.addi %get3A_363, %add3A_365 : vector<16xi32>
    %swap3A_367 = arith.constant 576 : index
    %swap3A_368 = tpu.vector_load %arg11[%swap3A_367] {strides = array<i32>} : memref<1536xi32, #tpu.memory_space<vmem>>, vector<16xi32>,
    %swap3A_369 = vector.shape_cast %swap3A_368 : vector<16xi32> to vector<16xi32>
    %swap3A_370 = vector.shape_cast %add3A_366 : vector<16xi32> to vector<16xi32>
    tpu.vector_store %arg11[%swap3A_367], %swap3A_370 {strides = array<i32>} : memref<1536xi32, #tpu.memory_space<vmem>>, vector<16xi32>,
    %get3A_371 = arith.constant 80 : index
    %get3A_372 = tpu.vector_load %arg10[%get3A_371] {strides = array<i32>} : memref<512xi32, #tpu.memory_space<vmem>>, vector<16xi32>,
    %get3A_373 = vector.shape_cast %get3A_372 : vector<16xi32> to vector<16xi32>
    %add3A_374 = arith.constant 10000 : i32
    %add3A_375 = vector.broadcast %add3A_374 : i32 to vector<16xi32>
    %add3A_376 = arith.addi %get3A_373, %add3A_375 : vector<16xi32>
    %swap3A_377 = arith.constant 592 : index
    %swap3A_378 = tpu.vector_load %arg11[%swap3A_377] {strides = array<i32>} : memref<1536xi32, #tpu.memory_space<vmem>>, vector<16xi32>,
    %swap3A_379 = vector.shape_cast %swap3A_378 : vector<16xi32> to vector<16xi32>
    %swap3A_380 = vector.shape_cast %add3A_376 : vector<16xi32> to vector<16xi32>
    tpu.vector_store %arg11[%swap3A_377], %swap3A_380 {strides = array<i32>} : memref<1536xi32, #tpu.memory_space<vmem>>, vector<16xi32>,
    %get3A_381 = arith.constant 96 : index
    %get3A_382 = tpu.vector_load %arg10[%get3A_381] {strides = array<i32>} : memref<512xi32, #tpu.memory_space<vmem>>, vector<16xi32>,
    %get3A_383 = vector.shape_cast %get3A_382 : vector<16xi32> to vector<16xi32>
    %add3A_384 = arith.constant 10000 : i32
    %add3A_385 = vector.broadcast %add3A_384 : i32 to vector<16xi32>
    %add3A_386 = arith.addi %get3A_383, %add3A_385 : vector<16xi32>
    %swap3A_387 = arith.constant 608 : index
    %swap3A_388 = tpu.vector_load %arg11[%swap3A_387] {strides = array<i32>} : memref<1536xi32, #tpu.memory_space<vmem>>, vector<16xi32>,
    %swap3A_389 = vector.shape_cast %swap3A_388 : vector<16xi32> to vector<16xi32>
    %swap3A_390 = vector.shape_cast %add3A_386 : vector<16xi32> to vector<16xi32>
    tpu.vector_store %arg11[%swap3A_387], %swap3A_390 {strides = array<i32>} : memref<1536xi32, #tpu.memory_space<vmem>>, vector<16xi32>,
    %get3A_391 = arith.constant 112 : index
    %get3A_392 = tpu.vector_load %arg10[%get3A_391] {strides = array<i32>} : memref<512xi32, #tpu.memory_space<vmem>>, vector<16xi32>,
    %get3A_393 = vector.shape_cast %get3A_392 : vector<16xi32> to vector<16xi32>
    %add3A_394 = arith.constant 10000 : i32
    %add3A_395 = vector.broadcast %add3A_394 : i32 to vector<16xi32>
    %add3A_396 = arith.addi %get3A_393, %add3A_395 : vector<16xi32>
    %swap3A_397 = arith.constant 624 : index
    %swap3A_398 = tpu.vector_load %arg11[%swap3A_397] {strides = array<i32>} : memref<1536xi32, #tpu.memory_space<vmem>>, vector<16xi32>,
    %swap3A_399 = vector.shape_cast %swap3A_398 : vector<16xi32> to vector<16xi32>
    %swap3A_400 = vector.shape_cast %add3A_396 : vector<16xi32> to vector<16xi32>
    tpu.vector_store %arg11[%swap3A_397], %swap3A_400 {strides = array<i32>} : memref<1536xi32, #tpu.memory_space<vmem>>, vector<16xi32>,
    %get3A_401 = arith.constant 128 : index
    %get3A_402 = tpu.vector_load %arg10[%get3A_401] {strides = array<i32>} : memref<512xi32, #tpu.memory_space<vmem>>, vector<16xi32>,
    %get3A_403 = vector.shape_cast %get3A_402 : vector<16xi32> to vector<16xi32>
    %add3A_404 = arith.constant 10000 : i32
    %add3A_405 = vector.broadcast %add3A_404 : i32 to vector<16xi32>
    %add3A_406 = arith.addi %get3A_403, %add3A_405 : vector<16xi32>
    %swap3A_407 = arith.constant 640 : index
    %swap3A_408 = tpu.vector_load %arg11[%swap3A_407] {strides = array<i32>} : memref<1536xi32, #tpu.memory_space<vmem>>, vector<16xi32>,
    %swap3A_409 = vector.shape_cast %swap3A_408 : vector<16xi32> to vector<16xi32>
    %swap3A_410 = vector.shape_cast %add3A_406 : vector<16xi32> to vector<16xi32>
    tpu.vector_store %arg11[%swap3A_407], %swap3A_410 {strides = array<i32>} : memref<1536xi32, #tpu.memory_space<vmem>>, vector<16xi32>,
    %get3A_411 = arith.constant 144 : index
    %get3A_412 = tpu.vector_load %arg10[%get3A_411] {strides = array<i32>} : memref<512xi32, #tpu.memory_space<vmem>>, vector<16xi32>,
    %get3A_413 = vector.shape_cast %get3A_412 : vector<16xi32> to vector<16xi32>
    %add3A_414 = arith.constant 10000 : i32
    %add3A_415 = vector.broadcast %add3A_414 : i32 to vector<16xi32>
    %add3A_416 = arith.addi %get3A_413, %add3A_415 : vector<16xi32>
    %swap3A_417 = arith.constant 656 : index
    %swap3A_418 = tpu.vector_load %arg11[%swap3A_417] {strides = array<i32>} : memref<1536xi32, #tpu.memory_space<vmem>>, vector<16xi32>,
    %swap3A_419 = vector.shape_cast %swap3A_418 : vector<16xi32> to vector<16xi32>
    %swap3A_420 = vector.shape_cast %add3A_416 : vector<16xi32> to vector<16xi32>
    tpu.vector_store %arg11[%swap3A_417], %swap3A_420 {strides = array<i32>} : memref<1536xi32, #tpu.memory_space<vmem>>, vector<16xi32>,
    %get3A_421 = arith.constant 160 : index
    %get3A_422 = tpu.vector_load %arg10[%get3A_421] {strides = array<i32>} : memref<512xi32, #tpu.memory_space<vmem>>, vector<16xi32>,
    %get3A_423 = vector.shape_cast %get3A_422 : vector<16xi32> to vector<16xi32>
    %add3A_424 = arith.constant 10000 : i32
    %add3A_425 = vector.broadcast %add3A_424 : i32 to vector<16xi32>
    %add3A_426 = arith.addi %get3A_423, %add3A_425 : vector<16xi32>
    %swap3A_427 = arith.constant 672 : index
    %swap3A_428 = tpu.vector_load %arg11[%swap3A_427] {strides = array<i32>} : memref<1536xi32, #tpu.memory_space<vmem>>, vector<16xi32>,
    %swap3A_429 = vector.shape_cast %swap3A_428 : vector<16xi32> to vector<16xi32>
    %swap3A_430 = vector.shape_cast %add3A_426 : vector<16xi32> to vector<16xi32>
    tpu.vector_store %arg11[%swap3A_427], %swap3A_430 {strides = array<i32>} : memref<1536xi32, #tpu.memory_space<vmem>>, vector<16xi32>,
    %get3A_431 = arith.constant 176 : index
    %get3A_432 = tpu.vector_load %arg10[%get3A_431] {strides = array<i32>} : memref<512xi32, #tpu.memory_space<vmem>>, vector<16xi32>,
    %get3A_433 = vector.shape_cast %get3A_432 : vector<16xi32> to vector<16xi32>
    %add3A_434 = arith.constant 10000 : i32
    %add3A_435 = vector.broadcast %add3A_434 : i32 to vector<16xi32>
    %add3A_436 = arith.addi %get3A_433, %add3A_435 : vector<16xi32>
    %swap3A_437 = arith.constant 688 : index
    %swap3A_438 = tpu.vector_load %arg11[%swap3A_437] {strides = array<i32>} : memref<1536xi32, #tpu.memory_space<vmem>>, vector<16xi32>,
    %swap3A_439 = vector.shape_cast %swap3A_438 : vector<16xi32> to vector<16xi32>
    %swap3A_440 = vector.shape_cast %add3A_436 : vector<16xi32> to vector<16xi32>
    tpu.vector_store %arg11[%swap3A_437], %swap3A_440 {strides = array<i32>} : memref<1536xi32, #tpu.memory_space<vmem>>, vector<16xi32>,
    %get3A_441 = arith.constant 192 : index
    %get3A_442 = tpu.vector_load %arg10[%get3A_441] {strides = array<i32>} : memref<512xi32, #tpu.memory_space<vmem>>, vector<16xi32>,
    %get3A_443 = vector.shape_cast %get3A_442 : vector<16xi32> to vector<16xi32>
    %add3A_444 = arith.constant 10000 : i32
    %add3A_445 = vector.broadcast %add3A_444 : i32 to vector<16xi32>
    %add3A_446 = arith.addi %get3A_443, %add3A_445 : vector<16xi32>
    %swap3A_447 = arith.constant 704 : index
    %swap3A_448 = tpu.vector_load %arg11[%swap3A_447] {strides = array<i32>} : memref<1536xi32, #tpu.memory_space<vmem>>, vector<16xi32>,
    %swap3A_449 = vector.shape_cast %swap3A_448 : vector<16xi32> to vector<16xi32>
    %swap3A_450 = vector.shape_cast %add3A_446 : vector<16xi32> to vector<16xi32>
    tpu.vector_store %arg11[%swap3A_447], %swap3A_450 {strides = array<i32>} : memref<1536xi32, #tpu.memory_space<vmem>>, vector<16xi32>,
    %get3A_451 = arith.constant 208 : index
    %get3A_452 = tpu.vector_load %arg10[%get3A_451] {strides = array<i32>} : memref<512xi32, #tpu.memory_space<vmem>>, vector<16xi32>,
    %get3A_453 = vector.shape_cast %get3A_452 : vector<16xi32> to vector<16xi32>
    %add3A_454 = arith.constant 10000 : i32
    %add3A_455 = vector.broadcast %add3A_454 : i32 to vector<16xi32>
    %add3A_456 = arith.addi %get3A_453, %add3A_455 : vector<16xi32>
    %swap3A_457 = arith.constant 720 : index
    %swap3A_458 = tpu.vector_load %arg11[%swap3A_457] {strides = array<i32>} : memref<1536xi32, #tpu.memory_space<vmem>>, vector<16xi32>,
    %swap3A_459 = vector.shape_cast %swap3A_458 : vector<16xi32> to vector<16xi32>
    %swap3A_460 = vector.shape_cast %add3A_456 : vector<16xi32> to vector<16xi32>
    tpu.vector_store %arg11[%swap3A_457], %swap3A_460 {strides = array<i32>} : memref<1536xi32, #tpu.memory_space<vmem>>, vector<16xi32>,
    %get3A_461 = arith.constant 224 : index
    %get3A_462 = tpu.vector_load %arg10[%get3A_461] {strides = array<i32>} : memref<512xi32, #tpu.memory_space<vmem>>, vector<16xi32>,
    %get3A_463 = vector.shape_cast %get3A_462 : vector<16xi32> to vector<16xi32>
    %add3A_464 = arith.constant 10000 : i32
    %add3A_465 = vector.broadcast %add3A_464 : i32 to vector<16xi32>
    %add3A_466 = arith.addi %get3A_463, %add3A_465 : vector<16xi32>
    %swap3A_467 = arith.constant 736 : index
    %swap3A_468 = tpu.vector_load %arg11[%swap3A_467] {strides = array<i32>} : memref<1536xi32, #tpu.memory_space<vmem>>, vector<16xi32>,
    %swap3A_469 = vector.shape_cast %swap3A_468 : vector<16xi32> to vector<16xi32>
    %swap3A_470 = vector.shape_cast %add3A_466 : vector<16xi32> to vector<16xi32>
    tpu.vector_store %arg11[%swap3A_467], %swap3A_470 {strides = array<i32>} : memref<1536xi32, #tpu.memory_space<vmem>>, vector<16xi32>,
    %get3A_471 = arith.constant 240 : index
    %get3A_472 = tpu.vector_load %arg10[%get3A_471] {strides = array<i32>} : memref<512xi32, #tpu.memory_space<vmem>>, vector<16xi32>,
    %get3A_473 = vector.shape_cast %get3A_472 : vector<16xi32> to vector<16xi32>
    %add3A_474 = arith.constant 10000 : i32
    %add3A_475 = vector.broadcast %add3A_474 : i32 to vector<16xi32>
    %add3A_476 = arith.addi %get3A_473, %add3A_475 : vector<16xi32>
    %swap3A_477 = arith.constant 752 : index
    %swap3A_478 = tpu.vector_load %arg11[%swap3A_477] {strides = array<i32>} : memref<1536xi32, #tpu.memory_space<vmem>>, vector<16xi32>,
    %swap3A_479 = vector.shape_cast %swap3A_478 : vector<16xi32> to vector<16xi32>
    %swap3A_480 = vector.shape_cast %add3A_476 : vector<16xi32> to vector<16xi32>
    tpu.vector_store %arg11[%swap3A_477], %swap3A_480 {strides = array<i32>} : memref<1536xi32, #tpu.memory_space<vmem>>, vector<16xi32>,
    %get3A_481 = arith.constant 256 : index
    %get3A_482 = tpu.vector_load %arg10[%get3A_481] {strides = array<i32>} : memref<512xi32, #tpu.memory_space<vmem>>, vector<16xi32>,
    %get3A_483 = vector.shape_cast %get3A_482 : vector<16xi32> to vector<16xi32>
    %add3A_484 = arith.constant 10000 : i32
    %add3A_485 = vector.broadcast %add3A_484 : i32 to vector<16xi32>
    %add3A_486 = arith.addi %get3A_483, %add3A_485 : vector<16xi32>
    %swap3A_487 = arith.constant 768 : index
    %swap3A_488 = tpu.vector_load %arg11[%swap3A_487] {strides = array<i32>} : memref<1536xi32, #tpu.memory_space<vmem>>, vector<16xi32>,
    %swap3A_489 = vector.shape_cast %swap3A_488 : vector<16xi32> to vector<16xi32>
    %swap3A_490 = vector.shape_cast %add3A_486 : vector<16xi32> to vector<16xi32>
    tpu.vector_store %arg11[%swap3A_487], %swap3A_490 {strides = array<i32>} : memref<1536xi32, #tpu.memory_space<vmem>>, vector<16xi32>,
    %get3A_491 = arith.constant 272 : index
    %get3A_492 = tpu.vector_load %arg10[%get3A_491] {strides = array<i32>} : memref<512xi32, #tpu.memory_space<vmem>>, vector<16xi32>,
    %get3A_493 = vector.shape_cast %get3A_492 : vector<16xi32> to vector<16xi32>
    %add3A_494 = arith.constant 10000 : i32
    %add3A_495 = vector.broadcast %add3A_494 : i32 to vector<16xi32>
    %add3A_496 = arith.addi %get3A_493, %add3A_495 : vector<16xi32>
    %swap3A_497 = arith.constant 784 : index
    %swap3A_498 = tpu.vector_load %arg11[%swap3A_497] {strides = array<i32>} : memref<1536xi32, #tpu.memory_space<vmem>>, vector<16xi32>,
    %swap3A_499 = vector.shape_cast %swap3A_498 : vector<16xi32> to vector<16xi32>
    %swap3A_500 = vector.shape_cast %add3A_496 : vector<16xi32> to vector<16xi32>
    tpu.vector_store %arg11[%swap3A_497], %swap3A_500 {strides = array<i32>} : memref<1536xi32, #tpu.memory_space<vmem>>, vector<16xi32>,
    %get3A_501 = arith.constant 288 : index
    %get3A_502 = tpu.vector_load %arg10[%get3A_501] {strides = array<i32>} : memref<512xi32, #tpu.memory_space<vmem>>, vector<16xi32>,
    %get3A_503 = vector.shape_cast %get3A_502 : vector<16xi32> to vector<16xi32>
    %add3A_504 = arith.constant 10000 : i32
    %add3A_505 = vector.broadcast %add3A_504 : i32 to vector<16xi32>
    %add3A_506 = arith.addi %get3A_503, %add3A_505 : vector<16xi32>
    %swap3A_507 = arith.constant 800 : index
    %swap3A_508 = tpu.vector_load %arg11[%swap3A_507] {strides = array<i32>} : memref<1536xi32, #tpu.memory_space<vmem>>, vector<16xi32>,
    %swap3A_509 = vector.shape_cast %swap3A_508 : vector<16xi32> to vector<16xi32>
    %swap3A_510 = vector.shape_cast %add3A_506 : vector<16xi32> to vector<16xi32>
    tpu.vector_store %arg11[%swap3A_507], %swap3A_510 {strides = array<i32>} : memref<1536xi32, #tpu.memory_space<vmem>>, vector<16xi32>,
    %get3A_511 = arith.constant 304 : index
    %get3A_512 = tpu.vector_load %arg10[%get3A_511] {strides = array<i32>} : memref<512xi32, #tpu.memory_space<vmem>>, vector<16xi32>,
    %get3A_513 = vector.shape_cast %get3A_512 : vector<16xi32> to vector<16xi32>
    %add3A_514 = arith.constant 10000 : i32
    %add3A_515 = vector.broadcast %add3A_514 : i32 to vector<16xi32>
    %add3A_516 = arith.addi %get3A_513, %add3A_515 : vector<16xi32>
    %swap3A_517 = arith.constant 816 : index
    %swap3A_518 = tpu.vector_load %arg11[%swap3A_517] {strides = array<i32>} : memref<1536xi32, #tpu.memory_space<vmem>>, vector<16xi32>,
    %swap3A_519 = vector.shape_cast %swap3A_518 : vector<16xi32> to vector<16xi32>
    %swap3A_520 = vector.shape_cast %add3A_516 : vector<16xi32> to vector<16xi32>
    tpu.vector_store %arg11[%swap3A_517], %swap3A_520 {strides = array<i32>} : memref<1536xi32, #tpu.memory_space<vmem>>, vector<16xi32>,
    %get3A_521 = arith.constant 320 : index
    %get3A_522 = tpu.vector_load %arg10[%get3A_521] {strides = array<i32>} : memref<512xi32, #tpu.memory_space<vmem>>, vector<16xi32>,
    %get3A_523 = vector.shape_cast %get3A_522 : vector<16xi32> to vector<16xi32>
    %add3A_524 = arith.constant 10000 : i32
    %add3A_525 = vector.broadcast %add3A_524 : i32 to vector<16xi32>
    %add3A_526 = arith.addi %get3A_523, %add3A_525 : vector<16xi32>
    %swap3A_527 = arith.constant 832 : index
    %swap3A_528 = tpu.vector_load %arg11[%swap3A_527] {strides = array<i32>} : memref<1536xi32, #tpu.memory_space<vmem>>, vector<16xi32>,
    %swap3A_529 = vector.shape_cast %swap3A_528 : vector<16xi32> to vector<16xi32>
    %swap3A_530 = vector.shape_cast %add3A_526 : vector<16xi32> to vector<16xi32>
    tpu.vector_store %arg11[%swap3A_527], %swap3A_530 {strides = array<i32>} : memref<1536xi32, #tpu.memory_space<vmem>>, vector<16xi32>,
    %get3A_531 = arith.constant 336 : index
    %get3A_532 = tpu.vector_load %arg10[%get3A_531] {strides = array<i32>} : memref<512xi32, #tpu.memory_space<vmem>>, vector<16xi32>,
    %get3A_533 = vector.shape_cast %get3A_532 : vector<16xi32> to vector<16xi32>
    %add3A_534 = arith.constant 10000 : i32
    %add3A_535 = vector.broadcast %add3A_534 : i32 to vector<16xi32>
    %add3A_536 = arith.addi %get3A_533, %add3A_535 : vector<16xi32>
    %swap3A_537 = arith.constant 848 : index
    %swap3A_538 = tpu.vector_load %arg11[%swap3A_537] {strides = array<i32>} : memref<1536xi32, #tpu.memory_space<vmem>>, vector<16xi32>,
    %swap3A_539 = vector.shape_cast %swap3A_538 : vector<16xi32> to vector<16xi32>
    %swap3A_540 = vector.shape_cast %add3A_536 : vector<16xi32> to vector<16xi32>
    tpu.vector_store %arg11[%swap3A_537], %swap3A_540 {strides = array<i32>} : memref<1536xi32, #tpu.memory_space<vmem>>, vector<16xi32>,
    %get3A_541 = arith.constant 352 : index
    %get3A_542 = tpu.vector_load %arg10[%get3A_541] {strides = array<i32>} : memref<512xi32, #tpu.memory_space<vmem>>, vector<16xi32>,
    %get3A_543 = vector.shape_cast %get3A_542 : vector<16xi32> to vector<16xi32>
    %add3A_544 = arith.constant 10000 : i32
    %add3A_545 = vector.broadcast %add3A_544 : i32 to vector<16xi32>
    %add3A_546 = arith.addi %get3A_543, %add3A_545 : vector<16xi32>
    %swap3A_547 = arith.constant 864 : index
    %swap3A_548 = tpu.vector_load %arg11[%swap3A_547] {strides = array<i32>} : memref<1536xi32, #tpu.memory_space<vmem>>, vector<16xi32>,
    %swap3A_549 = vector.shape_cast %swap3A_548 : vector<16xi32> to vector<16xi32>
    %swap3A_550 = vector.shape_cast %add3A_546 : vector<16xi32> to vector<16xi32>
    tpu.vector_store %arg11[%swap3A_547], %swap3A_550 {strides = array<i32>} : memref<1536xi32, #tpu.memory_space<vmem>>, vector<16xi32>,
    %get3A_551 = arith.constant 368 : index
    %get3A_552 = tpu.vector_load %arg10[%get3A_551] {strides = array<i32>} : memref<512xi32, #tpu.memory_space<vmem>>, vector<16xi32>,
    %get3A_553 = vector.shape_cast %get3A_552 : vector<16xi32> to vector<16xi32>
    %add3A_554 = arith.constant 10000 : i32
    %add3A_555 = vector.broadcast %add3A_554 : i32 to vector<16xi32>
    %add3A_556 = arith.addi %get3A_553, %add3A_555 : vector<16xi32>
    %swap3A_557 = arith.constant 880 : index
    %swap3A_558 = tpu.vector_load %arg11[%swap3A_557] {strides = array<i32>} : memref<1536xi32, #tpu.memory_space<vmem>>, vector<16xi32>,
    %swap3A_559 = vector.shape_cast %swap3A_558 : vector<16xi32> to vector<16xi32>
    %swap3A_560 = vector.shape_cast %add3A_556 : vector<16xi32> to vector<16xi32>
    tpu.vector_store %arg11[%swap3A_557], %swap3A_560 {strides = array<i32>} : memref<1536xi32, #tpu.memory_space<vmem>>, vector<16xi32>,
    %get3A_561 = arith.constant 384 : index
    %get3A_562 = tpu.vector_load %arg10[%get3A_561] {strides = array<i32>} : memref<512xi32, #tpu.memory_space<vmem>>, vector<16xi32>,
    %get3A_563 = vector.shape_cast %get3A_562 : vector<16xi32> to vector<16xi32>
    %add3A_564 = arith.constant 10000 : i32
    %add3A_565 = vector.broadcast %add3A_564 : i32 to vector<16xi32>
    %add3A_566 = arith.addi %get3A_563, %add3A_565 : vector<16xi32>
    %swap3A_567 = arith.constant 896 : index
    %swap3A_568 = tpu.vector_load %arg11[%swap3A_567] {strides = array<i32>} : memref<1536xi32, #tpu.memory_space<vmem>>, vector<16xi32>,
    %swap3A_569 = vector.shape_cast %swap3A_568 : vector<16xi32> to vector<16xi32>
    %swap3A_570 = vector.shape_cast %add3A_566 : vector<16xi32> to vector<16xi32>
    tpu.vector_store %arg11[%swap3A_567], %swap3A_570 {strides = array<i32>} : memref<1536xi32, #tpu.memory_space<vmem>>, vector<16xi32>,
    %get3A_571 = arith.constant 400 : index
    %get3A_572 = tpu.vector_load %arg10[%get3A_571] {strides = array<i32>} : memref<512xi32, #tpu.memory_space<vmem>>, vector<16xi32>,
    %get3A_573 = vector.shape_cast %get3A_572 : vector<16xi32> to vector<16xi32>
    %add3A_574 = arith.constant 10000 : i32
    %add3A_575 = vector.broadcast %add3A_574 : i32 to vector<16xi32>
    %add3A_576 = arith.addi %get3A_573, %add3A_575 : vector<16xi32>
    %swap3A_577 = arith.constant 912 : index
    %swap3A_578 = tpu.vector_load %arg11[%swap3A_577] {strides = array<i32>} : memref<1536xi32, #tpu.memory_space<vmem>>, vector<16xi32>,
    %swap3A_579 = vector.shape_cast %swap3A_578 : vector<16xi32> to vector<16xi32>
    %swap3A_580 = vector.shape_cast %add3A_576 : vector<16xi32> to vector<16xi32>
    tpu.vector_store %arg11[%swap3A_577], %swap3A_580 {strides = array<i32>} : memref<1536xi32, #tpu.memory_space<vmem>>, vector<16xi32>,
    %get3A_581 = arith.constant 416 : index
    %get3A_582 = tpu.vector_load %arg10[%get3A_581] {strides = array<i32>} : memref<512xi32, #tpu.memory_space<vmem>>, vector<16xi32>,
    %get3A_583 = vector.shape_cast %get3A_582 : vector<16xi32> to vector<16xi32>
    %add3A_584 = arith.constant 10000 : i32
    %add3A_585 = vector.broadcast %add3A_584 : i32 to vector<16xi32>
    %add3A_586 = arith.addi %get3A_583, %add3A_585 : vector<16xi32>
    %swap3A_587 = arith.constant 928 : index
    %swap3A_588 = tpu.vector_load %arg11[%swap3A_587] {strides = array<i32>} : memref<1536xi32, #tpu.memory_space<vmem>>, vector<16xi32>,
    %swap3A_589 = vector.shape_cast %swap3A_588 : vector<16xi32> to vector<16xi32>
    %swap3A_590 = vector.shape_cast %add3A_586 : vector<16xi32> to vector<16xi32>
    tpu.vector_store %arg11[%swap3A_587], %swap3A_590 {strides = array<i32>} : memref<1536xi32, #tpu.memory_space<vmem>>, vector<16xi32>,
    %get3A_591 = arith.constant 432 : index
    %get3A_592 = tpu.vector_load %arg10[%get3A_591] {strides = array<i32>} : memref<512xi32, #tpu.memory_space<vmem>>, vector<16xi32>,
    %get3A_593 = vector.shape_cast %get3A_592 : vector<16xi32> to vector<16xi32>
    %add3A_594 = arith.constant 10000 : i32
    %add3A_595 = vector.broadcast %add3A_594 : i32 to vector<16xi32>
    %add3A_596 = arith.addi %get3A_593, %add3A_595 : vector<16xi32>
    %swap3A_597 = arith.constant 944 : index
    %swap3A_598 = tpu.vector_load %arg11[%swap3A_597] {strides = array<i32>} : memref<1536xi32, #tpu.memory_space<vmem>>, vector<16xi32>,
    %swap3A_599 = vector.shape_cast %swap3A_598 : vector<16xi32> to vector<16xi32>
    %swap3A_600 = vector.shape_cast %add3A_596 : vector<16xi32> to vector<16xi32>
    tpu.vector_store %arg11[%swap3A_597], %swap3A_600 {strides = array<i32>} : memref<1536xi32, #tpu.memory_space<vmem>>, vector<16xi32>,
    %get3A_601 = arith.constant 448 : index
    %get3A_602 = tpu.vector_load %arg10[%get3A_601] {strides = array<i32>} : memref<512xi32, #tpu.memory_space<vmem>>, vector<16xi32>,
    %get3A_603 = vector.shape_cast %get3A_602 : vector<16xi32> to vector<16xi32>
    %add3A_604 = arith.constant 10000 : i32
    %add3A_605 = vector.broadcast %add3A_604 : i32 to vector<16xi32>
    %add3A_606 = arith.addi %get3A_603, %add3A_605 : vector<16xi32>
    %swap3A_607 = arith.constant 960 : index
    %swap3A_608 = tpu.vector_load %arg11[%swap3A_607] {strides = array<i32>} : memref<1536xi32, #tpu.memory_space<vmem>>, vector<16xi32>,
    %swap3A_609 = vector.shape_cast %swap3A_608 : vector<16xi32> to vector<16xi32>
    %swap3A_610 = vector.shape_cast %add3A_606 : vector<16xi32> to vector<16xi32>
    tpu.vector_store %arg11[%swap3A_607], %swap3A_610 {strides = array<i32>} : memref<1536xi32, #tpu.memory_space<vmem>>, vector<16xi32>,
    %get3A_611 = arith.constant 464 : index
    %get3A_612 = tpu.vector_load %arg10[%get3A_611] {strides = array<i32>} : memref<512xi32, #tpu.memory_space<vmem>>, vector<16xi32>,
    %get3A_613 = vector.shape_cast %get3A_612 : vector<16xi32> to vector<16xi32>
    %add3A_614 = arith.constant 10000 : i32
    %add3A_615 = vector.broadcast %add3A_614 : i32 to vector<16xi32>
    %add3A_616 = arith.addi %get3A_613, %add3A_615 : vector<16xi32>
    %swap3A_617 = arith.constant 976 : index
    %swap3A_618 = tpu.vector_load %arg11[%swap3A_617] {strides = array<i32>} : memref<1536xi32, #tpu.memory_space<vmem>>, vector<16xi32>,
    %swap3A_619 = vector.shape_cast %swap3A_618 : vector<16xi32> to vector<16xi32>
    %swap3A_620 = vector.shape_cast %add3A_616 : vector<16xi32> to vector<16xi32>
    tpu.vector_store %arg11[%swap3A_617], %swap3A_620 {strides = array<i32>} : memref<1536xi32, #tpu.memory_space<vmem>>, vector<16xi32>,
    %get3A_621 = arith.constant 480 : index
    %get3A_622 = tpu.vector_load %arg10[%get3A_621] {strides = array<i32>} : memref<512xi32, #tpu.memory_space<vmem>>, vector<16xi32>,
    %get3A_623 = vector.shape_cast %get3A_622 : vector<16xi32> to vector<16xi32>
    %add3A_624 = arith.constant 10000 : i32
    %add3A_625 = vector.broadcast %add3A_624 : i32 to vector<16xi32>
    %add3A_626 = arith.addi %get3A_623, %add3A_625 : vector<16xi32>
    %swap3A_627 = arith.constant 992 : index
    %swap3A_628 = tpu.vector_load %arg11[%swap3A_627] {strides = array<i32>} : memref<1536xi32, #tpu.memory_space<vmem>>, vector<16xi32>,
    %swap3A_629 = vector.shape_cast %swap3A_628 : vector<16xi32> to vector<16xi32>
    %swap3A_630 = vector.shape_cast %add3A_626 : vector<16xi32> to vector<16xi32>
    tpu.vector_store %arg11[%swap3A_627], %swap3A_630 {strides = array<i32>} : memref<1536xi32, #tpu.memory_space<vmem>>, vector<16xi32>,
    %get3A_631 = arith.constant 496 : index
    %get3A_632 = tpu.vector_load %arg10[%get3A_631] {strides = array<i32>} : memref<512xi32, #tpu.memory_space<vmem>>, vector<16xi32>,
    %get3A_633 = vector.shape_cast %get3A_632 : vector<16xi32> to vector<16xi32>
    %add3A_634 = arith.constant 10000 : i32
    %add3A_635 = vector.broadcast %add3A_634 : i32 to vector<16xi32>
    %add3A_636 = arith.addi %get3A_633, %add3A_635 : vector<16xi32>
    %swap3A_637 = arith.constant 1008 : index
    %swap3A_638 = tpu.vector_load %arg11[%swap3A_637] {strides = array<i32>} : memref<1536xi32, #tpu.memory_space<vmem>>, vector<16xi32>,
    %swap3A_639 = vector.shape_cast %swap3A_638 : vector<16xi32> to vector<16xi32>
    %swap3A_640 = vector.shape_cast %add3A_636 : vector<16xi32> to vector<16xi32>
    tpu.vector_store %arg11[%swap3A_637], %swap3A_640 {strides = array<i32>} : memref<1536xi32, #tpu.memory_space<vmem>>, vector<16xi32>,
    %get3A_641 = arith.constant 0 : index
    %get3A_642 = tpu.vector_load %arg10[%get3A_641] {strides = array<i32>} : memref<512xi32, #tpu.memory_space<vmem>>, vector<16xi32>,
    %get3A_643 = vector.shape_cast %get3A_642 : vector<16xi32> to vector<16xi32>
    %add3A_644 = arith.constant 20000 : i32
    %add3A_645 = vector.broadcast %add3A_644 : i32 to vector<16xi32>
    %add3A_646 = arith.addi %get3A_643, %add3A_645 : vector<16xi32>
    %swap3A_647 = arith.constant 1024 : index
    %swap3A_648 = tpu.vector_load %arg11[%swap3A_647] {strides = array<i32>} : memref<1536xi32, #tpu.memory_space<vmem>>, vector<16xi32>,
    %swap3A_649 = vector.shape_cast %swap3A_648 : vector<16xi32> to vector<16xi32>
    %swap3A_650 = vector.shape_cast %add3A_646 : vector<16xi32> to vector<16xi32>
    tpu.vector_store %arg11[%swap3A_647], %swap3A_650 {strides = array<i32>} : memref<1536xi32, #tpu.memory_space<vmem>>, vector<16xi32>,
    %get3A_651 = arith.constant 16 : index
    %get3A_652 = tpu.vector_load %arg10[%get3A_651] {strides = array<i32>} : memref<512xi32, #tpu.memory_space<vmem>>, vector<16xi32>,
    %get3A_653 = vector.shape_cast %get3A_652 : vector<16xi32> to vector<16xi32>
    %add3A_654 = arith.constant 20000 : i32
    %add3A_655 = vector.broadcast %add3A_654 : i32 to vector<16xi32>
    %add3A_656 = arith.addi %get3A_653, %add3A_655 : vector<16xi32>
    %swap3A_657 = arith.constant 1040 : index
    %swap3A_658 = tpu.vector_load %arg11[%swap3A_657] {strides = array<i32>} : memref<1536xi32, #tpu.memory_space<vmem>>, vector<16xi32>,
    %swap3A_659 = vector.shape_cast %swap3A_658 : vector<16xi32> to vector<16xi32>
    %swap3A_660 = vector.shape_cast %add3A_656 : vector<16xi32> to vector<16xi32>
    tpu.vector_store %arg11[%swap3A_657], %swap3A_660 {strides = array<i32>} : memref<1536xi32, #tpu.memory_space<vmem>>, vector<16xi32>,
    %get3A_661 = arith.constant 32 : index
    %get3A_662 = tpu.vector_load %arg10[%get3A_661] {strides = array<i32>} : memref<512xi32, #tpu.memory_space<vmem>>, vector<16xi32>,
    %get3A_663 = vector.shape_cast %get3A_662 : vector<16xi32> to vector<16xi32>
    %add3A_664 = arith.constant 20000 : i32
    %add3A_665 = vector.broadcast %add3A_664 : i32 to vector<16xi32>
    %add3A_666 = arith.addi %get3A_663, %add3A_665 : vector<16xi32>
    %swap3A_667 = arith.constant 1056 : index
    %swap3A_668 = tpu.vector_load %arg11[%swap3A_667] {strides = array<i32>} : memref<1536xi32, #tpu.memory_space<vmem>>, vector<16xi32>,
    %swap3A_669 = vector.shape_cast %swap3A_668 : vector<16xi32> to vector<16xi32>
    %swap3A_670 = vector.shape_cast %add3A_666 : vector<16xi32> to vector<16xi32>
    tpu.vector_store %arg11[%swap3A_667], %swap3A_670 {strides = array<i32>} : memref<1536xi32, #tpu.memory_space<vmem>>, vector<16xi32>,
    %get3A_671 = arith.constant 48 : index
    %get3A_672 = tpu.vector_load %arg10[%get3A_671] {strides = array<i32>} : memref<512xi32, #tpu.memory_space<vmem>>, vector<16xi32>,
    %get3A_673 = vector.shape_cast %get3A_672 : vector<16xi32> to vector<16xi32>
    %add3A_674 = arith.constant 20000 : i32
    %add3A_675 = vector.broadcast %add3A_674 : i32 to vector<16xi32>
    %add3A_676 = arith.addi %get3A_673, %add3A_675 : vector<16xi32>
    %swap3A_677 = arith.constant 1072 : index
    %swap3A_678 = tpu.vector_load %arg11[%swap3A_677] {strides = array<i32>} : memref<1536xi32, #tpu.memory_space<vmem>>, vector<16xi32>,
    %swap3A_679 = vector.shape_cast %swap3A_678 : vector<16xi32> to vector<16xi32>
    %swap3A_680 = vector.shape_cast %add3A_676 : vector<16xi32> to vector<16xi32>
    tpu.vector_store %arg11[%swap3A_677], %swap3A_680 {strides = array<i32>} : memref<1536xi32, #tpu.memory_space<vmem>>, vector<16xi32>,
    %get3A_681 = arith.constant 64 : index
    %get3A_682 = tpu.vector_load %arg10[%get3A_681] {strides = array<i32>} : memref<512xi32, #tpu.memory_space<vmem>>, vector<16xi32>,
    %get3A_683 = vector.shape_cast %get3A_682 : vector<16xi32> to vector<16xi32>
    %add3A_684 = arith.constant 20000 : i32
    %add3A_685 = vector.broadcast %add3A_684 : i32 to vector<16xi32>
    %add3A_686 = arith.addi %get3A_683, %add3A_685 : vector<16xi32>
    %swap3A_687 = arith.constant 1088 : index
    %swap3A_688 = tpu.vector_load %arg11[%swap3A_687] {strides = array<i32>} : memref<1536xi32, #tpu.memory_space<vmem>>, vector<16xi32>,
    %swap3A_689 = vector.shape_cast %swap3A_688 : vector<16xi32> to vector<16xi32>
    %swap3A_690 = vector.shape_cast %add3A_686 : vector<16xi32> to vector<16xi32>
    tpu.vector_store %arg11[%swap3A_687], %swap3A_690 {strides = array<i32>} : memref<1536xi32, #tpu.memory_space<vmem>>, vector<16xi32>,
    %get3A_691 = arith.constant 80 : index
    %get3A_692 = tpu.vector_load %arg10[%get3A_691] {strides = array<i32>} : memref<512xi32, #tpu.memory_space<vmem>>, vector<16xi32>,
    %get3A_693 = vector.shape_cast %get3A_692 : vector<16xi32> to vector<16xi32>
    %add3A_694 = arith.constant 20000 : i32
    %add3A_695 = vector.broadcast %add3A_694 : i32 to vector<16xi32>
    %add3A_696 = arith.addi %get3A_693, %add3A_695 : vector<16xi32>
    %swap3A_697 = arith.constant 1104 : index
    %swap3A_698 = tpu.vector_load %arg11[%swap3A_697] {strides = array<i32>} : memref<1536xi32, #tpu.memory_space<vmem>>, vector<16xi32>,
    %swap3A_699 = vector.shape_cast %swap3A_698 : vector<16xi32> to vector<16xi32>
    %swap3A_700 = vector.shape_cast %add3A_696 : vector<16xi32> to vector<16xi32>
    tpu.vector_store %arg11[%swap3A_697], %swap3A_700 {strides = array<i32>} : memref<1536xi32, #tpu.memory_space<vmem>>, vector<16xi32>,
    %get3A_701 = arith.constant 96 : index
    %get3A_702 = tpu.vector_load %arg10[%get3A_701] {strides = array<i32>} : memref<512xi32, #tpu.memory_space<vmem>>, vector<16xi32>,
    %get3A_703 = vector.shape_cast %get3A_702 : vector<16xi32> to vector<16xi32>
    %add3A_704 = arith.constant 20000 : i32
    %add3A_705 = vector.broadcast %add3A_704 : i32 to vector<16xi32>
    %add3A_706 = arith.addi %get3A_703, %add3A_705 : vector<16xi32>
    %swap3A_707 = arith.constant 1120 : index
    %swap3A_708 = tpu.vector_load %arg11[%swap3A_707] {strides = array<i32>} : memref<1536xi32, #tpu.memory_space<vmem>>, vector<16xi32>,
    %swap3A_709 = vector.shape_cast %swap3A_708 : vector<16xi32> to vector<16xi32>
    %swap3A_710 = vector.shape_cast %add3A_706 : vector<16xi32> to vector<16xi32>
    tpu.vector_store %arg11[%swap3A_707], %swap3A_710 {strides = array<i32>} : memref<1536xi32, #tpu.memory_space<vmem>>, vector<16xi32>,
    %get3A_711 = arith.constant 112 : index
    %get3A_712 = tpu.vector_load %arg10[%get3A_711] {strides = array<i32>} : memref<512xi32, #tpu.memory_space<vmem>>, vector<16xi32>,
    %get3A_713 = vector.shape_cast %get3A_712 : vector<16xi32> to vector<16xi32>
    %add3A_714 = arith.constant 20000 : i32
    %add3A_715 = vector.broadcast %add3A_714 : i32 to vector<16xi32>
    %add3A_716 = arith.addi %get3A_713, %add3A_715 : vector<16xi32>
    %swap3A_717 = arith.constant 1136 : index
    %swap3A_718 = tpu.vector_load %arg11[%swap3A_717] {strides = array<i32>} : memref<1536xi32, #tpu.memory_space<vmem>>, vector<16xi32>,
    %swap3A_719 = vector.shape_cast %swap3A_718 : vector<16xi32> to vector<16xi32>
    %swap3A_720 = vector.shape_cast %add3A_716 : vector<16xi32> to vector<16xi32>
    tpu.vector_store %arg11[%swap3A_717], %swap3A_720 {strides = array<i32>} : memref<1536xi32, #tpu.memory_space<vmem>>, vector<16xi32>,
    %get3A_721 = arith.constant 128 : index
    %get3A_722 = tpu.vector_load %arg10[%get3A_721] {strides = array<i32>} : memref<512xi32, #tpu.memory_space<vmem>>, vector<16xi32>,
    %get3A_723 = vector.shape_cast %get3A_722 : vector<16xi32> to vector<16xi32>
    %add3A_724 = arith.constant 20000 : i32
    %add3A_725 = vector.broadcast %add3A_724 : i32 to vector<16xi32>
    %add3A_726 = arith.addi %get3A_723, %add3A_725 : vector<16xi32>
    %swap3A_727 = arith.constant 1152 : index
    %swap3A_728 = tpu.vector_load %arg11[%swap3A_727] {strides = array<i32>} : memref<1536xi32, #tpu.memory_space<vmem>>, vector<16xi32>,
    %swap3A_729 = vector.shape_cast %swap3A_728 : vector<16xi32> to vector<16xi32>
    %swap3A_730 = vector.shape_cast %add3A_726 : vector<16xi32> to vector<16xi32>
    tpu.vector_store %arg11[%swap3A_727], %swap3A_730 {strides = array<i32>} : memref<1536xi32, #tpu.memory_space<vmem>>, vector<16xi32>,
    %get3A_731 = arith.constant 144 : index
    %get3A_732 = tpu.vector_load %arg10[%get3A_731] {strides = array<i32>} : memref<512xi32, #tpu.memory_space<vmem>>, vector<16xi32>,
    %get3A_733 = vector.shape_cast %get3A_732 : vector<16xi32> to vector<16xi32>
    %add3A_734 = arith.constant 20000 : i32
    %add3A_735 = vector.broadcast %add3A_734 : i32 to vector<16xi32>
    %add3A_736 = arith.addi %get3A_733, %add3A_735 : vector<16xi32>
    %swap3A_737 = arith.constant 1168 : index
    %swap3A_738 = tpu.vector_load %arg11[%swap3A_737] {strides = array<i32>} : memref<1536xi32, #tpu.memory_space<vmem>>, vector<16xi32>,
    %swap3A_739 = vector.shape_cast %swap3A_738 : vector<16xi32> to vector<16xi32>
    %swap3A_740 = vector.shape_cast %add3A_736 : vector<16xi32> to vector<16xi32>
    tpu.vector_store %arg11[%swap3A_737], %swap3A_740 {strides = array<i32>} : memref<1536xi32, #tpu.memory_space<vmem>>, vector<16xi32>,
    %get3A_741 = arith.constant 160 : index
    %get3A_742 = tpu.vector_load %arg10[%get3A_741] {strides = array<i32>} : memref<512xi32, #tpu.memory_space<vmem>>, vector<16xi32>,
    %get3A_743 = vector.shape_cast %get3A_742 : vector<16xi32> to vector<16xi32>
    %add3A_744 = arith.constant 20000 : i32
    %add3A_745 = vector.broadcast %add3A_744 : i32 to vector<16xi32>
    %add3A_746 = arith.addi %get3A_743, %add3A_745 : vector<16xi32>
    %swap3A_747 = arith.constant 1184 : index
    %swap3A_748 = tpu.vector_load %arg11[%swap3A_747] {strides = array<i32>} : memref<1536xi32, #tpu.memory_space<vmem>>, vector<16xi32>,
    %swap3A_749 = vector.shape_cast %swap3A_748 : vector<16xi32> to vector<16xi32>
    %swap3A_750 = vector.shape_cast %add3A_746 : vector<16xi32> to vector<16xi32>
    tpu.vector_store %arg11[%swap3A_747], %swap3A_750 {strides = array<i32>} : memref<1536xi32, #tpu.memory_space<vmem>>, vector<16xi32>,
    %get3A_751 = arith.constant 176 : index
    %get3A_752 = tpu.vector_load %arg10[%get3A_751] {strides = array<i32>} : memref<512xi32, #tpu.memory_space<vmem>>, vector<16xi32>,
    %get3A_753 = vector.shape_cast %get3A_752 : vector<16xi32> to vector<16xi32>
    %add3A_754 = arith.constant 20000 : i32
    %add3A_755 = vector.broadcast %add3A_754 : i32 to vector<16xi32>
    %add3A_756 = arith.addi %get3A_753, %add3A_755 : vector<16xi32>
    %swap3A_757 = arith.constant 1200 : index
    %swap3A_758 = tpu.vector_load %arg11[%swap3A_757] {strides = array<i32>} : memref<1536xi32, #tpu.memory_space<vmem>>, vector<16xi32>,
    %swap3A_759 = vector.shape_cast %swap3A_758 : vector<16xi32> to vector<16xi32>
    %swap3A_760 = vector.shape_cast %add3A_756 : vector<16xi32> to vector<16xi32>
    tpu.vector_store %arg11[%swap3A_757], %swap3A_760 {strides = array<i32>} : memref<1536xi32, #tpu.memory_space<vmem>>, vector<16xi32>,
    %get3A_761 = arith.constant 192 : index
    %get3A_762 = tpu.vector_load %arg10[%get3A_761] {strides = array<i32>} : memref<512xi32, #tpu.memory_space<vmem>>, vector<16xi32>,
    %get3A_763 = vector.shape_cast %get3A_762 : vector<16xi32> to vector<16xi32>
    %add3A_764 = arith.constant 20000 : i32
    %add3A_765 = vector.broadcast %add3A_764 : i32 to vector<16xi32>
    %add3A_766 = arith.addi %get3A_763, %add3A_765 : vector<16xi32>
    %swap3A_767 = arith.constant 1216 : index
    %swap3A_768 = tpu.vector_load %arg11[%swap3A_767] {strides = array<i32>} : memref<1536xi32, #tpu.memory_space<vmem>>, vector<16xi32>,
    %swap3A_769 = vector.shape_cast %swap3A_768 : vector<16xi32> to vector<16xi32>
    %swap3A_770 = vector.shape_cast %add3A_766 : vector<16xi32> to vector<16xi32>
    tpu.vector_store %arg11[%swap3A_767], %swap3A_770 {strides = array<i32>} : memref<1536xi32, #tpu.memory_space<vmem>>, vector<16xi32>,
    %get3A_771 = arith.constant 208 : index
    %get3A_772 = tpu.vector_load %arg10[%get3A_771] {strides = array<i32>} : memref<512xi32, #tpu.memory_space<vmem>>, vector<16xi32>,
    %get3A_773 = vector.shape_cast %get3A_772 : vector<16xi32> to vector<16xi32>
    %add3A_774 = arith.constant 20000 : i32
    %add3A_775 = vector.broadcast %add3A_774 : i32 to vector<16xi32>
    %add3A_776 = arith.addi %get3A_773, %add3A_775 : vector<16xi32>
    %swap3A_777 = arith.constant 1232 : index
    %swap3A_778 = tpu.vector_load %arg11[%swap3A_777] {strides = array<i32>} : memref<1536xi32, #tpu.memory_space<vmem>>, vector<16xi32>,
    %swap3A_779 = vector.shape_cast %swap3A_778 : vector<16xi32> to vector<16xi32>
    %swap3A_780 = vector.shape_cast %add3A_776 : vector<16xi32> to vector<16xi32>
    tpu.vector_store %arg11[%swap3A_777], %swap3A_780 {strides = array<i32>} : memref<1536xi32, #tpu.memory_space<vmem>>, vector<16xi32>,
    %get3A_781 = arith.constant 224 : index
    %get3A_782 = tpu.vector_load %arg10[%get3A_781] {strides = array<i32>} : memref<512xi32, #tpu.memory_space<vmem>>, vector<16xi32>,
    %get3A_783 = vector.shape_cast %get3A_782 : vector<16xi32> to vector<16xi32>
    %add3A_784 = arith.constant 20000 : i32
    %add3A_785 = vector.broadcast %add3A_784 : i32 to vector<16xi32>
    %add3A_786 = arith.addi %get3A_783, %add3A_785 : vector<16xi32>
    %swap3A_787 = arith.constant 1248 : index
    %swap3A_788 = tpu.vector_load %arg11[%swap3A_787] {strides = array<i32>} : memref<1536xi32, #tpu.memory_space<vmem>>, vector<16xi32>,
    %swap3A_789 = vector.shape_cast %swap3A_788 : vector<16xi32> to vector<16xi32>
    %swap3A_790 = vector.shape_cast %add3A_786 : vector<16xi32> to vector<16xi32>
    tpu.vector_store %arg11[%swap3A_787], %swap3A_790 {strides = array<i32>} : memref<1536xi32, #tpu.memory_space<vmem>>, vector<16xi32>,
    %get3A_791 = arith.constant 240 : index
    %get3A_792 = tpu.vector_load %arg10[%get3A_791] {strides = array<i32>} : memref<512xi32, #tpu.memory_space<vmem>>, vector<16xi32>,
    %get3A_793 = vector.shape_cast %get3A_792 : vector<16xi32> to vector<16xi32>
    %add3A_794 = arith.constant 20000 : i32
    %add3A_795 = vector.broadcast %add3A_794 : i32 to vector<16xi32>
    %add3A_796 = arith.addi %get3A_793, %add3A_795 : vector<16xi32>
    %swap3A_797 = arith.constant 1264 : index
    %swap3A_798 = tpu.vector_load %arg11[%swap3A_797] {strides = array<i32>} : memref<1536xi32, #tpu.memory_space<vmem>>, vector<16xi32>,
    %swap3A_799 = vector.shape_cast %swap3A_798 : vector<16xi32> to vector<16xi32>
    %swap3A_800 = vector.shape_cast %add3A_796 : vector<16xi32> to vector<16xi32>
    tpu.vector_store %arg11[%swap3A_797], %swap3A_800 {strides = array<i32>} : memref<1536xi32, #tpu.memory_space<vmem>>, vector<16xi32>,
    %get3A_801 = arith.constant 256 : index
    %get3A_802 = tpu.vector_load %arg10[%get3A_801] {strides = array<i32>} : memref<512xi32, #tpu.memory_space<vmem>>, vector<16xi32>,
    %get3A_803 = vector.shape_cast %get3A_802 : vector<16xi32> to vector<16xi32>
    %add3A_804 = arith.constant 20000 : i32
    %add3A_805 = vector.broadcast %add3A_804 : i32 to vector<16xi32>
    %add3A_806 = arith.addi %get3A_803, %add3A_805 : vector<16xi32>
    %swap3A_807 = arith.constant 1280 : index
    %swap3A_808 = tpu.vector_load %arg11[%swap3A_807] {strides = array<i32>} : memref<1536xi32, #tpu.memory_space<vmem>>, vector<16xi32>,
    %swap3A_809 = vector.shape_cast %swap3A_808 : vector<16xi32> to vector<16xi32>
    %swap3A_810 = vector.shape_cast %add3A_806 : vector<16xi32> to vector<16xi32>
    tpu.vector_store %arg11[%swap3A_807], %swap3A_810 {strides = array<i32>} : memref<1536xi32, #tpu.memory_space<vmem>>, vector<16xi32>,
    %get3A_811 = arith.constant 272 : index
    %get3A_812 = tpu.vector_load %arg10[%get3A_811] {strides = array<i32>} : memref<512xi32, #tpu.memory_space<vmem>>, vector<16xi32>,
    %get3A_813 = vector.shape_cast %get3A_812 : vector<16xi32> to vector<16xi32>
    %add3A_814 = arith.constant 20000 : i32
    %add3A_815 = vector.broadcast %add3A_814 : i32 to vector<16xi32>
    %add3A_816 = arith.addi %get3A_813, %add3A_815 : vector<16xi32>
    %swap3A_817 = arith.constant 1296 : index
    %swap3A_818 = tpu.vector_load %arg11[%swap3A_817] {strides = array<i32>} : memref<1536xi32, #tpu.memory_space<vmem>>, vector<16xi32>,
    %swap3A_819 = vector.shape_cast %swap3A_818 : vector<16xi32> to vector<16xi32>
    %swap3A_820 = vector.shape_cast %add3A_816 : vector<16xi32> to vector<16xi32>
    tpu.vector_store %arg11[%swap3A_817], %swap3A_820 {strides = array<i32>} : memref<1536xi32, #tpu.memory_space<vmem>>, vector<16xi32>,
    %get3A_821 = arith.constant 288 : index
    %get3A_822 = tpu.vector_load %arg10[%get3A_821] {strides = array<i32>} : memref<512xi32, #tpu.memory_space<vmem>>, vector<16xi32>,
    %get3A_823 = vector.shape_cast %get3A_822 : vector<16xi32> to vector<16xi32>
    %add3A_824 = arith.constant 20000 : i32
    %add3A_825 = vector.broadcast %add3A_824 : i32 to vector<16xi32>
    %add3A_826 = arith.addi %get3A_823, %add3A_825 : vector<16xi32>
    %swap3A_827 = arith.constant 1312 : index
    %swap3A_828 = tpu.vector_load %arg11[%swap3A_827] {strides = array<i32>} : memref<1536xi32, #tpu.memory_space<vmem>>, vector<16xi32>,
    %swap3A_829 = vector.shape_cast %swap3A_828 : vector<16xi32> to vector<16xi32>
    %swap3A_830 = vector.shape_cast %add3A_826 : vector<16xi32> to vector<16xi32>
    tpu.vector_store %arg11[%swap3A_827], %swap3A_830 {strides = array<i32>} : memref<1536xi32, #tpu.memory_space<vmem>>, vector<16xi32>,
    %get3A_831 = arith.constant 304 : index
    %get3A_832 = tpu.vector_load %arg10[%get3A_831] {strides = array<i32>} : memref<512xi32, #tpu.memory_space<vmem>>, vector<16xi32>,
    %get3A_833 = vector.shape_cast %get3A_832 : vector<16xi32> to vector<16xi32>
    %add3A_834 = arith.constant 20000 : i32
    %add3A_835 = vector.broadcast %add3A_834 : i32 to vector<16xi32>
    %add3A_836 = arith.addi %get3A_833, %add3A_835 : vector<16xi32>
    %swap3A_837 = arith.constant 1328 : index
    %swap3A_838 = tpu.vector_load %arg11[%swap3A_837] {strides = array<i32>} : memref<1536xi32, #tpu.memory_space<vmem>>, vector<16xi32>,
    %swap3A_839 = vector.shape_cast %swap3A_838 : vector<16xi32> to vector<16xi32>
    %swap3A_840 = vector.shape_cast %add3A_836 : vector<16xi32> to vector<16xi32>
    tpu.vector_store %arg11[%swap3A_837], %swap3A_840 {strides = array<i32>} : memref<1536xi32, #tpu.memory_space<vmem>>, vector<16xi32>,
    %get3A_841 = arith.constant 320 : index
    %get3A_842 = tpu.vector_load %arg10[%get3A_841] {strides = array<i32>} : memref<512xi32, #tpu.memory_space<vmem>>, vector<16xi32>,
    %get3A_843 = vector.shape_cast %get3A_842 : vector<16xi32> to vector<16xi32>
    %add3A_844 = arith.constant 20000 : i32
    %add3A_845 = vector.broadcast %add3A_844 : i32 to vector<16xi32>
    %add3A_846 = arith.addi %get3A_843, %add3A_845 : vector<16xi32>
    %swap3A_847 = arith.constant 1344 : index
    %swap3A_848 = tpu.vector_load %arg11[%swap3A_847] {strides = array<i32>} : memref<1536xi32, #tpu.memory_space<vmem>>, vector<16xi32>,
    %swap3A_849 = vector.shape_cast %swap3A_848 : vector<16xi32> to vector<16xi32>
    %swap3A_850 = vector.shape_cast %add3A_846 : vector<16xi32> to vector<16xi32>
    tpu.vector_store %arg11[%swap3A_847], %swap3A_850 {strides = array<i32>} : memref<1536xi32, #tpu.memory_space<vmem>>, vector<16xi32>,
    %get3A_851 = arith.constant 336 : index
    %get3A_852 = tpu.vector_load %arg10[%get3A_851] {strides = array<i32>} : memref<512xi32, #tpu.memory_space<vmem>>, vector<16xi32>,
    %get3A_853 = vector.shape_cast %get3A_852 : vector<16xi32> to vector<16xi32>
    %add3A_854 = arith.constant 20000 : i32
    %add3A_855 = vector.broadcast %add3A_854 : i32 to vector<16xi32>
    %add3A_856 = arith.addi %get3A_853, %add3A_855 : vector<16xi32>
    %swap3A_857 = arith.constant 1360 : index
    %swap3A_858 = tpu.vector_load %arg11[%swap3A_857] {strides = array<i32>} : memref<1536xi32, #tpu.memory_space<vmem>>, vector<16xi32>,
    %swap3A_859 = vector.shape_cast %swap3A_858 : vector<16xi32> to vector<16xi32>
    %swap3A_860 = vector.shape_cast %add3A_856 : vector<16xi32> to vector<16xi32>
    tpu.vector_store %arg11[%swap3A_857], %swap3A_860 {strides = array<i32>} : memref<1536xi32, #tpu.memory_space<vmem>>, vector<16xi32>,
    %get3A_861 = arith.constant 352 : index
    %get3A_862 = tpu.vector_load %arg10[%get3A_861] {strides = array<i32>} : memref<512xi32, #tpu.memory_space<vmem>>, vector<16xi32>,
    %get3A_863 = vector.shape_cast %get3A_862 : vector<16xi32> to vector<16xi32>
    %add3A_864 = arith.constant 20000 : i32
    %add3A_865 = vector.broadcast %add3A_864 : i32 to vector<16xi32>
    %add3A_866 = arith.addi %get3A_863, %add3A_865 : vector<16xi32>
    %swap3A_867 = arith.constant 1376 : index
    %swap3A_868 = tpu.vector_load %arg11[%swap3A_867] {strides = array<i32>} : memref<1536xi32, #tpu.memory_space<vmem>>, vector<16xi32>,
    %swap3A_869 = vector.shape_cast %swap3A_868 : vector<16xi32> to vector<16xi32>
    %swap3A_870 = vector.shape_cast %add3A_866 : vector<16xi32> to vector<16xi32>
    tpu.vector_store %arg11[%swap3A_867], %swap3A_870 {strides = array<i32>} : memref<1536xi32, #tpu.memory_space<vmem>>, vector<16xi32>,
    %get3A_871 = arith.constant 368 : index
    %get3A_872 = tpu.vector_load %arg10[%get3A_871] {strides = array<i32>} : memref<512xi32, #tpu.memory_space<vmem>>, vector<16xi32>,
    %get3A_873 = vector.shape_cast %get3A_872 : vector<16xi32> to vector<16xi32>
    %add3A_874 = arith.constant 20000 : i32
    %add3A_875 = vector.broadcast %add3A_874 : i32 to vector<16xi32>
    %add3A_876 = arith.addi %get3A_873, %add3A_875 : vector<16xi32>
    %swap3A_877 = arith.constant 1392 : index
    %swap3A_878 = tpu.vector_load %arg11[%swap3A_877] {strides = array<i32>} : memref<1536xi32, #tpu.memory_space<vmem>>, vector<16xi32>,
    %swap3A_879 = vector.shape_cast %swap3A_878 : vector<16xi32> to vector<16xi32>
    %swap3A_880 = vector.shape_cast %add3A_876 : vector<16xi32> to vector<16xi32>
    tpu.vector_store %arg11[%swap3A_877], %swap3A_880 {strides = array<i32>} : memref<1536xi32, #tpu.memory_space<vmem>>, vector<16xi32>,
    %get3A_881 = arith.constant 384 : index
    %get3A_882 = tpu.vector_load %arg10[%get3A_881] {strides = array<i32>} : memref<512xi32, #tpu.memory_space<vmem>>, vector<16xi32>,
    %get3A_883 = vector.shape_cast %get3A_882 : vector<16xi32> to vector<16xi32>
    %add3A_884 = arith.constant 20000 : i32
    %add3A_885 = vector.broadcast %add3A_884 : i32 to vector<16xi32>
    %add3A_886 = arith.addi %get3A_883, %add3A_885 : vector<16xi32>
    %swap3A_887 = arith.constant 1408 : index
    %swap3A_888 = tpu.vector_load %arg11[%swap3A_887] {strides = array<i32>} : memref<1536xi32, #tpu.memory_space<vmem>>, vector<16xi32>,
    %swap3A_889 = vector.shape_cast %swap3A_888 : vector<16xi32> to vector<16xi32>
    %swap3A_890 = vector.shape_cast %add3A_886 : vector<16xi32> to vector<16xi32>
    tpu.vector_store %arg11[%swap3A_887], %swap3A_890 {strides = array<i32>} : memref<1536xi32, #tpu.memory_space<vmem>>, vector<16xi32>,
    %get3A_891 = arith.constant 400 : index
    %get3A_892 = tpu.vector_load %arg10[%get3A_891] {strides = array<i32>} : memref<512xi32, #tpu.memory_space<vmem>>, vector<16xi32>,
    %get3A_893 = vector.shape_cast %get3A_892 : vector<16xi32> to vector<16xi32>
    %add3A_894 = arith.constant 20000 : i32
    %add3A_895 = vector.broadcast %add3A_894 : i32 to vector<16xi32>
    %add3A_896 = arith.addi %get3A_893, %add3A_895 : vector<16xi32>
    %swap3A_897 = arith.constant 1424 : index
    %swap3A_898 = tpu.vector_load %arg11[%swap3A_897] {strides = array<i32>} : memref<1536xi32, #tpu.memory_space<vmem>>, vector<16xi32>,
    %swap3A_899 = vector.shape_cast %swap3A_898 : vector<16xi32> to vector<16xi32>
    %swap3A_900 = vector.shape_cast %add3A_896 : vector<16xi32> to vector<16xi32>
    tpu.vector_store %arg11[%swap3A_897], %swap3A_900 {strides = array<i32>} : memref<1536xi32, #tpu.memory_space<vmem>>, vector<16xi32>,
    %get3A_901 = arith.constant 416 : index
    %get3A_902 = tpu.vector_load %arg10[%get3A_901] {strides = array<i32>} : memref<512xi32, #tpu.memory_space<vmem>>, vector<16xi32>,
    %get3A_903 = vector.shape_cast %get3A_902 : vector<16xi32> to vector<16xi32>
    %add3A_904 = arith.constant 20000 : i32
    %add3A_905 = vector.broadcast %add3A_904 : i32 to vector<16xi32>
    %add3A_906 = arith.addi %get3A_903, %add3A_905 : vector<16xi32>
    %swap3A_907 = arith.constant 1440 : index
    %swap3A_908 = tpu.vector_load %arg11[%swap3A_907] {strides = array<i32>} : memref<1536xi32, #tpu.memory_space<vmem>>, vector<16xi32>,
    %swap3A_909 = vector.shape_cast %swap3A_908 : vector<16xi32> to vector<16xi32>
    %swap3A_910 = vector.shape_cast %add3A_906 : vector<16xi32> to vector<16xi32>
    tpu.vector_store %arg11[%swap3A_907], %swap3A_910 {strides = array<i32>} : memref<1536xi32, #tpu.memory_space<vmem>>, vector<16xi32>,
    %get3A_911 = arith.constant 432 : index
    %get3A_912 = tpu.vector_load %arg10[%get3A_911] {strides = array<i32>} : memref<512xi32, #tpu.memory_space<vmem>>, vector<16xi32>,
    %get3A_913 = vector.shape_cast %get3A_912 : vector<16xi32> to vector<16xi32>
    %add3A_914 = arith.constant 20000 : i32
    %add3A_915 = vector.broadcast %add3A_914 : i32 to vector<16xi32>
    %add3A_916 = arith.addi %get3A_913, %add3A_915 : vector<16xi32>
    %swap3A_917 = arith.constant 1456 : index
    %swap3A_918 = tpu.vector_load %arg11[%swap3A_917] {strides = array<i32>} : memref<1536xi32, #tpu.memory_space<vmem>>, vector<16xi32>,
    %swap3A_919 = vector.shape_cast %swap3A_918 : vector<16xi32> to vector<16xi32>
    %swap3A_920 = vector.shape_cast %add3A_916 : vector<16xi32> to vector<16xi32>
    tpu.vector_store %arg11[%swap3A_917], %swap3A_920 {strides = array<i32>} : memref<1536xi32, #tpu.memory_space<vmem>>, vector<16xi32>,
    %get3A_921 = arith.constant 448 : index
    %get3A_922 = tpu.vector_load %arg10[%get3A_921] {strides = array<i32>} : memref<512xi32, #tpu.memory_space<vmem>>, vector<16xi32>,
    %get3A_923 = vector.shape_cast %get3A_922 : vector<16xi32> to vector<16xi32>
    %add3A_924 = arith.constant 20000 : i32
    %add3A_925 = vector.broadcast %add3A_924 : i32 to vector<16xi32>
    %add3A_926 = arith.addi %get3A_923, %add3A_925 : vector<16xi32>
    %swap3A_927 = arith.constant 1472 : index
    %swap3A_928 = tpu.vector_load %arg11[%swap3A_927] {strides = array<i32>} : memref<1536xi32, #tpu.memory_space<vmem>>, vector<16xi32>,
    %swap3A_929 = vector.shape_cast %swap3A_928 : vector<16xi32> to vector<16xi32>
    %swap3A_930 = vector.shape_cast %add3A_926 : vector<16xi32> to vector<16xi32>
    tpu.vector_store %arg11[%swap3A_927], %swap3A_930 {strides = array<i32>} : memref<1536xi32, #tpu.memory_space<vmem>>, vector<16xi32>,
    %get3A_931 = arith.constant 464 : index
    %get3A_932 = tpu.vector_load %arg10[%get3A_931] {strides = array<i32>} : memref<512xi32, #tpu.memory_space<vmem>>, vector<16xi32>,
    %get3A_933 = vector.shape_cast %get3A_932 : vector<16xi32> to vector<16xi32>
    %add3A_934 = arith.constant 20000 : i32
    %add3A_935 = vector.broadcast %add3A_934 : i32 to vector<16xi32>
    %add3A_936 = arith.addi %get3A_933, %add3A_935 : vector<16xi32>
    %swap3A_937 = arith.constant 1488 : index
    %swap3A_938 = tpu.vector_load %arg11[%swap3A_937] {strides = array<i32>} : memref<1536xi32, #tpu.memory_space<vmem>>, vector<16xi32>,
    %swap3A_939 = vector.shape_cast %swap3A_938 : vector<16xi32> to vector<16xi32>
    %swap3A_940 = vector.shape_cast %add3A_936 : vector<16xi32> to vector<16xi32>
    tpu.vector_store %arg11[%swap3A_937], %swap3A_940 {strides = array<i32>} : memref<1536xi32, #tpu.memory_space<vmem>>, vector<16xi32>,
    %get3A_941 = arith.constant 480 : index
    %get3A_942 = tpu.vector_load %arg10[%get3A_941] {strides = array<i32>} : memref<512xi32, #tpu.memory_space<vmem>>, vector<16xi32>,
    %get3A_943 = vector.shape_cast %get3A_942 : vector<16xi32> to vector<16xi32>
    %add3A_944 = arith.constant 20000 : i32
    %add3A_945 = vector.broadcast %add3A_944 : i32 to vector<16xi32>
    %add3A_946 = arith.addi %get3A_943, %add3A_945 : vector<16xi32>
    %swap3A_947 = arith.constant 1504 : index
    %swap3A_948 = tpu.vector_load %arg11[%swap3A_947] {strides = array<i32>} : memref<1536xi32, #tpu.memory_space<vmem>>, vector<16xi32>,
    %swap3A_949 = vector.shape_cast %swap3A_948 : vector<16xi32> to vector<16xi32>
    %swap3A_950 = vector.shape_cast %add3A_946 : vector<16xi32> to vector<16xi32>
    tpu.vector_store %arg11[%swap3A_947], %swap3A_950 {strides = array<i32>} : memref<1536xi32, #tpu.memory_space<vmem>>, vector<16xi32>,
    %get3A_951 = arith.constant 496 : index
    %get3A_952 = tpu.vector_load %arg10[%get3A_951] {strides = array<i32>} : memref<512xi32, #tpu.memory_space<vmem>>, vector<16xi32>,
    %get3A_953 = vector.shape_cast %get3A_952 : vector<16xi32> to vector<16xi32>
    %add3A_954 = arith.constant 20000 : i32
    %add3A_955 = vector.broadcast %add3A_954 : i32 to vector<16xi32>
    %add3A_956 = arith.addi %get3A_953, %add3A_955 : vector<16xi32>
    %swap3A_957 = arith.constant 1520 : index
    %swap3A_958 = tpu.vector_load %arg11[%swap3A_957] {strides = array<i32>} : memref<1536xi32, #tpu.memory_space<vmem>>, vector<16xi32>,
    %swap3A_959 = vector.shape_cast %swap3A_958 : vector<16xi32> to vector<16xi32>
    %swap3A_960 = vector.shape_cast %add3A_956 : vector<16xi32> to vector<16xi32>
    tpu.vector_store %arg11[%swap3A_957], %swap3A_960 {strides = array<i32>} : memref<1536xi32, #tpu.memory_space<vmem>>, vector<16xi32>,
    %dma_start3A = arith.constant 0 : i32
    %dma_start3A_961 = arith.constant 0 : i32
    %dma_start3A_962 = tpu.memref_slice %arg12[%dma_start3A_961] : memref<1536xi32, #tpu.memory_space<vmem>> -> memref<512xi32, #tpu.memory_space<vmem>>
    %dma_start3A_963 = arith.constant 0 : i32
    %dma_start3A_964 = tpu.memref_slice %arg11[%dma_start3A_963] : memref<1536xi32, #tpu.memory_space<vmem>> -> memref<512xi32, #tpu.memory_space<vmem>>
    %dma_start3A_965 = arith.constant 0 : i32
    %dma_start3A_966 = tpu.memref_slice %arg3[%dma_start3A_965] : memref<30000xi32, #tpu.memory_space<hbm>> -> memref<30000xi32, #tpu.memory_space<hbm>>
    %dma_start3A_967 = tpu.memref_slice %arg14[%dma_start3A] : memref<3x!tpu.dma_semaphore, #tpu.memory_space<semaphore_mem>> -> memref<1x!tpu.dma_semaphore, #tpu.memory_space<semaphore_mem>>
    %dma_start3A_968 = tpu.memref_squeeze %dma_start3A_967 : memref<1x!tpu.dma_semaphore, #tpu.memory_space<semaphore_mem>> -> memref<!tpu.dma_semaphore, #tpu.memory_space<semaphore_mem>>
    tpu.enqueue_indirect_dma source(%dma_start3A_966 : memref<30000xi32, #tpu.memory_space<hbm>>) target(%dma_start3A_962 : memref<512xi32, #tpu.memory_space<vmem>>) offsets(%dma_start3A_964 : memref<512xi32, #tpu.memory_space<vmem>>) semaphore(%dma_start3A_968 : memref<!tpu.dma_semaphore, #tpu.memory_space<semaphore_mem>>)
    %dma_start3A_969 = arith.constant 1 : i32
    %dma_start3A_970 = arith.constant 512 : i32
    %dma_start3A_971 = tpu.memref_slice %arg12[%dma_start3A_970] : memref<1536xi32, #tpu.memory_space<vmem>> -> memref<512xi32, #tpu.memory_space<vmem>>
    %dma_start3A_972 = arith.constant 512 : i32
    %dma_start3A_973 = tpu.memref_slice %arg11[%dma_start3A_972] : memref<1536xi32, #tpu.memory_space<vmem>> -> memref<512xi32, #tpu.memory_space<vmem>>
    %dma_start3A_974 = arith.constant 0 : i32
    %dma_start3A_975 = tpu.memref_slice %arg3[%dma_start3A_974] : memref<30000xi32, #tpu.memory_space<hbm>> -> memref<30000xi32, #tpu.memory_space<hbm>>
    %dma_start3A_976 = tpu.memref_slice %arg14[%dma_start3A_969] : memref<3x!tpu.dma_semaphore, #tpu.memory_space<semaphore_mem>> -> memref<1x!tpu.dma_semaphore, #tpu.memory_space<semaphore_mem>>
    %dma_start3A_977 = tpu.memref_squeeze %dma_start3A_976 : memref<1x!tpu.dma_semaphore, #tpu.memory_space<semaphore_mem>> -> memref<!tpu.dma_semaphore, #tpu.memory_space<semaphore_mem>>
    tpu.enqueue_indirect_dma source(%dma_start3A_975 : memref<30000xi32, #tpu.memory_space<hbm>>) target(%dma_start3A_971 : memref<512xi32, #tpu.memory_space<vmem>>) offsets(%dma_start3A_973 : memref<512xi32, #tpu.memory_space<vmem>>) semaphore(%dma_start3A_977 : memref<!tpu.dma_semaphore, #tpu.memory_space<semaphore_mem>>)
    %dma_start3A_978 = arith.constant 2 : i32
    %dma_start3A_979 = arith.constant 1024 : i32
    %dma_start3A_980 = tpu.memref_slice %arg12[%dma_start3A_979] : memref<1536xi32, #tpu.memory_space<vmem>> -> memref<512xi32, #tpu.memory_space<vmem>>
    %dma_start3A_981 = arith.constant 1024 : i32
    %dma_start3A_982 = tpu.memref_slice %arg11[%dma_start3A_981] : memref<1536xi32, #tpu.memory_space<vmem>> -> memref<512xi32, #tpu.memory_space<vmem>>
    %dma_start3A_983 = arith.constant 0 : i32
    %dma_start3A_984 = tpu.memref_slice %arg3[%dma_start3A_983] : memref<30000xi32, #tpu.memory_space<hbm>> -> memref<30000xi32, #tpu.memory_space<hbm>>
    %dma_start3A_985 = tpu.memref_slice %arg14[%dma_start3A_978] : memref<3x!tpu.dma_semaphore, #tpu.memory_space<semaphore_mem>> -> memref<1x!tpu.dma_semaphore, #tpu.memory_space<semaphore_mem>>
    %dma_start3A_986 = tpu.memref_squeeze %dma_start3A_985 : memref<1x!tpu.dma_semaphore, #tpu.memory_space<semaphore_mem>> -> memref<!tpu.dma_semaphore, #tpu.memory_space<semaphore_mem>>
    tpu.enqueue_indirect_dma source(%dma_start3A_984 : memref<30000xi32, #tpu.memory_space<hbm>>) target(%dma_start3A_980 : memref<512xi32, #tpu.memory_space<vmem>>) offsets(%dma_start3A_982 : memref<512xi32, #tpu.memory_space<vmem>>) semaphore(%dma_start3A_986 : memref<!tpu.dma_semaphore, #tpu.memory_space<semaphore_mem>>)
    %dma_wait3A = arith.constant 0 : i32
    %dma_wait3A_987 = arith.constant 0 : i32
    %dma_wait3A_988 = tpu.memref_slice %arg12[%dma_wait3A_987] : memref<1536xi32, #tpu.memory_space<vmem>> -> memref<512xi32, #tpu.memory_space<vmem>>
    %dma_wait3A_989 = arith.constant 0 : i32
    %dma_wait3A_990 = tpu.memref_slice %arg11[%dma_wait3A_989] : memref<1536xi32, #tpu.memory_space<vmem>> -> memref<512xi32, #tpu.memory_space<vmem>>
    %dma_wait3A_991 = arith.constant 0 : i32
    %dma_wait3A_992 = tpu.memref_slice %arg3[%dma_wait3A_991] : memref<30000xi32, #tpu.memory_space<hbm>> -> memref<30000xi32, #tpu.memory_space<hbm>>
    %dma_wait3A_993 = tpu.memref_slice %arg14[%dma_wait3A] : memref<3x!tpu.dma_semaphore, #tpu.memory_space<semaphore_mem>> -> memref<1x!tpu.dma_semaphore, #tpu.memory_space<semaphore_mem>>
    %dma_wait3A_994 = tpu.memref_squeeze %dma_wait3A_993 : memref<1x!tpu.dma_semaphore, #tpu.memory_space<semaphore_mem>> -> memref<!tpu.dma_semaphore, #tpu.memory_space<semaphore_mem>>
    tpu.wait_indirect_dma semaphore(%dma_wait3A_994 : memref<!tpu.dma_semaphore, #tpu.memory_space<semaphore_mem>>) src(%dma_wait3A_992 : memref<30000xi32, #tpu.memory_space<hbm>>) dst(%dma_wait3A_988 : memref<512xi32, #tpu.memory_space<vmem>>)
    %dma_start3A_995 = arith.constant 0 : i32
    %dma_start3A_996 = arith.constant 0 : i32
    %dma_start3A_997 = arith.constant 0 : i32
    %dma_start3A_998 = arith.constant 0 : i32
    %dma_start3A_999 = tpu.memref_slice %arg13[%dma_start3A_995, %dma_start3A_997, %dma_start3A_998] : memref<3x512x64xf32, #tpu.memory_space<vmem>> -> memref<1x512x64xf32, #tpu.memory_space<vmem>>
    %dma_start3A_1000 = tpu.memref_squeeze %dma_start3A_999 : memref<1x512x64xf32, #tpu.memory_space<vmem>> -> memref<512x64xf32, #tpu.memory_space<vmem>>
    %dma_start3A_1001 = arith.constant 0 : i32
    %dma_start3A_1002 = tpu.memref_slice %arg12[%dma_start3A_1001] : memref<1536xi32, #tpu.memory_space<vmem>> -> memref<512xi32, #tpu.memory_space<vmem>>
    %dma_start3A_1003 = arith.constant 0 : i32
    %dma_start3A_1004 = arith.constant 0 : i32
    %dma_start3A_1005 = tpu.memref_slice %arg4[%dma_start3A_1003, %dma_start3A_1004] : memref<4095x64xf32, #tpu.memory_space<hbm>> -> memref<4095x64xf32, #tpu.memory_space<hbm>>
    %dma_start3A_1006 = tpu.memref_slice %arg15[%dma_start3A_996] : memref<3x!tpu.dma_semaphore, #tpu.memory_space<semaphore_mem>> -> memref<1x!tpu.dma_semaphore, #tpu.memory_space<semaphore_mem>>
    %dma_start3A_1007 = tpu.memref_squeeze %dma_start3A_1006 : memref<1x!tpu.dma_semaphore, #tpu.memory_space<semaphore_mem>> -> memref<!tpu.dma_semaphore, #tpu.memory_space<semaphore_mem>>
    tpu.enqueue_indirect_dma source(%dma_start3A_1005 : memref<4095x64xf32, #tpu.memory_space<hbm>>) target(%dma_start3A_1000 : memref<512x64xf32, #tpu.memory_space<vmem>>) offsets(%dma_start3A_1002 : memref<512xi32, #tpu.memory_space<vmem>>) semaphore(%dma_start3A_1007 : memref<!tpu.dma_semaphore, #tpu.memory_space<semaphore_mem>>)
    %dma_wait3A_1008 = arith.constant 1 : i32
    %dma_wait3A_1009 = arith.constant 512 : i32
    %dma_wait3A_1010 = tpu.memref_slice %arg12[%dma_wait3A_1009] : memref<1536xi32, #tpu.memory_space<vmem>> -> memref<512xi32, #tpu.memory_space<vmem>>
    %dma_wait3A_1011 = arith.constant 512 : i32
    %dma_wait3A_1012 = tpu.memref_slice %arg11[%dma_wait3A_1011] : memref<1536xi32, #tpu.memory_space<vmem>> -> memref<512xi32, #tpu.memory_space<vmem>>
    %dma_wait3A_1013 = arith.constant 0 : i32
    %dma_wait3A_1014 = tpu.memref_slice %arg3[%dma_wait3A_1013] : memref<30000xi32, #tpu.memory_space<hbm>> -> memref<30000xi32, #tpu.memory_space<hbm>>
    %dma_wait3A_1015 = tpu.memref_slice %arg14[%dma_wait3A_1008] : memref<3x!tpu.dma_semaphore, #tpu.memory_space<semaphore_mem>> -> memref<1x!tpu.dma_semaphore, #tpu.memory_space<semaphore_mem>>
    %dma_wait3A_1016 = tpu.memref_squeeze %dma_wait3A_1015 : memref<1x!tpu.dma_semaphore, #tpu.memory_space<semaphore_mem>> -> memref<!tpu.dma_semaphore, #tpu.memory_space<semaphore_mem>>
    tpu.wait_indirect_dma semaphore(%dma_wait3A_1016 : memref<!tpu.dma_semaphore, #tpu.memory_space<semaphore_mem>>) src(%dma_wait3A_1014 : memref<30000xi32, #tpu.memory_space<hbm>>) dst(%dma_wait3A_1010 : memref<512xi32, #tpu.memory_space<vmem>>)
    %dma_start3A_1017 = arith.constant 1 : i32
    %dma_start3A_1018 = arith.constant 1 : i32
    %dma_start3A_1019 = arith.constant 0 : i32
    %dma_start3A_1020 = arith.constant 0 : i32
    %dma_start3A_1021 = tpu.memref_slice %arg13[%dma_start3A_1017, %dma_start3A_1019, %dma_start3A_1020] : memref<3x512x64xf32, #tpu.memory_space<vmem>> -> memref<1x512x64xf32, #tpu.memory_space<vmem>>
    %dma_start3A_1022 = tpu.memref_squeeze %dma_start3A_1021 : memref<1x512x64xf32, #tpu.memory_space<vmem>> -> memref<512x64xf32, #tpu.memory_space<vmem>>
    %dma_start3A_1023 = arith.constant 512 : i32
    %dma_start3A_1024 = tpu.memref_slice %arg12[%dma_start3A_1023] : memref<1536xi32, #tpu.memory_space<vmem>> -> memref<512xi32, #tpu.memory_space<vmem>>
    %dma_start3A_1025 = arith.constant 0 : i32
    %dma_start3A_1026 = arith.constant 0 : i32
    %dma_start3A_1027 = tpu.memref_slice %arg5[%dma_start3A_1025, %dma_start3A_1026] : memref<3000x64xf32, #tpu.memory_space<hbm>> -> memref<3000x64xf32, #tpu.memory_space<hbm>>
    %dma_start3A_1028 = tpu.memref_slice %arg15[%dma_start3A_1018] : memref<3x!tpu.dma_semaphore, #tpu.memory_space<semaphore_mem>> -> memref<1x!tpu.dma_semaphore, #tpu.memory_space<semaphore_mem>>
    %dma_start3A_1029 = tpu.memref_squeeze %dma_start3A_1028 : memref<1x!tpu.dma_semaphore, #tpu.memory_space<semaphore_mem>> -> memref<!tpu.dma_semaphore, #tpu.memory_space<semaphore_mem>>
    tpu.enqueue_indirect_dma source(%dma_start3A_1027 : memref<3000x64xf32, #tpu.memory_space<hbm>>) target(%dma_start3A_1022 : memref<512x64xf32, #tpu.memory_space<vmem>>) offsets(%dma_start3A_1024 : memref<512xi32, #tpu.memory_space<vmem>>) semaphore(%dma_start3A_1029 : memref<!tpu.dma_semaphore, #tpu.memory_space<semaphore_mem>>)
    %dma_wait3A_1030 = arith.constant 0 : i32
    %dma_wait3A_1031 = arith.constant 0 : i32
    %dma_wait3A_1032 = arith.constant 0 : i32
    %dma_wait3A_1033 = arith.constant 0 : i32
    %dma_wait3A_1034 = tpu.memref_slice %arg13[%dma_wait3A_1030, %dma_wait3A_1032, %dma_wait3A_1033] : memref<3x512x64xf32, #tpu.memory_space<vmem>> -> memref<1x512x64xf32, #tpu.memory_space<vmem>>
    %dma_wait3A_1035 = tpu.memref_squeeze %dma_wait3A_1034 : memref<1x512x64xf32, #tpu.memory_space<vmem>> -> memref<512x64xf32, #tpu.memory_space<vmem>>
    %dma_wait3A_1036 = arith.constant 0 : i32
    %dma_wait3A_1037 = tpu.memref_slice %arg12[%dma_wait3A_1036] : memref<1536xi32, #tpu.memory_space<vmem>> -> memref<512xi32, #tpu.memory_space<vmem>>
    %dma_wait3A_1038 = arith.constant 0 : i32
    %dma_wait3A_1039 = arith.constant 0 : i32
    %dma_wait3A_1040 = tpu.memref_slice %arg4[%dma_wait3A_1038, %dma_wait3A_1039] : memref<4095x64xf32, #tpu.memory_space<hbm>> -> memref<4095x64xf32, #tpu.memory_space<hbm>>
    %dma_wait3A_1041 = tpu.memref_slice %arg15[%dma_wait3A_1031] : memref<3x!tpu.dma_semaphore, #tpu.memory_space<semaphore_mem>> -> memref<1x!tpu.dma_semaphore, #tpu.memory_space<semaphore_mem>>
    %dma_wait3A_1042 = tpu.memref_squeeze %dma_wait3A_1041 : memref<1x!tpu.dma_semaphore, #tpu.memory_space<semaphore_mem>> -> memref<!tpu.dma_semaphore, #tpu.memory_space<semaphore_mem>>
    tpu.wait_indirect_dma semaphore(%dma_wait3A_1042 : memref<!tpu.dma_semaphore, #tpu.memory_space<semaphore_mem>>) src(%dma_wait3A_1040 : memref<4095x64xf32, #tpu.memory_space<hbm>>) dst(%dma_wait3A_1035 : memref<512x64xf32, #tpu.memory_space<vmem>>)
    %dma_start3A_1043 = arith.constant 0 : i32
    %dma_start3A_1044 = arith.constant 0 : i32
    %dma_start3A_1045 = arith.constant 0 : i32
    %dma_start3A_1046 = arith.constant 0 : i32
    %dma_start3A_1047 = tpu.memref_slice %arg13[%dma_start3A_1043, %dma_start3A_1045, %dma_start3A_1046] : memref<3x512x64xf32, #tpu.memory_space<vmem>> -> memref<1x512x64xf32, #tpu.memory_space<vmem>>
    %dma_start3A_1048 = tpu.memref_squeeze %dma_start3A_1047 : memref<1x512x64xf32, #tpu.memory_space<vmem>> -> memref<512x64xf32, #tpu.memory_space<vmem>>
    %dma_start3A_1049 = arith.constant 0 : i32
    %dma_start3A_1050 = tpu.memref_slice %arg7[%mul3A_2, %dma_start3A_1049] : memref<16384x64xf32, #tpu.memory_space<hbm>> -> memref<512x64xf32, #tpu.memory_space<hbm>>
    %dma_start3A_1051 = tpu.memref_slice %arg16[%dma_start3A_1044] : memref<3x!tpu.dma_semaphore, #tpu.memory_space<semaphore_mem>> -> memref<1x!tpu.dma_semaphore, #tpu.memory_space<semaphore_mem>>
    %dma_start3A_1052 = tpu.memref_squeeze %dma_start3A_1051 : memref<1x!tpu.dma_semaphore, #tpu.memory_space<semaphore_mem>> -> memref<!tpu.dma_semaphore, #tpu.memory_space<semaphore_mem>>
    %dma_start3A_1053 = arith.constant 0 : i32
    %dma_start3A_1054 = tpu.memref_slice %arg7[%mul3A_2, %dma_start3A_1053] : memref<16384x64xf32, #tpu.memory_space<hbm>> -> memref<512x64xf32, #tpu.memory_space<hbm>>
    %dma_start3A_1055 = arith.constant 0 : i32
    %dma_start3A_1056 = arith.constant 0 : i32
    %dma_start3A_1057 = tpu.memref_slice %arg13[%dma_start3A_1043, %dma_start3A_1055, %dma_start3A_1056] : memref<3x512x64xf32, #tpu.memory_space<vmem>> -> memref<1x512x64xf32, #tpu.memory_space<vmem>>
    %dma_start3A_1058 = tpu.memref_squeeze %dma_start3A_1057 : memref<1x512x64xf32, #tpu.memory_space<vmem>> -> memref<512x64xf32, #tpu.memory_space<vmem>>
    tpu.enqueue_dma source(%dma_start3A_1058 : memref<512x64xf32, #tpu.memory_space<vmem>>) target(%dma_start3A_1054 : memref<512x64xf32, #tpu.memory_space<hbm>>) target_semaphore(%dma_start3A_1052 : memref<!tpu.dma_semaphore, #tpu.memory_space<semaphore_mem>>)
    %dma_wait3A_1059 = arith.constant 2 : i32
    %dma_wait3A_1060 = arith.constant 1024 : i32
    %dma_wait3A_1061 = tpu.memref_slice %arg12[%dma_wait3A_1060] : memref<1536xi32, #tpu.memory_space<vmem>> -> memref<512xi32, #tpu.memory_space<vmem>>
    %dma_wait3A_1062 = arith.constant 1024 : i32
    %dma_wait3A_1063 = tpu.memref_slice %arg11[%dma_wait3A_1062] : memref<1536xi32, #tpu.memory_space<vmem>> -> memref<512xi32, #tpu.memory_space<vmem>>
    %dma_wait3A_1064 = arith.constant 0 : i32
    %dma_wait3A_1065 = tpu.memref_slice %arg3[%dma_wait3A_1064] : memref<30000xi32, #tpu.memory_space<hbm>> -> memref<30000xi32, #tpu.memory_space<hbm>>
    %dma_wait3A_1066 = tpu.memref_slice %arg14[%dma_wait3A_1059] : memref<3x!tpu.dma_semaphore, #tpu.memory_space<semaphore_mem>> -> memref<1x!tpu.dma_semaphore, #tpu.memory_space<semaphore_mem>>
    %dma_wait3A_1067 = tpu.memref_squeeze %dma_wait3A_1066 : memref<1x!tpu.dma_semaphore, #tpu.memory_space<semaphore_mem>> -> memref<!tpu.dma_semaphore, #tpu.memory_space<semaphore_mem>>
    tpu.wait_indirect_dma semaphore(%dma_wait3A_1067 : memref<!tpu.dma_semaphore, #tpu.memory_space<semaphore_mem>>) src(%dma_wait3A_1065 : memref<30000xi32, #tpu.memory_space<hbm>>) dst(%dma_wait3A_1061 : memref<512xi32, #tpu.memory_space<vmem>>)
    %dma_start3A_1068 = arith.constant 2 : i32
    %dma_start3A_1069 = arith.constant 2 : i32
    %dma_start3A_1070 = arith.constant 0 : i32
    %dma_start3A_1071 = arith.constant 0 : i32
    %dma_start3A_1072 = tpu.memref_slice %arg13[%dma_start3A_1068, %dma_start3A_1070, %dma_start3A_1071] : memref<3x512x64xf32, #tpu.memory_space<vmem>> -> memref<1x512x64xf32, #tpu.memory_space<vmem>>
    %dma_start3A_1073 = tpu.memref_squeeze %dma_start3A_1072 : memref<1x512x64xf32, #tpu.memory_space<vmem>> -> memref<512x64xf32, #tpu.memory_space<vmem>>
    %dma_start3A_1074 = arith.constant 1024 : i32
    %dma_start3A_1075 = tpu.memref_slice %arg12[%dma_start3A_1074] : memref<1536xi32, #tpu.memory_space<vmem>> -> memref<512xi32, #tpu.memory_space<vmem>>
    %dma_start3A_1076 = arith.constant 0 : i32
    %dma_start3A_1077 = arith.constant 0 : i32
    %dma_start3A_1078 = tpu.memref_slice %arg6[%dma_start3A_1076, %dma_start3A_1077] : memref<4095x64xf32, #tpu.memory_space<hbm>> -> memref<4095x64xf32, #tpu.memory_space<hbm>>
    %dma_start3A_1079 = tpu.memref_slice %arg15[%dma_start3A_1069] : memref<3x!tpu.dma_semaphore, #tpu.memory_space<semaphore_mem>> -> memref<1x!tpu.dma_semaphore, #tpu.memory_space<semaphore_mem>>
    %dma_start3A_1080 = tpu.memref_squeeze %dma_start3A_1079 : memref<1x!tpu.dma_semaphore, #tpu.memory_space<semaphore_mem>> -> memref<!tpu.dma_semaphore, #tpu.memory_space<semaphore_mem>>
    tpu.enqueue_indirect_dma source(%dma_start3A_1078 : memref<4095x64xf32, #tpu.memory_space<hbm>>) target(%dma_start3A_1073 : memref<512x64xf32, #tpu.memory_space<vmem>>) offsets(%dma_start3A_1075 : memref<512xi32, #tpu.memory_space<vmem>>) semaphore(%dma_start3A_1080 : memref<!tpu.dma_semaphore, #tpu.memory_space<semaphore_mem>>)
    %dma_wait3A_1081 = arith.constant 1 : i32
    %dma_wait3A_1082 = arith.constant 1 : i32
    %dma_wait3A_1083 = arith.constant 0 : i32
    %dma_wait3A_1084 = arith.constant 0 : i32
    %dma_wait3A_1085 = tpu.memref_slice %arg13[%dma_wait3A_1081, %dma_wait3A_1083, %dma_wait3A_1084] : memref<3x512x64xf32, #tpu.memory_space<vmem>> -> memref<1x512x64xf32, #tpu.memory_space<vmem>>
    %dma_wait3A_1086 = tpu.memref_squeeze %dma_wait3A_1085 : memref<1x512x64xf32, #tpu.memory_space<vmem>> -> memref<512x64xf32, #tpu.memory_space<vmem>>
    %dma_wait3A_1087 = arith.constant 512 : i32
    %dma_wait3A_1088 = tpu.memref_slice %arg12[%dma_wait3A_1087] : memref<1536xi32, #tpu.memory_space<vmem>> -> memref<512xi32, #tpu.memory_space<vmem>>
    %dma_wait3A_1089 = arith.constant 0 : i32
    %dma_wait3A_1090 = arith.constant 0 : i32
    %dma_wait3A_1091 = tpu.memref_slice %arg5[%dma_wait3A_1089, %dma_wait3A_1090] : memref<3000x64xf32, #tpu.memory_space<hbm>> -> memref<3000x64xf32, #tpu.memory_space<hbm>>
    %dma_wait3A_1092 = tpu.memref_slice %arg15[%dma_wait3A_1082] : memref<3x!tpu.dma_semaphore, #tpu.memory_space<semaphore_mem>> -> memref<1x!tpu.dma_semaphore, #tpu.memory_space<semaphore_mem>>
    %dma_wait3A_1093 = tpu.memref_squeeze %dma_wait3A_1092 : memref<1x!tpu.dma_semaphore, #tpu.memory_space<semaphore_mem>> -> memref<!tpu.dma_semaphore, #tpu.memory_space<semaphore_mem>>
    tpu.wait_indirect_dma semaphore(%dma_wait3A_1093 : memref<!tpu.dma_semaphore, #tpu.memory_space<semaphore_mem>>) src(%dma_wait3A_1091 : memref<3000x64xf32, #tpu.memory_space<hbm>>) dst(%dma_wait3A_1086 : memref<512x64xf32, #tpu.memory_space<vmem>>)
    %dma_start3A_1094 = arith.constant 1 : i32
    %dma_start3A_1095 = arith.constant 1 : i32
    %dma_start3A_1096 = arith.constant 0 : i32
    %dma_start3A_1097 = arith.constant 0 : i32
    %dma_start3A_1098 = tpu.memref_slice %arg13[%dma_start3A_1094, %dma_start3A_1096, %dma_start3A_1097] : memref<3x512x64xf32, #tpu.memory_space<vmem>> -> memref<1x512x64xf32, #tpu.memory_space<vmem>>
    %dma_start3A_1099 = tpu.memref_squeeze %dma_start3A_1098 : memref<1x512x64xf32, #tpu.memory_space<vmem>> -> memref<512x64xf32, #tpu.memory_space<vmem>>
    %dma_start3A_1100 = arith.constant 0 : i32
    %dma_start3A_1101 = tpu.memref_slice %arg8[%mul3A_2, %dma_start3A_1100] : memref<16384x64xf32, #tpu.memory_space<hbm>> -> memref<512x64xf32, #tpu.memory_space<hbm>>
    %dma_start3A_1102 = tpu.memref_slice %arg16[%dma_start3A_1095] : memref<3x!tpu.dma_semaphore, #tpu.memory_space<semaphore_mem>> -> memref<1x!tpu.dma_semaphore, #tpu.memory_space<semaphore_mem>>
    %dma_start3A_1103 = tpu.memref_squeeze %dma_start3A_1102 : memref<1x!tpu.dma_semaphore, #tpu.memory_space<semaphore_mem>> -> memref<!tpu.dma_semaphore, #tpu.memory_space<semaphore_mem>>
    %dma_start3A_1104 = arith.constant 0 : i32
    %dma_start3A_1105 = tpu.memref_slice %arg8[%mul3A_2, %dma_start3A_1104] : memref<16384x64xf32, #tpu.memory_space<hbm>> -> memref<512x64xf32, #tpu.memory_space<hbm>>
    %dma_start3A_1106 = arith.constant 0 : i32
    %dma_start3A_1107 = arith.constant 0 : i32
    %dma_start3A_1108 = tpu.memref_slice %arg13[%dma_start3A_1094, %dma_start3A_1106, %dma_start3A_1107] : memref<3x512x64xf32, #tpu.memory_space<vmem>> -> memref<1x512x64xf32, #tpu.memory_space<vmem>>
    %dma_start3A_1109 = tpu.memref_squeeze %dma_start3A_1108 : memref<1x512x64xf32, #tpu.memory_space<vmem>> -> memref<512x64xf32, #tpu.memory_space<vmem>>
    tpu.enqueue_dma source(%dma_start3A_1109 : memref<512x64xf32, #tpu.memory_space<vmem>>) target(%dma_start3A_1105 : memref<512x64xf32, #tpu.memory_space<hbm>>) target_semaphore(%dma_start3A_1103 : memref<!tpu.dma_semaphore, #tpu.memory_space<semaphore_mem>>)
    %dma_wait3A_1110 = arith.constant 2 : i32
    %dma_wait3A_1111 = arith.constant 2 : i32
    %dma_wait3A_1112 = arith.constant 0 : i32
    %dma_wait3A_1113 = arith.constant 0 : i32
    %dma_wait3A_1114 = tpu.memref_slice %arg13[%dma_wait3A_1110, %dma_wait3A_1112, %dma_wait3A_1113] : memref<3x512x64xf32, #tpu.memory_space<vmem>> -> memref<1x512x64xf32, #tpu.memory_space<vmem>>
    %dma_wait3A_1115 = tpu.memref_squeeze %dma_wait3A_1114 : memref<1x512x64xf32, #tpu.memory_space<vmem>> -> memref<512x64xf32, #tpu.memory_space<vmem>>
    %dma_wait3A_1116 = arith.constant 1024 : i32
    %dma_wait3A_1117 = tpu.memref_slice %arg12[%dma_wait3A_1116] : memref<1536xi32, #tpu.memory_space<vmem>> -> memref<512xi32, #tpu.memory_space<vmem>>
    %dma_wait3A_1118 = arith.constant 0 : i32
    %dma_wait3A_1119 = arith.constant 0 : i32
    %dma_wait3A_1120 = tpu.memref_slice %arg6[%dma_wait3A_1118, %dma_wait3A_1119] : memref<4095x64xf32, #tpu.memory_space<hbm>> -> memref<4095x64xf32, #tpu.memory_space<hbm>>
    %dma_wait3A_1121 = tpu.memref_slice %arg15[%dma_wait3A_1111] : memref<3x!tpu.dma_semaphore, #tpu.memory_space<semaphore_mem>> -> memref<1x!tpu.dma_semaphore, #tpu.memory_space<semaphore_mem>>
    %dma_wait3A_1122 = tpu.memref_squeeze %dma_wait3A_1121 : memref<1x!tpu.dma_semaphore, #tpu.memory_space<semaphore_mem>> -> memref<!tpu.dma_semaphore, #tpu.memory_space<semaphore_mem>>
    tpu.wait_indirect_dma semaphore(%dma_wait3A_1122 : memref<!tpu.dma_semaphore, #tpu.memory_space<semaphore_mem>>) src(%dma_wait3A_1120 : memref<4095x64xf32, #tpu.memory_space<hbm>>) dst(%dma_wait3A_1115 : memref<512x64xf32, #tpu.memory_space<vmem>>)
    %dma_start3A_1123 = arith.constant 2 : i32
    %dma_start3A_1124 = arith.constant 2 : i32
    %dma_start3A_1125 = arith.constant 0 : i32
    %dma_start3A_1126 = arith.constant 0 : i32
    %dma_start3A_1127 = tpu.memref_slice %arg13[%dma_start3A_1123, %dma_start3A_1125, %dma_start3A_1126] : memref<3x512x64xf32, #tpu.memory_space<vmem>> -> memref<1x512x64xf32, #tpu.memory_space<vmem>>
    %dma_start3A_1128 = tpu.memref_squeeze %dma_start3A_1127 : memref<1x512x64xf32, #tpu.memory_space<vmem>> -> memref<512x64xf32, #tpu.memory_space<vmem>>
    %dma_start3A_1129 = arith.constant 0 : i32
    %dma_start3A_1130 = tpu.memref_slice %arg9[%mul3A_2, %dma_start3A_1129] : memref<16384x64xf32, #tpu.memory_space<hbm>> -> memref<512x64xf32, #tpu.memory_space<hbm>>
    %dma_start3A_1131 = tpu.memref_slice %arg16[%dma_start3A_1124] : memref<3x!tpu.dma_semaphore, #tpu.memory_space<semaphore_mem>> -> memref<1x!tpu.dma_semaphore, #tpu.memory_space<semaphore_mem>>
    %dma_start3A_1132 = tpu.memref_squeeze %dma_start3A_1131 : memref<1x!tpu.dma_semaphore, #tpu.memory_space<semaphore_mem>> -> memref<!tpu.dma_semaphore, #tpu.memory_space<semaphore_mem>>
    %dma_start3A_1133 = arith.constant 0 : i32
    %dma_start3A_1134 = tpu.memref_slice %arg9[%mul3A_2, %dma_start3A_1133] : memref<16384x64xf32, #tpu.memory_space<hbm>> -> memref<512x64xf32, #tpu.memory_space<hbm>>
    %dma_start3A_1135 = arith.constant 0 : i32
    %dma_start3A_1136 = arith.constant 0 : i32
    %dma_start3A_1137 = tpu.memref_slice %arg13[%dma_start3A_1123, %dma_start3A_1135, %dma_start3A_1136] : memref<3x512x64xf32, #tpu.memory_space<vmem>> -> memref<1x512x64xf32, #tpu.memory_space<vmem>>
    %dma_start3A_1138 = tpu.memref_squeeze %dma_start3A_1137 : memref<1x512x64xf32, #tpu.memory_space<vmem>> -> memref<512x64xf32, #tpu.memory_space<vmem>>
    tpu.enqueue_dma source(%dma_start3A_1138 : memref<512x64xf32, #tpu.memory_space<vmem>>) target(%dma_start3A_1134 : memref<512x64xf32, #tpu.memory_space<hbm>>) target_semaphore(%dma_start3A_1132 : memref<!tpu.dma_semaphore, #tpu.memory_space<semaphore_mem>>)
    %dma_wait3A_1139 = arith.constant 0 : i32
    %dma_wait3A_1140 = arith.constant 0 : i32
    %dma_wait3A_1141 = arith.constant 0 : i32
    %dma_wait3A_1142 = arith.constant 0 : i32
    %dma_wait3A_1143 = tpu.memref_slice %arg13[%dma_wait3A_1139, %dma_wait3A_1141, %dma_wait3A_1142] : memref<3x512x64xf32, #tpu.memory_space<vmem>> -> memref<1x512x64xf32, #tpu.memory_space<vmem>>
    %dma_wait3A_1144 = tpu.memref_squeeze %dma_wait3A_1143 : memref<1x512x64xf32, #tpu.memory_space<vmem>> -> memref<512x64xf32, #tpu.memory_space<vmem>>
    %dma_wait3A_1145 = arith.constant 0 : i32
    %dma_wait3A_1146 = tpu.memref_slice %arg7[%mul3A_2, %dma_wait3A_1145] : memref<16384x64xf32, #tpu.memory_space<hbm>> -> memref<512x64xf32, #tpu.memory_space<hbm>>
    %dma_wait3A_1147 = tpu.memref_slice %arg16[%dma_wait3A_1140] : memref<3x!tpu.dma_semaphore, #tpu.memory_space<semaphore_mem>> -> memref<1x!tpu.dma_semaphore, #tpu.memory_space<semaphore_mem>>
    %dma_wait3A_1148 = tpu.memref_squeeze %dma_wait3A_1147 : memref<1x!tpu.dma_semaphore, #tpu.memory_space<semaphore_mem>> -> memref<!tpu.dma_semaphore, #tpu.memory_space<semaphore_mem>>
    %dma_wait3A_1149 = arith.constant 0 : i32
    %dma_wait3A_1150 = tpu.memref_slice %arg7[%mul3A_2, %dma_wait3A_1149] : memref<16384x64xf32, #tpu.memory_space<hbm>> -> memref<512x64xf32, #tpu.memory_space<hbm>>
    %dma_wait3A_1151 = arith.constant 0 : i32
    %dma_wait3A_1152 = arith.constant 0 : i32
    %dma_wait3A_1153 = tpu.memref_slice %arg13[%dma_wait3A_1139, %dma_wait3A_1151, %dma_wait3A_1152] : memref<3x512x64xf32, #tpu.memory_space<vmem>> -> memref<1x512x64xf32, #tpu.memory_space<vmem>>
    %dma_wait3A_1154 = tpu.memref_squeeze %dma_wait3A_1153 : memref<1x512x64xf32, #tpu.memory_space<vmem>> -> memref<512x64xf32, #tpu.memory_space<vmem>>
    tpu.wait_dma2 semaphore(%dma_wait3A_1148 : memref<!tpu.dma_semaphore, #tpu.memory_space<semaphore_mem>>) src(%dma_wait3A_1154 : memref<512x64xf32, #tpu.memory_space<vmem>>) dst(%dma_wait3A_1150 : memref<512x64xf32, #tpu.memory_space<hbm>>)
    %dma_wait3A_1155 = arith.constant 1 : i32
    %dma_wait3A_1156 = arith.constant 1 : i32
    %dma_wait3A_1157 = arith.constant 0 : i32
    %dma_wait3A_1158 = arith.constant 0 : i32
    %dma_wait3A_1159 = tpu.memref_slice %arg13[%dma_wait3A_1155, %dma_wait3A_1157, %dma_wait3A_1158] : memref<3x512x64xf32, #tpu.memory_space<vmem>> -> memref<1x512x64xf32, #tpu.memory_space<vmem>>
    %dma_wait3A_1160 = tpu.memref_squeeze %dma_wait3A_1159 : memref<1x512x64xf32, #tpu.memory_space<vmem>> -> memref<512x64xf32, #tpu.memory_space<vmem>>
    %dma_wait3A_1161 = arith.constant 0 : i32
    %dma_wait3A_1162 = tpu.memref_slice %arg8[%mul3A_2, %dma_wait3A_1161] : memref<16384x64xf32, #tpu.memory_space<hbm>> -> memref<512x64xf32, #tpu.memory_space<hbm>>
    %dma_wait3A_1163 = tpu.memref_slice %arg16[%dma_wait3A_1156] : memref<3x!tpu.dma_semaphore, #tpu.memory_space<semaphore_mem>> -> memref<1x!tpu.dma_semaphore, #tpu.memory_space<semaphore_mem>>
    %dma_wait3A_1164 = tpu.memref_squeeze %dma_wait3A_1163 : memref<1x!tpu.dma_semaphore, #tpu.memory_space<semaphore_mem>> -> memref<!tpu.dma_semaphore, #tpu.memory_space<semaphore_mem>>
    %dma_wait3A_1165 = arith.constant 0 : i32
    %dma_wait3A_1166 = tpu.memref_slice %arg8[%mul3A_2, %dma_wait3A_1165] : memref<16384x64xf32, #tpu.memory_space<hbm>> -> memref<512x64xf32, #tpu.memory_space<hbm>>
    %dma_wait3A_1167 = arith.constant 0 : i32
    %dma_wait3A_1168 = arith.constant 0 : i32
    %dma_wait3A_1169 = tpu.memref_slice %arg13[%dma_wait3A_1155, %dma_wait3A_1167, %dma_wait3A_1168] : memref<3x512x64xf32, #tpu.memory_space<vmem>> -> memref<1x512x64xf32, #tpu.memory_space<vmem>>
    %dma_wait3A_1170 = tpu.memref_squeeze %dma_wait3A_1169 : memref<1x512x64xf32, #tpu.memory_space<vmem>> -> memref<512x64xf32, #tpu.memory_space<vmem>>
    tpu.wait_dma2 semaphore(%dma_wait3A_1164 : memref<!tpu.dma_semaphore, #tpu.memory_space<semaphore_mem>>) src(%dma_wait3A_1170 : memref<512x64xf32, #tpu.memory_space<vmem>>) dst(%dma_wait3A_1166 : memref<512x64xf32, #tpu.memory_space<hbm>>)
    %dma_wait3A_1171 = arith.constant 2 : i32
    %dma_wait3A_1172 = arith.constant 2 : i32
    %dma_wait3A_1173 = arith.constant 0 : i32
    %dma_wait3A_1174 = arith.constant 0 : i32
    %dma_wait3A_1175 = tpu.memref_slice %arg13[%dma_wait3A_1171, %dma_wait3A_1173, %dma_wait3A_1174] : memref<3x512x64xf32, #tpu.memory_space<vmem>> -> memref<1x512x64xf32, #tpu.memory_space<vmem>>
    %dma_wait3A_1176 = tpu.memref_squeeze %dma_wait3A_1175 : memref<1x512x64xf32, #tpu.memory_space<vmem>> -> memref<512x64xf32, #tpu.memory_space<vmem>>
    %dma_wait3A_1177 = arith.constant 0 : i32
    %dma_wait3A_1178 = tpu.memref_slice %arg9[%mul3A_2, %dma_wait3A_1177] : memref<16384x64xf32, #tpu.memory_space<hbm>> -> memref<512x64xf32, #tpu.memory_space<hbm>>
    %dma_wait3A_1179 = tpu.memref_slice %arg16[%dma_wait3A_1172] : memref<3x!tpu.dma_semaphore, #tpu.memory_space<semaphore_mem>> -> memref<1x!tpu.dma_semaphore, #tpu.memory_space<semaphore_mem>>
    %dma_wait3A_1180 = tpu.memref_squeeze %dma_wait3A_1179 : memref<1x!tpu.dma_semaphore, #tpu.memory_space<semaphore_mem>> -> memref<!tpu.dma_semaphore, #tpu.memory_space<semaphore_mem>>
    %dma_wait3A_1181 = arith.constant 0 : i32
    %dma_wait3A_1182 = tpu.memref_slice %arg9[%mul3A_2, %dma_wait3A_1181] : memref<16384x64xf32, #tpu.memory_space<hbm>> -> memref<512x64xf32, #tpu.memory_space<hbm>>
    %dma_wait3A_1183 = arith.constant 0 : i32
    %dma_wait3A_1184 = arith.constant 0 : i32
    %dma_wait3A_1185 = tpu.memref_slice %arg13[%dma_wait3A_1171, %dma_wait3A_1183, %dma_wait3A_1184] : memref<3x512x64xf32, #tpu.memory_space<vmem>> -> memref<1x512x64xf32, #tpu.memory_space<vmem>>
    %dma_wait3A_1186 = tpu.memref_squeeze %dma_wait3A_1185 : memref<1x512x64xf32, #tpu.memory_space<vmem>> -> memref<512x64xf32, #tpu.memory_space<vmem>>
    tpu.wait_dma2 semaphore(%dma_wait3A_1180 : memref<!tpu.dma_semaphore, #tpu.memory_space<semaphore_mem>>) src(%dma_wait3A_1186 : memref<512x64xf32, #tpu.memory_space<vmem>>) dst(%dma_wait3A_1182 : memref<512x64xf32, #tpu.memory_space<hbm>>)
    return
  }
}

</mosaic_0001>

<sc_bundles>
// kernel: kernel.4.cloned.1.call-start
scs
__scs_entry_jumppad:
0x0: {  	(pc) =	sbr.rel $0x88, $3  }
0x1: {  	(tag) =	ssettag $0x0;
	lr =	simm.s32 $0x1  }
0x2: {  	[smem:$0x3F9A] =	sst lr;
	_ =	strace $0xD0000000  }
0x3: {  	_ = 	snop  }
0x4: {  	_ = 	snop  }
0x5: {  	_ = 	snop  }
0x6: {  	_ = 	snop  }
0x7: {  	_ = 	snop  }
__scs_overlays_trampoline_lowered:
0x8: {  	[smem:$0x3FA9] =	sst s0  }
0x9: {  	[smem:$0x3FAA] =	sst s1  }
0xa: {  	[smem:$0x3FAB] =	sst s2  }
0xb: {  	[smem:$0x3FAC] =	sst s3  }
0xc: {  	[smem:$0x3FAD] =	sst s4  }
0xd: {  	[smem:$0x3FAE] =	sst s5  }
0xe: {  	[smem:$0x3FAF] =	sst s6  }
0xf: {  	[smem:$0x3FB0] =	sst s7  }
0x10: {  	[smem:$0x3FB1] =	sst s8  }
0x11: {  	[smem:$0x3FB2] =	sst s9;
	s0 =	simm.s32 @!p0 $0x0  }
0x12: {  	s1 =	sld [smem:$0x3F98];
	s0 =	simm.s32 @p0 $0x1  }
0x13: {  	[smem:$0x3FB3] =	sst s0;
	s0 =	simm.s32 @!p1 $0x0  }
0x14: {  	s2 =	sld [smem:$0x3F97];
	s0 =	simm.s32 @p1 $0x1  }
0x15: {  	[smem:$0x3FB4] =	sst s0;
	s0 =	simm.s32 @!p2 $0x0  }
0x16: {  	s3 =	sld [smem:$0x3FDB];
	s0 =	simm.s32 @p2 $0x1  }
0x17: {  	s4 =	simm.s32 $0x1BF5;
	[smem:$0x3FB6] =	sst s0  }
0x18: {  	s0 =	sld [smem:$0x3F99];
	_ =	swait.ge [sflag:s4], $0x0  }
0x19: {  	s7 =	sld [smem:$0x3F9A]  }
0x1a: {  	s8 =	sadd.s32 $0xFFFFE003, lr  }
0x1b: {  	s9 =	sadd.s32 $0xFFFFFEF7, lr;
	s5 =	simm.s32 $0xFFFFFFFF;
	p2 =	slt.u32 s8, $0xFFFFF086  }
0x1c: {  	p1 =	slt.u32 s9, $0xF7A;
	s5 =	simm.s32 @!p2 $0x0  }
0x1d: {  	s5 =	simm.s32 @p1 $0x1;
	p0 =	seq.s32 s7, s2  }
0x1e: {  	s7 =	smul.u32 @!p0 $0xF7A, s2;
	p2 =	seq.s32 @!p0 s5, $0x0  }
0x1f: {  	s9 =	smul.u32 $0xF7A, s1;
	s8 =	simm.s32 @!p0 $0x1BF5;
	p2 =	por !p2, p0  }
0x20: {  	[sflag:s8] =	ssyncset.s32 @!p0 $0xFFFFF086;
	s6 =	sadd.s32 @!p0 s3, s7;
	s7 =	simm.s32 @!p0 $0x108  }
0x21: {  	s3 =	sadd.s32 s3, s9;
	s6 =	sadd.s32 @!p0 $0x88, s6;
	s7 =	simm.s32 @p2 $0x1082  }
0x22: {  	[simem:s7], [sflag:s8] =	dma.local @!p0 [hbm:s6], $0xF7A  }
0x23: {  	s9 =	sor.u32 $0xD0000000, s2;
	s6 =	simm.s32 $0x108;
	_ =	swait.ge @!p0 [sflag:s8], $0x0  }
0x24: {  	s3 =	sadd.s32 $0x88, s3;
	s6 =	simm.s32 @!p1 $0x1082;
	[sflag:s4] =	ssyncset.s32 $0xFFFFF086  }
0x25: {  	[simem:s6], [sflag:s4] =	dma.local [hbm:s3], $0xF7A  }
0x26: {  	[smem:$0x3F9A] =	sst s1;
	(tag) =	ssettag s2;
	_ =	strace s9  }
0x27: {  	s1 =	sld [smem:$0x3FAA]  }
0x28: {  	s2 =	sld [smem:$0x3FAB]  }
0x29: {  	s4 =	sld [smem:$0x3FAD]  }
0x2a: {  	p0 =	seq.s32 s5, $0x0;
	s5 =	sld [smem:$0x3FAE]  }
0x2b: {  	s6 =	sld [smem:$0x3FAF]  }
0x2c: {  	s7 =	sld [smem:$0x3FB0]  }
0x2d: {  	s3 =	simm.s32 $0x108;
	s8 =	sld [smem:$0x3FB1]  }
0x2e: {  	s3 =	simm.s32 @!p0 $0x1082;
	s9 =	sld [smem:$0x3FB2]  }
0x2f: {  	lr =	sadd.s32 s0, s3;
	s0 =	sld [smem:$0x3FA9]  }
0x30: {  	s3 =	sld [smem:$0x3FAC]  }
0x31: {  	[smem:$0x3FB5] =	sst s10  }
0x32: {  	s10 =	sld [smem:$0x3FB3];
	_ =	sdelay $0x3  }
0x33: {  	p0 =	seq.s32 s10, $0x1;
	s10 =	sld [smem:$0x3FB5];
	_ =	sdelay $0x3  }
0x34: {  	[smem:$0x3FB5] =	sst s10  }
0x35: {  	s10 =	sld [smem:$0x3FB4];
	_ =	sdelay $0x3  }
0x36: {  	p1 =	seq.s32 s10, $0x1;
	s10 =	sld [smem:$0x3FB5];
	_ =	sdelay $0x3  }
0x37: {  	[smem:$0x3FB5] =	sst s10  }
0x38: {  	s10 =	sld [smem:$0x3FB6]  }
0x39: {  	_ = 	snop;
	(pc) =	sbr.ind lr, $3  }
0x3a: {  	_ = 	snop  }
0x3b: {  	_ = 	snop  }
0x3c: {  	p2 =	seq.s32 s10, $0x1;
	s10 =	sld [smem:$0x3FB5]  }
0x3d: {  	_ =	shalt  }
0x3e: {  	_ =	shalt  }
0x3f: {  	_ =	shalt  }
0x40: {  	_ =	shalt  }
0x41: {  	_ =	shalt  }
0x42: {  	_ =	shalt  }
0x43: {  	_ =	shalt  }
0x44: {  	_ =	shalt  }
0x45: {  	_ =	shalt  }
0x46: {  	_ =	shalt  }
0x47: {  	_ =	shalt  }
0x48: {  	_ =	shalt  }
0x49: {  	_ =	shalt  }
0x4a: {  	_ =	shalt  }
0x4b: {  	_ =	shalt  }
0x4c: {  	_ =	shalt  }
0x4d: {  	_ =	shalt  }
0x4e: {  	_ =	shalt  }
0x4f: {  	_ =	shalt  }
0x50: {  	_ =	shalt  }
0x51: {  	_ =	shalt  }
0x52: {  	_ =	shalt  }
0x53: {  	_ =	shalt  }
0x54: {  	_ =	shalt  }
0x55: {  	_ =	shalt  }
0x56: {  	_ =	shalt  }
0x57: {  	_ =	shalt  }
0x58: {  	_ =	shalt  }
0x59: {  	_ =	shalt  }
0x5a: {  	_ =	shalt  }
0x5b: {  	_ =	shalt  }
0x5c: {  	_ =	shalt  }
0x5d: {  	_ =	shalt  }
0x5e: {  	_ =	shalt  }
0x5f: {  	_ =	shalt  }
0x60: {  	_ =	shalt  }
0x61: {  	_ =	shalt  }
0x62: {  	_ =	shalt  }
0x63: {  	_ =	shalt  }
0x64: {  	_ =	shalt  }
0x65: {  	_ =	shalt  }
0x66: {  	_ =	shalt  }
0x67: {  	_ =	shalt  }
0x68: {  	_ =	shalt  }
0x69: {  	_ =	shalt  }
0x6a: {  	_ =	shalt  }
0x6b: {  	_ =	shalt  }
0x6c: {  	_ =	shalt  }
0x6d: {  	_ =	shalt  }
0x6e: {  	_ =	shalt  }
0x6f: {  	_ =	shalt  }
0x70: {  	_ =	shalt  }
0x71: {  	_ =	shalt  }
0x72: {  	_ =	shalt  }
0x73: {  	_ =	shalt  }
0x74: {  	_ =	shalt  }
0x75: {  	_ =	shalt  }
0x76: {  	_ =	shalt  }
0x77: {  	_ =	shalt  }
0x78: {  	_ =	shalt  }
0x79: {  	_ =	shalt  }
0x7a: {  	_ =	shalt  }
0x7b: {  	_ =	shalt  }
0x7c: {  	_ =	shalt  }
0x7d: {  	_ =	shalt  }
0x7e: {  	_ =	shalt  }
0x7f: {  	_ =	shalt  }
0x80: {  	_ =	shalt  }
0x81: {  	_ =	shalt  }
0x82: {  	_ =	shalt  }
0x83: {  	_ =	shalt  }
0x84: {  	_ =	shalt  }
0x85: {  	_ =	shalt  }
0x86: {  	_ =	shalt  }
0x87: {  	_ =	shalt  }
.Lfunc_end0:
.L_simem_size_0:
called_computation_lowered:
.L_overlay_start_0:
0x88: {  	s2 =	sld [smem:$0x3FD9]  }
0x89: {  	s3 =	sld [smem:$0x3FFE];
	_ =	sdelay $0x1  }
0x8a: {  	s1 =	srdreg.scid  }
0x8b: {  	s0 =	sand.u32 $0x1, s1  }
0x8c: {  	s15 =	sshll.u32 s0, $0xA;
	s2 =	sadd.s32 s3, s2  }
0x8d: {  	s2 =	sadd.s32 s2, s15  }
0x8e: {  	[smem:$0x3FC1] =	sst s2  }
0x8f: {  	_ = 	snop  }
0x90: {  	s16 =	sld [smem:$0x3FD0];
	_ =	sdelay $0x2  }
0x91: {  	s6 =	simm.s32 $0xB;
	s4 =	simm.s32 $0x10;
	s2 =	sld [smem:$0x3FC9]  }
0x92: {  	[smem:s4], [sflag:s6] =	dma.local [hbm:s16], $0x1  }
0x93: {  	_ =	swait.eq [sflag:s6], $0x1  }
0x94: {  	s17 =	sld [smem:$0x10];
	[sflag:s6] =	ssyncset.done $0x0  }
0x95: {  	s5 =	sld [smem:$0x11];
	[sflag:s6] =	ssyncadd.s32 $0xFFFFFFFF  }
0x96: {  	s18 =	sld [smem:$0x12];
	(tm) =	ssettm $0x1  }
0x97: {  	s19 =	sld [smem:$0x3FFB];
	_ =	sdelay $0x3  }
0x98: {  	_ =	strace s19  }
0x99: {  	s3 =	sld [smem:$0x3FFC];
	_ =	sdelay $0x3  }
0x9a: {  	_ =	strace s3  }
0x9b: {  	s3 =	sld [smem:$0x3FFD];
	_ =	sdelay $0x3  }
0x9c: {  	_ =	strace s3  }
0x9d: {  	_ =	strace $0x8FFFFFFF  }
0x9e: {  	s20 =	sld [smem:$0x3FDB];
	_ =	sdelay $0x1  }
0x9f: {  	s7 =	simm.s32 $_scs_section_size  }
0xa0: {  	s8 =	simm.s32 $_size__tile_overlayer_lowered;
	s9 =	simm.s32 $_tile_overlayer_lowered  }
0xa1: {  	s10 =	simm.s32 $0x1BFF;
	s21 =	sshll.u32 s9, $0x1;
	s7 =	sadd.s32 s7, s20  }
0xa2: {  	s22 =	simm.s32 $0x0;
	s8 =	sshll.u32 s8, $0x1;
	s9 =	sadd.s32 s21, s7  }
0xa3: {  	[timem:s22], [sflag:s10] =	dma.local [hbm:s9], s8  }
0xa4: {  	_ =	swait.ge [sflag:s10], s8  }
0xa5: {  	s8 =	ssub.s32 $0x0, s8;
	[sflag:s10] =	ssyncset.done $0x0  }
0xa6: {  	[sflag:s10] =	ssyncadd.s32 s8;
	_ =	sdelay $0x1  }
0xa7: {  	s23 =	simm.s32 $0x1B8B  }
0xa8: {  	_ =	swait.ge [sflag:s23], $0x1  }
0xa9: {  	[sflag:s23] =	ssyncset.done $0x0  }
0xaa: {  	[sflag:s23] =	ssyncadd.s32 $0xFFFFFFFF  }
0xab: {  	s8 =	sld [smem:$0x0]  }
0xac: {  	s9 =	sand.u32 $0xFFFFFFFE, s1  }
0xad: {  	p0 =	sne.s32 s1, s9  }
0xae: {  	s9 =	sshll.u32 @p0 s9, $0xE  }
0xaf: {  	s9 =	sadd.s32 @p0 $0x11B8D, s9;
	s10 =	sshll.u32 @p0 s8, $0x11  }
0xb0: {  	s9 =	sor.u32 @p0 s10, s9  }
0xb1: {  	[sflag:s9] =	ssyncadd.remote.s32 @p0 $0x1;
	_ =	sdelay $0x1  }
0xb2: {  	s9 =	simm.s32 @p0 $0x1B8D  }
0xb3: {  	_ =	swait.eq @p0 [sflag:s9], $0x1  }
0xb4: {  	[sflag:s9] =	ssyncadd.s32 @p0 $0xFFFFFFFF  }
0xb5: {  	s10 =	sshll.u32 @!p0 s1, $0xE  }
0xb6: {  	s10 =	sor.u32 @!p0 $0x4000, s10;
	s9 =	simm.s32 @!p0 $0x1B8D  }
0xb7: {  	s8 =	sshll.u32 @!p0 s8, $0x11;
	s10 =	sadd.s32 @!p0 $0x11B8D, s10;
	_ =	swait.eq @!p0 [sflag:s9], $0x1  }
0xb8: {  	s8 =	sor.u32 @!p0 s8, s10;
	[sflag:s9] =	ssyncadd.s32 @!p0 $0xFFFFFFFF  }
0xb9: {  	s25 =	simm.s32 $0x1B8E;
	s24 =	sld [smem:$0x3FFE];
	[sflag:s8] =	ssyncadd.remote.s32 @!p0 $0x1  }
0xba: {  	s26 =	simm.s32 $execute0_lowered;
	[smem:$0x3FD2] =	sst s25  }
0xbb: {  	s9 =	sshll.u32 s26, $0x1;
	_ =	strace $0x80000049;
	[dreg:$0x1] =	wrdreg $0xFFFFFFFF  }
0xbc: {  	s28 =	simm.s32 $_size_execute0_lowered;
	s7 =	sadd.s32 s7, s9;
	[dreg:$0x0] =	wrdreg $0x0  }
0xbd: {  	s9 =	sshll.u32 s28, $0x1;
	[dreg:$0x2] =	wrdreg s7  }
0xbe: {  	[dreg:$0x3] =	wrdreg s9  }
0xbf: {  	[dreg:$0x4] =	wrdreg $0xC0  }
0xc0: {  	_ =	task [dreg:s22], $0x5FFFF  }
0xc1: {  	[dreg:$0x1] =	wrdreg $0xFFFFFFFF  }
0xc2: {  	[dreg:$0x0] =	wrdreg $0x60  }
0xc3: {  	[dreg:$0x2] =	wrdreg s2  }
0xc4: {  	[dreg:$0x3] =	wrdreg s24  }
0xc5: {  	[dreg:$0x4] =	wrdreg s17  }
0xc6: {  	[dreg:$0x5] =	wrdreg s18  }
0xc7: {  	[dreg:$0x6] =	wrdreg s5  }
0xc8: {  	[dreg:$0x7] =	wrdreg $0x9  }
0xc9: {  	_ =	task.clear_ibuf [dreg:s22], $0x8FFFF;
	_ =	strace $0x90000049  }
0xca: {  	s29 =	simm.s32 $0x9;
	_ =	strace $0x8000004B  }
0xcb: {  	_ =	swait.ge [sflag:s29], $0x1  }
0xcc: {  	[sflag:s29] =	ssyncadd.s32 $0xFFFFFFFF  }
0xcd: {  	_ =	strace $0x9000004B  }
0xce: {  	_ =	sfence  }
0xcf: {  	s30 =	sld [smem:$0x0];
	_ =	sdelay $0x2  }
0xd0: {  	s31 =	sshll.u32 s1, $0xD;
	s1 =	sshrl.u32 s1, $0x2  }
0xd1: {  	s4 =	sand.u32 $0x4000, s31;
	s1 =	sadd.s32 s1, s30  }
0xd2: {  	s0 =	sor.u32 s4, s0;
	s1 =	sshll.u32 s1, $0x11  }
0xd3: {  	s0 =	sor.u32 s1, s0  }
0xd4: {  	s0 =	sadd.s32 $0x8F2B, s0  }
0xd5: {  	[sflag:s0] =	ssyncadd.remote.s32 $0x1  }
0xd6: {  	_ =	sfence.sel $0xFFFF  }
0xd7: {  	[dreg:$0x0] =	wrdreg $0xFFFFFFFF;
	(pc) =	sbr.abs _section_cstart, $3  }
0xd8: {  	[dreg:$0x1] =	wrdreg $0xFFFFFFFF  }
0xd9: {  	_ =	task.clear_ibuf [dreg:s22], $0x2FFFF;
	_ =	strace $0x9FFFFFFF  }
0xda: {  	(tm) =	ssettm $0x7FFFFFFF  }
0xdb: {  	_ =	shalt  }
tec
execute0_lowered:
.L_overlay_start_1:
0x0: {  	(tag) =	ssettag $0x1  }
0x1: {  	s7 =	rddreg [dreg:$0x0]  }
0x2: {  	s8 =	rddreg [dreg:$0x1]  }
0x3: {  	s1 =	rddreg [dreg:$0x2]  }
0x4: {  	s9 =	rddreg [dreg:$0x3]  }
0x5: {  	s10 =	rddreg [dreg:$0x4]  }
0x6: {  	s0 =	rddreg [dreg:$0x5]  }
0x7: {  	s3 =	simm.s32 $0x0;
	s4 =	srdreg.scid;
	s2 =	stileid.u32  }
0x8: {  	s16 =	simm.s32 $0xA00;
	s17 =	simm.s32 $0x600;
	s18 =	simm.s32 $0xC00  }
0x9: {  	s19 =	simm.s32 $0x1;
	s20 =	simm.s32 $0xE00;
	s21 =	simm.s32 $0x2  }
0xa: {  	s22 =	simm.s32 $0x8E00;
	s23 =	simm.s32 $0x4;
	s24 =	simm.s32 $0x3  }
0xb: {  	s28 =	simm.s32 $0x6;
	s29 =	simm.s32 $0x7;
	s30 =	simm.s32 $0x8  }
0xc: {  	s31 =	simm.s32 $0x9;
	[smem:$0x7FF] =	sst s3;
	s6 =	sand.u32 $0x1, s4  }
0xd: {  	s4 =	sadd.s32 $0x1EE00, s8;
	s11 =	sshll.u32 s2, $0xA;
	s5 =	sadd.s32 $0x11000, s8  }
0xe: {  	_ =	strace $0x8000004A;
	s12 =	sshll.u32 s6, $0x9;
	s25 =	ssub.s32 $0x2, s6  }
0xf: {  	s6 =	sadd.s32 $0x16E00, s8;
	s11 =	sor.u32 s12, s11;
	s14 =	sshrl.u32 s25, $0x1  }
0x10: {  	s13 =	sshll.u32 s11, $0x3;
	s12 =	ssub.s32 s25, s14;
	s26 =	sshrl.u32 s11, $0x3  }
0x11: {  	s14 =	simm.s32 $0x800;
	s25 =	simm.s32 $0x10E00;
	s15 =	sadd.s32 s13, s8  }
0x12: {  	s7 =	sadd.s32 s7, s26;
	s8 =	sadd.s32 s9, s13;
	s9 =	sadd.s32 s10, s13  }
0x13: {  	s11 =	smax.u32 s12, $0x1;
	s12 =	simm.s32 $0xA;
	s13 =	simm.s32 $0x200  }
0x14: {  	s26 =	simm.s32 $0x5;
	s10 =	sadd.s32 $0x1FE00, s15;
	s15 =	simm.s32 $0x400  }
.LBB2_1:
0x15: {  	[tilespmem:s3], [sflag:$0xA] =	stream.linear.gather [hbm4b:s7+s3], $0x200, $0x38;
	[tilespmem:$0x18E00] =	vst v63  }
0x16: {  	_ =	swait.ge [sflag:s12], $0x200  }
0x17: {  	[sflag:s12] =	ssyncset.done $0x0  }
0x18: {  	[sflag:s12] =	ssyncadd.s32 $0xFFFFFE00  }
0x19: {  	v0 =	vld [tilespmem:$0x0]  }
0x1a: {  	v1 =	vld [tilespmem:$0x10]  }
0x1b: {  	v2 =	vld [tilespmem:$0x20]  }
0x1c: {  	v3 =	vld [tilespmem:$0x30]  }
0x1d: {  	v4 =	vld [tilespmem:$0x40]  }
0x1e: {  	v5 =	vld [tilespmem:$0x50]  }
0x1f: {  	v24 =	vld [tilespmem:$0x60];
	[tilespmem:$0x200] =	vst v0  }
0x20: {  	v25 =	vld [tilespmem:$0x70];
	[tilespmem:$0x210] =	vst v1  }
0x21: {  	v26 =	vld [tilespmem:$0x80];
	[tilespmem:$0x220] =	vst v2  }
0x22: {  	v27 =	vld [tilespmem:$0x90];
	[tilespmem:$0x230] =	vst v3  }
0x23: {  	v28 =	vld [tilespmem:$0xA0];
	[tilespmem:$0x240] =	vst v4  }
0x24: {  	v29 =	vld [tilespmem:$0xB0];
	[tilespmem:$0x250] =	vst v5  }
0x25: {  	v30 =	vld [tilespmem:$0xC0];
	[tilespmem:$0x260] =	vst v24  }
0x26: {  	v31 =	vld [tilespmem:$0xD0];
	[tilespmem:$0x270] =	vst v25  }
0x27: {  	v32 =	vld [tilespmem:$0xE0];
	[tilespmem:$0x280] =	vst v26  }
0x28: {  	v33 =	vld [tilespmem:$0xF0];
	[tilespmem:$0x290] =	vst v27  }
0x29: {  	v34 =	vld [tilespmem:$0x100];
	[tilespmem:$0x2A0] =	vst v28  }
0x2a: {  	v35 =	vld [tilespmem:$0x110];
	[tilespmem:$0x2B0] =	vst v29  }
0x2b: {  	v36 =	vld [tilespmem:$0x120];
	[tilespmem:$0x2C0] =	vst v30  }
0x2c: {  	v37 =	vld [tilespmem:$0x130];
	[tilespmem:$0x2D0] =	vst v31  }
0x2d: {  	v38 =	vld [tilespmem:$0x140];
	[tilespmem:$0x2E0] =	vst v32  }
0x2e: {  	v39 =	vld [tilespmem:$0x150];
	[tilespmem:$0x2F0] =	vst v33  }
0x2f: {  	v40 =	vld [tilespmem:$0x160];
	[tilespmem:$0x300] =	vst v34  }
0x30: {  	v41 =	vld [tilespmem:$0x170];
	[tilespmem:$0x310] =	vst v35  }
0x31: {  	v42 =	vld [tilespmem:$0x180];
	[tilespmem:$0x320] =	vst v36  }
0x32: {  	v43 =	vld [tilespmem:$0x190];
	[tilespmem:$0x330] =	vst v37  }
0x33: {  	v44 =	vld [tilespmem:$0x1A0];
	[tilespmem:$0x340] =	vst v38  }
0x34: {  	v45 =	vld [tilespmem:$0x1B0];
	[tilespmem:$0x350] =	vst v39  }
0x35: {  	v46 =	vld [tilespmem:$0x1C0];
	[tilespmem:$0x360] =	vst v40  }
0x36: {  	v47 =	vld [tilespmem:$0x1D0];
	[tilespmem:$0x370] =	vst v41  }
0x37: {  	v48 =	vld [tilespmem:$0x1E0];
	[tilespmem:$0x380] =	vst v42  }
0x38: {  	v49 =	vld [tilespmem:$0x1F0];
	[tilespmem:$0x390] =	vst v43  }
0x39: {  	v50 =	vld [tilespmem:$0x0];
	[tilespmem:$0x3A0] =	vst v44  }
0x3a: {  	v51 =	vld [tilespmem:$0x10];
	[tilespmem:$0x3B0] =	vst v45  }
0x3b: {  	v52 =	vld [tilespmem:$0x20];
	[tilespmem:$0x3C0] =	vst v46  }
0x3c: {  	v53 =	vld [tilespmem:$0x30];
	[tilespmem:$0x3D0] =	vst v47  }
0x3d: {  	v54 =	vld [tilespmem:$0x40];
	[tilespmem:$0x3E0] =	vst v48  }
0x3e: {  	v56 =	vld [tilespmem:$0x50];
	[tilespmem:$0x3F0] =	vst v49;
	v55 =	vadd.s32 $0x2710, v50  }
0x3f: {  	v58 =	vld [tilespmem:$0x60];
	v57 =	vadd.s32 $0x2710, v51;
	[tilespmem:$0x400] =	vst v55  }
0x40: {  	v60 =	vld [tilespmem:$0x70];
	v59 =	vadd.s32 $0x2710, v52;
	[tilespmem:$0x410] =	vst v57  }
0x41: {  	v62 =	vld [tilespmem:$0x80];
	v61 =	vadd.s32 $0x2710, v53;
	[tilespmem:$0x420] =	vst v59  }
0x42: {  	v63 =	vld [tilespmem:$0x90];
	v0 =	vadd.s32 $0x2710, v54;
	[tilespmem:$0x430] =	vst v61  }
0x43: {  	v8 =	vld [tilespmem:$0xA0];
	v7 =	vadd.s32 $0x2710, v56;
	[tilespmem:$0x440] =	vst v0  }
0x44: {  	v10 =	vld [tilespmem:$0xB0];
	v9 =	vadd.s32 $0x2710, v58;
	[tilespmem:$0x450] =	vst v7  }
0x45: {  	v12 =	vld [tilespmem:$0xC0];
	v11 =	vadd.s32 $0x2710, v60;
	[tilespmem:$0x460] =	vst v9  }
0x46: {  	v14 =	vld [tilespmem:$0xD0];
	v13 =	vadd.s32 $0x2710, v62;
	[tilespmem:$0x470] =	vst v11  }
0x47: {  	v16 =	vld [tilespmem:$0xE0];
	v15 =	vadd.s32 $0x2710, v63;
	[tilespmem:$0x480] =	vst v13  }
0x48: {  	v18 =	vld [tilespmem:$0xF0];
	v17 =	vadd.s32 $0x2710, v8;
	[tilespmem:$0x490] =	vst v15  }
0x49: {  	v20 =	vld [tilespmem:$0x100];
	v19 =	vadd.s32 $0x2710, v10;
	[tilespmem:$0x4A0] =	vst v17  }
0x4a: {  	v22 =	vld [tilespmem:$0x110];
	v21 =	vadd.s32 $0x2710, v12;
	[tilespmem:$0x4B0] =	vst v19  }
0x4b: {  	v23 =	vadd.s32 $0x2710, v14;
	v24 =	vld [tilespmem:$0x120];
	[tilespmem:$0x4C0] =	vst v21  }
0x4c: {  	v25 =	vadd.s32 $0x2710, v16;
	v26 =	vld [tilespmem:$0x130];
	[tilespmem:$0x4D0] =	vst v23  }
0x4d: {  	v27 =	vadd.s32 $0x2710, v18;
	v28 =	vld [tilespmem:$0x140];
	[tilespmem:$0x4E0] =	vst v25  }
0x4e: {  	v29 =	vadd.s32 $0x2710, v20;
	v30 =	vld [tilespmem:$0x150];
	[tilespmem:$0x4F0] =	vst v27  }
0x4f: {  	v31 =	vadd.s32 $0x2710, v22;
	v32 =	vld [tilespmem:$0x160];
	[tilespmem:$0x500] =	vst v29  }
0x50: {  	v34 =	vld [tilespmem:$0x170];
	[tilespmem:$0x510] =	vst v31;
	v33 =	vadd.s32 $0x2710, v24  }
0x51: {  	v36 =	vld [tilespmem:$0x180];
	v35 =	vadd.s32 $0x2710, v26;
	[tilespmem:$0x520] =	vst v33  }
0x52: {  	v38 =	vld [tilespmem:$0x190];
	v37 =	vadd.s32 $0x2710, v28;
	[tilespmem:$0x530] =	vst v35  }
0x53: {  	v40 =	vld [tilespmem:$0x1A0];
	v39 =	vadd.s32 $0x2710, v30;
	[tilespmem:$0x540] =	vst v37  }
0x54: {  	v42 =	vld [tilespmem:$0x1B0];
	v41 =	vadd.s32 $0x2710, v32;
	[tilespmem:$0x550] =	vst v39  }
0x55: {  	v44 =	vld [tilespmem:$0x1C0];
	v43 =	vadd.s32 $0x2710, v34;
	[tilespmem:$0x560] =	vst v41  }
0x56: {  	v46 =	vld [tilespmem:$0x1D0];
	v45 =	vadd.s32 $0x2710, v36;
	[tilespmem:$0x570] =	vst v43  }
0x57: {  	v48 =	vld [tilespmem:$0x1E0];
	v47 =	vadd.s32 $0x2710, v38;
	[tilespmem:$0x580] =	vst v45  }
0x58: {  	v50 =	vld [tilespmem:$0x1F0];
	v49 =	vadd.s32 $0x2710, v40;
	[tilespmem:$0x590] =	vst v47  }
0x59: {  	v52 =	vld [tilespmem:$0x0];
	v51 =	vadd.s32 $0x2710, v42;
	[tilespmem:$0x5A0] =	vst v49  }
0x5a: {  	v54 =	vld [tilespmem:$0x10];
	v53 =	vadd.s32 $0x2710, v44;
	[tilespmem:$0x5B0] =	vst v51  }
0x5b: {  	v56 =	vld [tilespmem:$0x20];
	v55 =	vadd.s32 $0x2710, v46;
	[tilespmem:$0x5C0] =	vst v53  }
0x5c: {  	v58 =	vld [tilespmem:$0x30];
	v57 =	vadd.s32 $0x2710, v48;
	[tilespmem:$0x5D0] =	vst v55  }
0x5d: {  	v60 =	vld [tilespmem:$0x40];
	v59 =	vadd.s32 $0x2710, v50;
	[tilespmem:$0x5E0] =	vst v57  }
0x5e: {  	v62 =	vld [tilespmem:$0x50];
	v61 =	vadd.s32 $0x4E20, v52;
	[tilespmem:$0x5F0] =	vst v59  }
0x5f: {  	v8 =	vld [tilespmem:$0x60];
	v63 =	vadd.s32 $0x4E20, v54;
	[tilespmem:$0x600] =	vst v61  }
0x60: {  	v10 =	vld [tilespmem:$0x70];
	v9 =	vadd.s32 $0x4E20, v56;
	[tilespmem:$0x610] =	vst v63  }
0x61: {  	v12 =	vld [tilespmem:$0x80];
	v11 =	vadd.s32 $0x4E20, v58;
	[tilespmem:$0x620] =	vst v9  }
0x62: {  	v14 =	vld [tilespmem:$0x90];
	v13 =	vadd.s32 $0x4E20, v60;
	[tilespmem:$0x630] =	vst v11  }
0x63: {  	v16 =	vld [tilespmem:$0xA0];
	v15 =	vadd.s32 $0x4E20, v62;
	[tilespmem:$0x640] =	vst v13  }
0x64: {  	v18 =	vld [tilespmem:$0xB0];
	v17 =	vadd.s32 $0x4E20, v8;
	[tilespmem:$0x650] =	vst v15  }
0x65: {  	v20 =	vld [tilespmem:$0xC0];
	v19 =	vadd.s32 $0x4E20, v10;
	[tilespmem:$0x660] =	vst v17  }
0x66: {  	v22 =	vld [tilespmem:$0xD0];
	v21 =	vadd.s32 $0x4E20, v12;
	[tilespmem:$0x670] =	vst v19  }
0x67: {  	v23 =	vadd.s32 $0x4E20, v14;
	v24 =	vld [tilespmem:$0xE0];
	[tilespmem:$0x680] =	vst v21  }
0x68: {  	v25 =	vadd.s32 $0x4E20, v16;
	v26 =	vld [tilespmem:$0xF0];
	[tilespmem:$0x690] =	vst v23  }
0x69: {  	v27 =	vadd.s32 $0x4E20, v18;
	v28 =	vld [tilespmem:$0x100];
	[tilespmem:$0x6A0] =	vst v25  }
0x6a: {  	v29 =	vadd.s32 $0x4E20, v20;
	v30 =	vld [tilespmem:$0x110];
	[tilespmem:$0x6B0] =	vst v27  }
0x6b: {  	v31 =	vadd.s32 $0x4E20, v22;
	v32 =	vld [tilespmem:$0x120];
	[tilespmem:$0x6C0] =	vst v29  }
0x6c: {  	v34 =	vld [tilespmem:$0x130];
	[tilespmem:$0x6D0] =	vst v31;
	v33 =	vadd.s32 $0x4E20, v24  }
0x6d: {  	v36 =	vld [tilespmem:$0x140];
	v35 =	vadd.s32 $0x4E20, v26;
	[tilespmem:$0x6E0] =	vst v33  }
0x6e: {  	v38 =	vld [tilespmem:$0x150];
	v37 =	vadd.s32 $0x4E20, v28;
	[tilespmem:$0x6F0] =	vst v35  }
0x6f: {  	v40 =	vld [tilespmem:$0x160];
	v39 =	vadd.s32 $0x4E20, v30;
	[tilespmem:$0x700] =	vst v37  }
0x70: {  	v42 =	vld [tilespmem:$0x170];
	v41 =	vadd.s32 $0x4E20, v32;
	[tilespmem:$0x710] =	vst v39  }
0x71: {  	v44 =	vld [tilespmem:$0x180];
	v43 =	vadd.s32 $0x4E20, v34;
	[tilespmem:$0x720] =	vst v41  }
0x72: {  	v46 =	vld [tilespmem:$0x190];
	v45 =	vadd.s32 $0x4E20, v36;
	[tilespmem:$0x730] =	vst v43  }
0x73: {  	v48 =	vld [tilespmem:$0x1A0];
	v47 =	vadd.s32 $0x4E20, v38;
	[tilespmem:$0x740] =	vst v45  }
0x74: {  	v50 =	vld [tilespmem:$0x1B0];
	v49 =	vadd.s32 $0x4E20, v40;
	[tilespmem:$0x750] =	vst v47  }
0x75: {  	v52 =	vld [tilespmem:$0x1C0];
	v51 =	vadd.s32 $0x4E20, v42;
	[tilespmem:$0x760] =	vst v49  }
0x76: {  	v54 =	vld [tilespmem:$0x1D0];
	v53 =	vadd.s32 $0x4E20, v44;
	[tilespmem:$0x770] =	vst v51  }
0x77: {  	v56 =	vld [tilespmem:$0x1E0];
	v55 =	vadd.s32 $0x4E20, v46;
	[tilespmem:$0x780] =	vst v53  }
0x78: {  	v58 =	vld [tilespmem:$0x1F0];
	v57 =	vadd.s32 $0x4E20, v48;
	[tilespmem:$0x790] =	vst v55  }
0x79: {  	v59 =	vadd.s32 $0x4E20, v50;
	[tilespmem:$0x7A0] =	vst v57  }
0x7a: {  	v60 =	vadd.s32 $0x4E20, v52;
	[tilespmem:$0x7B0] =	vst v59  }
0x7b: {  	v61 =	vadd.s32 $0x4E20, v54;
	[tilespmem:$0x7C0] =	vst v60  }
0x7c: {  	v62 =	vadd.s32 $0x4E20, v56;
	[tilespmem:$0x7D0] =	vst v61  }
0x7d: {  	v63 =	vadd.s32 $0x4E20, v58;
	[tilespmem:$0x7E0] =	vst v62  }
0x7e: {  	[tilespmem:$0x7F0] =	vst v63  }
0x7f: {  	[tilespmem:s14], [sflag:$0x1] =	stream.indirect.gather [hbm4b:s4+s13], $0x1, s13, s13, $0xb8;
	[tilespmem:$0x18E00] =	vst v63  }
0x80: {  	_ = 	snop  }
0x81: {  	[tilespmem:s16], [sflag:$0x2] =	stream.indirect.gather [hbm4b:s4+s13], $0x1, s15, s13, $0xb8;
	[tilespmem:$0x18E00] =	vst v63  }
0x82: {  	_ = 	snop  }
0x83: {  	[tilespmem:s18], [sflag:$0x3] =	stream.indirect.gather [hbm4b:s4+s13], $0x1, s17, s13, $0xb8;
	[tilespmem:$0x18E00] =	vst v63  }
0x84: {  	_ =	swait.ge [sflag:s19], $0x200  }
0x85: {  	[sflag:s19] =	ssyncset.done $0x0  }
0x86: {  	[sflag:s19] =	ssyncadd.s32 $0xFFFFFE00  }
0x87: {  	[tilespmem:s20], [sflag:$0x4] =	stream.indirect.gather [hbm4b:s1+s13], $0x40, s14, s13, $0xb8;
	[tilespmem:$0x18E00] =	vst v63  }
0x88: {  	_ =	swait.ge [sflag:s21], $0x200  }
0x89: {  	[sflag:s21] =	ssyncset.done $0x0  }
0x8a: {  	[sflag:s21] =	ssyncadd.s32 $0xFFFFFE00  }
0x8b: {  	[tilespmem:s22], [sflag:$0x5] =	stream.indirect.gather [hbm4b:s5+s13], $0x40, s16, s13, $0xb8;
	[tilespmem:$0x18E00] =	vst v63  }
0x8c: {  	_ =	swait.ge [sflag:s23], $0x8000  }
0x8d: {  	[sflag:s23] =	ssyncset.done $0x0  }
0x8e: {  	[sflag:s23] =	ssyncadd.s32 $0xFFFF8000  }
0x8f: {  	[hbm4b:s8+s3] =	stream.linear.scatter [tilespmem:s20], [sflag:$0x7], $0x8000, $0x38;
	[tilespmem:$0x18E00] =	vst v63  }
0x90: {  	_ =	swait.ge [sflag:s24], $0x200  }
0x91: {  	[sflag:s24] =	ssyncset.done $0x0  }
0x92: {  	[sflag:s24] =	ssyncadd.s32 $0xFFFFFE00  }
0x93: {  	[tilespmem:s25], [sflag:$0x6] =	stream.indirect.gather [hbm4b:s6+s13], $0x40, s18, s13, $0xb8;
	[tilespmem:$0x18E00] =	vst v63  }
0x94: {  	_ =	swait.ge [sflag:s26], $0x8000  }
0x95: {  	[sflag:s26] =	ssyncset.done $0x0  }
0x96: {  	[sflag:s26] =	ssyncadd.s32 $0xFFFF8000  }
0x97: {  	[hbm4b:s9+s3] =	stream.linear.scatter [tilespmem:s22], [sflag:$0x8], $0x8000, $0x38;
	[tilespmem:$0x18E00] =	vst v63  }
0x98: {  	_ =	swait.ge [sflag:s28], $0x8000  }
0x99: {  	[sflag:s28] =	ssyncset.done $0x0  }
0x9a: {  	[sflag:s28] =	ssyncadd.s32 $0xFFFF8000  }
0x9b: {  	[hbm4b:s10+s3] =	stream.linear.scatter [tilespmem:s25], [sflag:$0x9], $0x8000, $0x38;
	[tilespmem:$0x18E00] =	vst v63  }
0x9c: {  	_ =	swait.ge [sflag:s29], $0x8000  }
0x9d: {  	[sflag:s29] =	ssyncset.done $0x0  }
0x9e: {  	[sflag:s29] =	ssyncadd.s32 $0xFFFF8000  }
0x9f: {  	p0 =	sne.s32 s11, $0x1;
	_ =	swait.ge [sflag:s30], $0x8000  }
.Ltmp0:
0xa0: {  	[sflag:s30] =	ssyncset.done $0x0;
	(pc) =	sbr.rel @p0 .LBB2_1-.Ltmp0, $4  }
0xa1: {  	[sflag:s30] =	ssyncadd.s32 $0xFFFF8000  }
0xa2: {  	_ =	swait.ge [sflag:s31], $0x8000  }
0xa3: {  	[sflag:s31] =	ssyncset.done $0x0  }
0xa4: {  	s11 =	sadd.s32 $0xFFFFFFFF, s11;
	[sflag:s31] =	ssyncadd.s32 $0xFFFF8000  }
0xa5: {  	_ =	sfence.sel $0x180000  }
0xa6: {  	[bflag:$0x0] =	sbarrier.arrive $0xFFFF  }
0xa7: {  	p0 =	sne.s32 s2, $0x0;
	_ =	strace $0x9000004A  }
0xa8: {  	s0 =	sadd.s32 @!p0 $0x100000, s0;
	[bflag:$0x2] =	sbarrier.arrive $0xFFFF  }
0xa9: {  	[sflag:s0] =	ssyncadd.tile.s32 @!p0 $0x1;
	_ =	shalt  }
.Lfunc_end2:
_tile_overlayer_lowered:
.L_overlay_start_2:
0xaa: {  	(tag) =	ssettag $0x2  }
0xab: {  	s0 =	rddreg [dreg:$0x0];
	s2 =	stileid.u32  }
0xac: {  	s1 =	rddreg [dreg:$0x1];
	p0 =	sne.s32 s2, $0x0  }
0xad: {  	s3 =	rddreg [dreg:$0x2];
	[bflag:$0x3] =	sbarrier.arrive $0xFFFF;
	s2 =	simm.s32 @!p0 $0x1C0A  }
0xae: {  	[timem:s3], [sflag:s2] =	dma.local @!p0 [hbm:s0], s1  }
0xaf: {  	s0 =	simm.s32 @!p0 $0xA  }
0xb0: {  	_ =	swait.ge @!p0 [sflag:s0], s1  }
0xb1: {  	s1 =	ssub.s32 @!p0 $0x0, s1;
	[sflag:s0] =	ssyncset.done @!p0 $0x0  }
0xb2: {  	[sflag:s0] =	ssyncadd.s32 @!p0 s1  }
0xb3: {  	[bflag:$0x3] =	sbarrier.arrive $0xFFFF  }
0xb4: {  	_ =	shalt  }

// kernel: kernel.7.cloned.1.call-start
scs
__scs_entry_jumppad:
0x0: {  	(pc) =	sbr.rel $0x88, $3  }
0x1: {  	(tag) =	ssettag $0x0;
	lr =	simm.s32 $0x1  }
0x2: {  	[smem:$0x3F9A] =	sst lr;
	_ =	strace $0xD0000000  }
0x3: {  	_ = 	snop  }
0x4: {  	_ = 	snop  }
0x5: {  	_ = 	snop  }
0x6: {  	_ = 	snop  }
0x7: {  	_ = 	snop  }
__scs_overlays_trampoline_lowered:
0x8: {  	[smem:$0x3FA9] =	sst s0  }
0x9: {  	[smem:$0x3FAA] =	sst s1  }
0xa: {  	[smem:$0x3FAB] =	sst s2  }
0xb: {  	[smem:$0x3FAC] =	sst s3  }
0xc: {  	[smem:$0x3FAD] =	sst s4  }
0xd: {  	[smem:$0x3FAE] =	sst s5  }
0xe: {  	[smem:$0x3FAF] =	sst s6  }
0xf: {  	[smem:$0x3FB0] =	sst s7  }
0x10: {  	[smem:$0x3FB1] =	sst s8  }
0x11: {  	[smem:$0x3FB2] =	sst s9;
	s0 =	simm.s32 @!p0 $0x0  }
0x12: {  	s1 =	sld [smem:$0x3F98];
	s0 =	simm.s32 @p0 $0x1  }
0x13: {  	[smem:$0x3FB3] =	sst s0;
	s0 =	simm.s32 @!p1 $0x0  }
0x14: {  	s2 =	sld [smem:$0x3F97];
	s0 =	simm.s32 @p1 $0x1  }
0x15: {  	[smem:$0x3FB4] =	sst s0;
	s0 =	simm.s32 @!p2 $0x0  }
0x16: {  	s3 =	sld [smem:$0x3FDB];
	s0 =	simm.s32 @p2 $0x1  }
0x17: {  	s4 =	simm.s32 $0x1BF5;
	[smem:$0x3FB6] =	sst s0  }
0x18: {  	s0 =	sld [smem:$0x3F99];
	_ =	swait.ge [sflag:s4], $0x0  }
0x19: {  	s7 =	sld [smem:$0x3F9A]  }
0x1a: {  	s8 =	sadd.s32 $0xFFFFE003, lr  }
0x1b: {  	s9 =	sadd.s32 $0xFFFFFEF7, lr;
	s5 =	simm.s32 $0xFFFFFFFF;
	p2 =	slt.u32 s8, $0xFFFFF086  }
0x1c: {  	p1 =	slt.u32 s9, $0xF7A;
	s5 =	simm.s32 @!p2 $0x0  }
0x1d: {  	s5 =	simm.s32 @p1 $0x1;
	p0 =	seq.s32 s7, s2  }
0x1e: {  	s7 =	smul.u32 @!p0 $0xF7A, s2;
	p2 =	seq.s32 @!p0 s5, $0x0  }
0x1f: {  	s9 =	smul.u32 $0xF7A, s1;
	s8 =	simm.s32 @!p0 $0x1BF5;
	p2 =	por !p2, p0  }
0x20: {  	[sflag:s8] =	ssyncset.s32 @!p0 $0xFFFFF086;
	s6 =	sadd.s32 @!p0 s3, s7;
	s7 =	simm.s32 @!p0 $0x108  }
0x21: {  	s3 =	sadd.s32 s3, s9;
	s6 =	sadd.s32 @!p0 $0x88, s6;
	s7 =	simm.s32 @p2 $0x1082  }
0x22: {  	[simem:s7], [sflag:s8] =	dma.local @!p0 [hbm:s6], $0xF7A  }
0x23: {  	s9 =	sor.u32 $0xD0000000, s2;
	s6 =	simm.s32 $0x108;
	_ =	swait.ge @!p0 [sflag:s8], $0x0  }
0x24: {  	s3 =	sadd.s32 $0x88, s3;
	s6 =	simm.s32 @!p1 $0x1082;
	[sflag:s4] =	ssyncset.s32 $0xFFFFF086  }
0x25: {  	[simem:s6], [sflag:s4] =	dma.local [hbm:s3], $0xF7A  }
0x26: {  	[smem:$0x3F9A] =	sst s1;
	(tag) =	ssettag s2;
	_ =	strace s9  }
0x27: {  	s1 =	sld [smem:$0x3FAA]  }
0x28: {  	s2 =	sld [smem:$0x3FAB]  }
0x29: {  	s4 =	sld [smem:$0x3FAD]  }
0x2a: {  	p0 =	seq.s32 s5, $0x0;
	s5 =	sld [smem:$0x3FAE]  }
0x2b: {  	s6 =	sld [smem:$0x3FAF]  }
0x2c: {  	s7 =	sld [smem:$0x3FB0]  }
0x2d: {  	s3 =	simm.s32 $0x108;
	s8 =	sld [smem:$0x3FB1]  }
0x2e: {  	s3 =	simm.s32 @!p0 $0x1082;
	s9 =	sld [smem:$0x3FB2]  }
0x2f: {  	lr =	sadd.s32 s0, s3;
	s0 =	sld [smem:$0x3FA9]  }
0x30: {  	s3 =	sld [smem:$0x3FAC]  }
0x31: {  	[smem:$0x3FB5] =	sst s10  }
0x32: {  	s10 =	sld [smem:$0x3FB3];
	_ =	sdelay $0x3  }
0x33: {  	p0 =	seq.s32 s10, $0x1;
	s10 =	sld [smem:$0x3FB5];
	_ =	sdelay $0x3  }
0x34: {  	[smem:$0x3FB5] =	sst s10  }
0x35: {  	s10 =	sld [smem:$0x3FB4];
	_ =	sdelay $0x3  }
0x36: {  	p1 =	seq.s32 s10, $0x1;
	s10 =	sld [smem:$0x3FB5];
	_ =	sdelay $0x3  }
0x37: {  	[smem:$0x3FB5] =	sst s10  }
0x38: {  	s10 =	sld [smem:$0x3FB6]  }
0x39: {  	_ = 	snop;
	(pc) =	sbr.ind lr, $3  }
0x3a: {  	_ = 	snop  }
0x3b: {  	_ = 	snop  }
0x3c: {  	p2 =	seq.s32 s10, $0x1;
	s10 =	sld [smem:$0x3FB5]  }
0x3d: {  	_ =	shalt  }
0x3e: {  	_ =	shalt  }
0x3f: {  	_ =	shalt  }
0x40: {  	_ =	shalt  }
0x41: {  	_ =	shalt  }
0x42: {  	_ =	shalt  }
0x43: {  	_ =	shalt  }
0x44: {  	_ =	shalt  }
0x45: {  	_ =	shalt  }
0x46: {  	_ =	shalt  }
0x47: {  	_ =	shalt  }
0x48: {  	_ =	shalt  }
0x49: {  	_ =	shalt  }
0x4a: {  	_ =	shalt  }
0x4b: {  	_ =	shalt  }
0x4c: {  	_ =	shalt  }
0x4d: {  	_ =	shalt  }
0x4e: {  	_ =	shalt  }
0x4f: {  	_ =	shalt  }
0x50: {  	_ =	shalt  }
0x51: {  	_ =	shalt  }
0x52: {  	_ =	shalt  }
0x53: {  	_ =	shalt  }
0x54: {  	_ =	shalt  }
0x55: {  	_ =	shalt  }
0x56: {  	_ =	shalt  }
0x57: {  	_ =	shalt  }
0x58: {  	_ =	shalt  }
0x59: {  	_ =	shalt  }
0x5a: {  	_ =	shalt  }
0x5b: {  	_ =	shalt  }
0x5c: {  	_ =	shalt  }
0x5d: {  	_ =	shalt  }
0x5e: {  	_ =	shalt  }
0x5f: {  	_ =	shalt  }
0x60: {  	_ =	shalt  }
0x61: {  	_ =	shalt  }
0x62: {  	_ =	shalt  }
0x63: {  	_ =	shalt  }
0x64: {  	_ =	shalt  }
0x65: {  	_ =	shalt  }
0x66: {  	_ =	shalt  }
0x67: {  	_ =	shalt  }
0x68: {  	_ =	shalt  }
0x69: {  	_ =	shalt  }
0x6a: {  	_ =	shalt  }
0x6b: {  	_ =	shalt  }
0x6c: {  	_ =	shalt  }
0x6d: {  	_ =	shalt  }
0x6e: {  	_ =	shalt  }
0x6f: {  	_ =	shalt  }
0x70: {  	_ =	shalt  }
0x71: {  	_ =	shalt  }
0x72: {  	_ =	shalt  }
0x73: {  	_ =	shalt  }
0x74: {  	_ =	shalt  }
0x75: {  	_ =	shalt  }
0x76: {  	_ =	shalt  }
0x77: {  	_ =	shalt  }
0x78: {  	_ =	shalt  }
0x79: {  	_ =	shalt  }
0x7a: {  	_ =	shalt  }
0x7b: {  	_ =	shalt  }
0x7c: {  	_ =	shalt  }
0x7d: {  	_ =	shalt  }
0x7e: {  	_ =	shalt  }
0x7f: {  	_ =	shalt  }
0x80: {  	_ =	shalt  }
0x81: {  	_ =	shalt  }
0x82: {  	_ =	shalt  }
0x83: {  	_ =	shalt  }
0x84: {  	_ =	shalt  }
0x85: {  	_ =	shalt  }
0x86: {  	_ =	shalt  }
0x87: {  	_ =	shalt  }
.Lfunc_end0:
.L_simem_size_0:
called_computation.1_lowered:
.L_overlay_start_0:
0x88: {  	s2 =	sld [smem:$0x3FD9]  }
0x89: {  	s3 =	sld [smem:$0x3FFE];
	_ =	sdelay $0x1  }
0x8a: {  	s1 =	srdreg.scid  }
0x8b: {  	s0 =	sand.u32 $0x1, s1  }
0x8c: {  	s14 =	sshll.u32 s0, $0xA;
	s2 =	sadd.s32 s3, s2  }
0x8d: {  	s2 =	sadd.s32 s2, s14  }
0x8e: {  	[smem:$0x3FC1] =	sst s2  }
0x8f: {  	_ = 	snop  }
0x90: {  	s2 =	sld [smem:$0x3FD0];
	_ =	sdelay $0x2  }
0x91: {  	s4 =	simm.s32 $0xB;
	s5 =	simm.s32 $0x10;
	s15 =	sld [smem:$0x3FC9]  }
0x92: {  	[smem:s5], [sflag:s4] =	dma.local [hbm:s2], $0x1  }
0x93: {  	_ =	swait.eq [sflag:s4], $0x1  }
0x94: {  	[sflag:s4] =	ssyncset.done $0x0  }
0x95: {  	s16 =	sld [smem:$0x13];
	[sflag:s4] =	ssyncadd.s32 $0xFFFFFFFF  }
0x96: {  	s17 =	sld [smem:$0x14];
	(tm) =	ssettm $0x1  }
0x97: {  	s18 =	sld [smem:$0x3FFB];
	_ =	sdelay $0x3  }
0x98: {  	_ =	strace s18  }
0x99: {  	s5 =	sld [smem:$0x3FFC];
	_ =	sdelay $0x3  }
0x9a: {  	_ =	strace s5  }
0x9b: {  	s5 =	sld [smem:$0x3FFD];
	_ =	sdelay $0x3  }
0x9c: {  	_ =	strace s5  }
0x9d: {  	_ =	strace $0x8FFFFFFF  }
0x9e: {  	s19 =	sld [smem:$0x3FDB];
	_ =	sdelay $0x1  }
0x9f: {  	s6 =	simm.s32 $_scs_section_size  }
0xa0: {  	s7 =	simm.s32 $_size__tile_overlayer_lowered;
	s8 =	simm.s32 $_tile_overlayer_lowered  }
0xa1: {  	s22 =	simm.s32 $0x1BFF;
	s21 =	sshll.u32 s8, $0x1;
	s5 =	sadd.s32 s6, s19  }
0xa2: {  	s9 =	simm.s32 $0x0;
	s20 =	sshll.u32 s7, $0x1;
	s7 =	sadd.s32 s21, s5  }
0xa3: {  	[timem:s9], [sflag:s22] =	dma.local [hbm:s7], s20  }
0xa4: {  	_ =	swait.ge [sflag:s22], s20  }
0xa5: {  	s6 =	ssub.s32 $0x0, s20;
	[sflag:s22] =	ssyncset.done $0x0  }
0xa6: {  	[sflag:s22] =	ssyncadd.s32 s6;
	_ =	sdelay $0x1  }
0xa7: {  	s23 =	simm.s32 $0x1B8B  }
0xa8: {  	_ =	swait.ge [sflag:s23], $0x1  }
0xa9: {  	[sflag:s23] =	ssyncset.done $0x0  }
0xaa: {  	s25 =	simm.s32 $0x1B8E;
	s24 =	sld [smem:$0x3FFE];
	[sflag:s23] =	ssyncadd.s32 $0xFFFFFFFF  }
0xab: {  	s26 =	simm.s32 $execute0_lowered;
	[smem:$0x3FD2] =	sst s25  }
0xac: {  	s7 =	sshll.u32 s26, $0x1;
	_ =	strace $0x80000046;
	[dreg:$0x1] =	wrdreg $0xFFFFFFFF  }
0xad: {  	s28 =	simm.s32 $_size_execute0_lowered;
	s5 =	sadd.s32 s5, s7;
	[dreg:$0x0] =	wrdreg $0x0  }
0xae: {  	s7 =	sshll.u32 s28, $0x1;
	[dreg:$0x2] =	wrdreg s5  }
0xaf: {  	[dreg:$0x3] =	wrdreg s7  }
0xb0: {  	[dreg:$0x4] =	wrdreg $0xC0  }
0xb1: {  	_ =	task [dreg:s9], $0x5FFFF  }
0xb2: {  	[dreg:$0x1] =	wrdreg $0xFFFFFFFF  }
0xb3: {  	[dreg:$0x0] =	wrdreg $0x60  }
0xb4: {  	[dreg:$0x2] =	wrdreg s15  }
0xb5: {  	[dreg:$0x3] =	wrdreg s24  }
0xb6: {  	[dreg:$0x4] =	wrdreg s16  }
0xb7: {  	[dreg:$0x5] =	wrdreg s17  }
0xb8: {  	[dreg:$0x6] =	wrdreg $0xA  }
0xb9: {  	_ =	task.clear_ibuf [dreg:s9], $0x7FFFF;
	_ =	strace $0x90000046  }
0xba: {  	s29 =	simm.s32 $0xA;
	_ =	strace $0x80000048  }
0xbb: {  	_ =	swait.ge [sflag:s29], $0x1  }
0xbc: {  	[sflag:s29] =	ssyncadd.s32 $0xFFFFFFFF  }
0xbd: {  	_ =	strace $0x90000048  }
0xbe: {  	_ =	sfence  }
0xbf: {  	s30 =	sld [smem:$0x0];
	_ =	sdelay $0x2  }
0xc0: {  	s31 =	sshll.u32 s1, $0xD;
	s1 =	sshrl.u32 s1, $0x2  }
0xc1: {  	s3 =	sand.u32 $0x4000, s31;
	s1 =	sadd.s32 s1, s30  }
0xc2: {  	s0 =	sor.u32 s3, s0;
	s1 =	sshll.u32 s1, $0x11  }
0xc3: {  	s0 =	sor.u32 s1, s0  }
0xc4: {  	s0 =	sadd.s32 $0x8F2B, s0  }
0xc5: {  	[sflag:s0] =	ssyncadd.remote.s32 $0x1  }
0xc6: {  	_ =	sfence.sel $0xFFFF  }
0xc7: {  	[dreg:$0x0] =	wrdreg $0xFFFFFFFF;
	(pc) =	sbr.abs _section_cstart, $3  }
0xc8: {  	[dreg:$0x1] =	wrdreg $0xFFFFFFFF  }
0xc9: {  	_ =	task.clear_ibuf [dreg:s9], $0x2FFFF;
	_ =	strace $0x9FFFFFFF  }
0xca: {  	(tm) =	ssettm $0x7FFFFFFF  }
0xcb: {  	_ =	shalt  }
tec
execute0_lowered:
.L_overlay_start_1:
0x0: {  	(tag) =	ssettag $0x1  }
0x1: {  	s3 =	rddreg [dreg:$0x0];
	s1 =	srdreg.scid  }
0x2: {  	s4 =	rddreg [dreg:$0x1];
	s0 =	stileid.u32;
	s7 =	sand.u32 $0x1, s1  }
0x3: {  	s5 =	rddreg [dreg:$0x2];
	s6 =	sshll.u32 s0, $0xA;
	s9 =	sshll.u32 s7, $0x9  }
0x4: {  	s8 =	rddreg [dreg:$0x3];
	s2 =	simm.s32 $0x0;
	s9 =	sor.u32 s9, s6  }
0x5: {  	s18 =	simm.s32 $0x7;
	[smem:$0x7FF] =	sst s2;
	s6 =	sshrl.u32 s9, $0x3  }
0x6: {  	s1 =	rddreg [dreg:$0x4];
	_ =	strace $0x80000047;
	s15 =	sadd.s32 s3, s6  }
0x7: {  	[tilespmem:s2], [sflag:$0x7] =	stream.linear.gather [hbm4b:s15+s2], $0x200, $0x38;
	[tilespmem:$0x10A00] =	vst v63  }
0x8: {  	_ =	swait.ge [sflag:s18], $0x200  }
0x9: {  	[sflag:s18] =	ssyncset.done $0x0  }
0xa: {  	[sflag:s18] =	ssyncadd.s32 $0xFFFFFE00  }
0xb: {  	v1 =	vld [tilespmem:$0x190]  }
0xc: {  	v2 =	vld [tilespmem:$0x160]  }
0xd: {  	v3 =	vld [tilespmem:$0x190]  }
0xe: {  	v4 =	vld [tilespmem:$0x180]  }
0xf: {  	v5 =	vld [tilespmem:$0x170]  }
0x10: {  	v7 =	vld [tilespmem:$0x130]  }
0x11: {  	v6 =	vld [tilespmem:$0xE0]  }
0x12: {  	v8 =	vld [tilespmem:$0x40];
	[tilespmem:$0x390] =	vst v1;
	v1 =	vadd.s32 $0x2710, v2  }
0x13: {  	v2 =	vld [tilespmem:$0x150];
	v3 =	vadd.s32 $0x2710, v3;
	[tilespmem:$0x560] =	vst v1  }
0x14: {  	v4 =	vadd.s32 $0x2710, v4;
	v1 =	vld [tilespmem:$0x140];
	[tilespmem:$0x590] =	vst v3  }
0x15: {  	v7 =	vadd.s32 $0x2710, v7;
	v3 =	vld [tilespmem:$0x110];
	[tilespmem:$0x580] =	vst v4  }
0x16: {  	v5 =	vadd.s32 $0x2710, v5;
	[tilespmem:$0x530] =	vst v7;
	v7 =	vld [tilespmem:$0xB0]  }
0x17: {  	v4 =	vadd.s32 $0x2710, v6;
	v6 =	vld [tilespmem:$0x100];
	[tilespmem:$0x570] =	vst v5  }
0x18: {  	v5 =	vld [tilespmem:$0x30];
	[tilespmem:$0x4E0] =	vst v4;
	v2 =	vadd.s32 $0x2710, v2  }
0x19: {  	v4 =	vld [tilespmem:$0xF0];
	v1 =	vadd.s32 $0x2710, v1;
	[tilespmem:$0x550] =	vst v2  }
0x1a: {  	v2 =	vld [tilespmem:$0xD0];
	v3 =	vadd.s32 $0x2710, v3;
	[tilespmem:$0x540] =	vst v1  }
0x1b: {  	v7 =	vadd.s32 $0x2710, v7;
	v1 =	vld [tilespmem:$0xC0];
	[tilespmem:$0x510] =	vst v3  }
0x1c: {  	v6 =	vadd.s32 $0x2710, v6;
	[tilespmem:$0x4B0] =	vst v7;
	v7 =	vld [tilespmem:$0x20]  }
0x1d: {  	v5 =	vadd.s32 $0x2710, v5;
	v3 =	vld [tilespmem:$0xA0];
	[tilespmem:$0x500] =	vst v6  }
0x1e: {  	v4 =	vadd.s32 $0x2710, v4;
	v6 =	vld [tilespmem:$0x90];
	[tilespmem:$0x430] =	vst v5  }
0x1f: {  	v5 =	vld [tilespmem:$0x60];
	[tilespmem:$0x4F0] =	vst v4;
	v2 =	vadd.s32 $0x2710, v2  }
0x20: {  	s7 =	ssub.s32 $0x2, s7;
	v4 =	vld [tilespmem:$0x80];
	v1 =	vadd.s32 $0x2710, v1;
	[tilespmem:$0x4D0] =	vst v2  }
0x21: {  	s10 =	sshrl.u32 s7, $0x1;
	v2 =	vld [tilespmem:$0x50];
	v7 =	vadd.s32 $0x2710, v7;
	[tilespmem:$0x4C0] =	vst v1  }
0x22: {  	s19 =	simm.s32 $0x400;
	s10 =	ssub.s32 s7, s10;
	v0 =	vld [tilespmem:$0x1B0];
	v1 =	vadd.s32 $0x2710, v3;
	[tilespmem:$0x420] =	vst v7  }
0x23: {  	s11 =	simm.s32 $0x800;
	s16 =	simm.s32 $0x1;
	s22 =	smax.u32 s10, $0x1;
	v3 =	vadd.s32 $0x2710, v6;
	v6 =	vld [tilespmem:$0x1F0];
	[tilespmem:$0x4A0] =	vst v1  }
0x24: {  	s12 =	simm.s32 $0xA00;
	s20 =	simm.s32 $0x2;
	p0 =	sne.s32 s22, $0x1;
	v9 =	vld [tilespmem:$0x10];
	[tilespmem:$0x490] =	vst v3;
	v3 =	vadd.s32 $0x2710, v5  }
.Ltmp0:
0x25: {  	s21 =	simm.s32 $0x3;
	s14 =	simm.s32 $0x4;
	v1 =	vadd.s32 $0x2710, v4;
	v4 =	vld [tilespmem:$0x70];
	[tilespmem:$0x460] =	vst v3;
	v3 =	vadd.s32 $0x2710, v8;
	(pc) =	sbr.rel @!p0 .LBB2_2-.Ltmp0, $4  }
0x26: {  	s17 =	simm.s32 $0x5;
	s13 =	simm.s32 $0x6;
	s9 =	sshll.u32 s9, $0x3;
	[tilespmem:$0x440] =	vst v3;
	v3 =	vld [tilespmem:$0x120];
	v2 =	vadd.s32 $0x2710, v2  }
0x27: {  	s6 =	sadd.s32 $0x10600, s4;
	s3 =	sadd.s32 $0x8600, s4;
	s4 =	sadd.s32 $0x600, s4;
	[tilespmem:$0x450] =	vst v2;
	v2 =	vld [tilespmem:$0x1A0]  }
0x28: {  	s7 =	sadd.s32 s5, s9;
	s5 =	sadd.s32 s8, s9;
	s8 =	simm.s32 $0x200;
	[tilespmem:$0x480] =	vst v1;
	v1 =	vld [tilespmem:$0x0];
	v5 =	vadd.s32 $0x2710, v6  }
0x29: {  	s9 =	simm.s32 $0x600;
	s10 =	simm.s32 $0x8A00;
	s22 =	sadd.s32 $0xFFFFFFFF, s22;
	v6 =	vadd.s32 $0x2710, v9;
	[tilespmem:$0x5F0] =	vst v5;
	v5 =	vld [tilespmem:$0x1E0]  }
.LBB2_1:
0x2a: {  	p0 =	sne.s32 s22, $0x1;
	s22 =	sadd.s32 $0xFFFFFFFF, s22;
	[tilespmem:$0x410] =	vst v6;
	v6 =	vld [tilespmem:$0x1D0]  }
0x2b: {  	v7 =	vld [tilespmem:$0x1C0]  }
0x2c: {  	v2 =	vadd.s32 $0x2710, v2;
	v8 =	vld [tilespmem:$0x30];
	v3 =	vadd.s32 $0x2710, v3  }
0x2d: {  	v0 =	vadd.s32 $0x2710, v0;
	v9 =	vld [tilespmem:$0x20];
	v4 =	vadd.s32 $0x2710, v4;
	[tilespmem:$0x520] =	vst v3  }
0x2e: {  	v1 =	vadd.s32 $0x2710, v1;
	v3 =	vld [tilespmem:$0x10];
	[tilespmem:$0x470] =	vst v4;
	v4 =	vadd.s32 $0x2710, v5  }
0x2f: {  	v5 =	vld [tilespmem:$0x60];
	v6 =	vadd.s32 $0x2710, v6;
	[tilespmem:$0x5E0] =	vst v4  }
0x30: {  	v4 =	vld [tilespmem:$0x50];
	[tilespmem:$0x5B0] =	vst v0;
	v0 =	vadd.s32 $0x2710, v7  }
0x31: {  	v7 =	vld [tilespmem:$0x0];
	[tilespmem:$0x230] =	vst v8  }
0x32: {  	v8 =	vld [tilespmem:$0x90];
	[tilespmem:$0x5D0] =	vst v6  }
0x33: {  	v6 =	vld [tilespmem:$0x80];
	[tilespmem:$0x400] =	vst v1  }
0x34: {  	v1 =	vld [tilespmem:$0x40];
	[tilespmem:$0x260] =	vst v5  }
0x35: {  	v5 =	vld [tilespmem:$0xC0];
	[tilespmem:$0x5A0] =	vst v2  }
0x36: {  	[tilespmem:$0x250] =	vst v4;
	v2 =	vld [tilespmem:$0xB0]  }
0x37: {  	v4 =	vld [tilespmem:$0x70];
	[tilespmem:$0x290] =	vst v8  }
0x38: {  	[tilespmem:$0x220] =	vst v9;
	v8 =	vld [tilespmem:$0xF0]  }
0x39: {  	[tilespmem:$0x280] =	vst v6;
	v6 =	vld [tilespmem:$0xE0]  }
0x3a: {  	v9 =	vld [tilespmem:$0xA0];
	[tilespmem:$0x2C0] =	vst v5  }
0x3b: {  	v5 =	vld [tilespmem:$0x120];
	[tilespmem:$0x5C0] =	vst v0  }
0x3c: {  	[tilespmem:$0x2B0] =	vst v2;
	v0 =	vld [tilespmem:$0x110]  }
0x3d: {  	v2 =	vld [tilespmem:$0xD0];
	[tilespmem:$0x2F0] =	vst v8  }
0x3e: {  	[tilespmem:$0x200] =	vst v7;
	v7 =	vld [tilespmem:$0x150]  }
0x3f: {  	[tilespmem:$0x2E0] =	vst v6;
	v6 =	vld [tilespmem:$0x140]  }
0x40: {  	v8 =	vld [tilespmem:$0x100];
	[tilespmem:$0x320] =	vst v5  }
0x41: {  	[tilespmem:$0x210] =	vst v3;
	v3 =	vld [tilespmem:$0x180]  }
0x42: {  	[tilespmem:$0x310] =	vst v0;
	v0 =	vld [tilespmem:$0x170]  }
0x43: {  	v5 =	vld [tilespmem:$0x130];
	[tilespmem:$0x350] =	vst v7  }
0x44: {  	[tilespmem:$0x270] =	vst v4;
	v4 =	vld [tilespmem:$0x1D0]  }
0x45: {  	[tilespmem:$0x340] =	vst v6;
	v6 =	vld [tilespmem:$0x1A0]  }
0x46: {  	v7 =	vld [tilespmem:$0x160];
	[tilespmem:$0x380] =	vst v3  }
0x47: {  	[tilespmem:$0x240] =	vst v1;
	v1 =	vld [tilespmem:$0x1C0]  }
0x48: {  	[tilespmem:$0x370] =	vst v0;
	v0 =	vld [tilespmem:$0x1B0]  }
0x49: {  	[tilespmem:$0x3D0] =	vst v4  }
0x4a: {  	[tilespmem:$0x2D0] =	vst v2  }
0x4b: {  	[tilespmem:$0x3A0] =	vst v6;
	v2 =	vld [tilespmem:$0x1E0]  }
0x4c: {  	[tilespmem:$0x330] =	vst v5;
	v3 =	vld [tilespmem:$0x1F0]  }
0x4d: {  	[tilespmem:$0x2A0] =	vst v9  }
0x4e: {  	[tilespmem:$0x3C0] =	vst v1  }
0x4f: {  	[tilespmem:$0x3B0] =	vst v0  }
0x50: {  	[tilespmem:$0x3E0] =	vst v2  }
0x51: {  	[tilespmem:$0x3F0] =	vst v3  }
0x52: {  	[tilespmem:$0x360] =	vst v7  }
0x53: {  	[tilespmem:$0x300] =	vst v8  }
0x54: {  	[tilespmem:s9], [sflag:$0x1] =	stream.indirect.gather [hbm4b:s6+s8], $0x1, s8, s8, $0xb8;
	[tilespmem:$0x10A00] =	vst v63  }
0x55: {  	_ = 	snop  }
0x56: {  	[tilespmem:s11], [sflag:$0x2] =	stream.indirect.gather [hbm4b:s6+s8], $0x1, s19, s8, $0xb8;
	[tilespmem:$0x10A00] =	vst v63  }
0x57: {  	_ =	swait.ge [sflag:s16], $0x200  }
0x58: {  	[sflag:s16] =	ssyncset.done $0x0  }
0x59: {  	[sflag:s16] =	ssyncadd.s32 $0xFFFFFE00  }
0x5a: {  	[tilespmem:s12], [sflag:$0x3] =	stream.indirect.gather [hbm4b:s3+s8], $0x40, s9, s8, $0xb8;
	[tilespmem:$0x10A00] =	vst v63  }
0x5b: {  	_ =	swait.ge [sflag:s20], $0x200  }
0x5c: {  	[sflag:s20] =	ssyncset.done $0x0  }
0x5d: {  	[sflag:s20] =	ssyncadd.s32 $0xFFFFFE00  }
0x5e: {  	[tilespmem:s10], [sflag:$0x4] =	stream.indirect.gather [hbm4b:s4+s8], $0x40, s11, s8, $0xb8;
	[tilespmem:$0x10A00] =	vst v63  }
0x5f: {  	_ =	swait.ge [sflag:s21], $0x8000  }
0x60: {  	[sflag:s21] =	ssyncset.done $0x0  }
0x61: {  	[sflag:s21] =	ssyncadd.s32 $0xFFFF8000  }
0x62: {  	[hbm4b:s7+s2] =	stream.linear.scatter [tilespmem:s12], [sflag:$0x5], $0x8000, $0x38;
	[tilespmem:$0x10A00] =	vst v63  }
0x63: {  	_ =	swait.ge [sflag:s14], $0x8000  }
0x64: {  	[sflag:s14] =	ssyncset.done $0x0  }
0x65: {  	[sflag:s14] =	ssyncadd.s32 $0xFFFF8000  }
0x66: {  	[hbm4b:s5+s2] =	stream.linear.scatter [tilespmem:s10], [sflag:$0x6], $0x8000, $0x38;
	[tilespmem:$0x10A00] =	vst v63  }
0x67: {  	_ =	swait.ge [sflag:s17], $0x8000  }
0x68: {  	[sflag:s17] =	ssyncset.done $0x0  }
0x69: {  	[sflag:s17] =	ssyncadd.s32 $0xFFFF8000  }
0x6a: {  	_ =	swait.ge [sflag:s13], $0x8000  }
0x6b: {  	[sflag:s13] =	ssyncset.done $0x0  }
0x6c: {  	[sflag:s13] =	ssyncadd.s32 $0xFFFF8000  }
0x6d: {  	[tilespmem:s2], [sflag:$0x7] =	stream.linear.gather [hbm4b:s15+s2], $0x200, $0x38;
	[tilespmem:$0x10A00] =	vst v63  }
0x6e: {  	_ =	swait.ge [sflag:s18], $0x200  }
0x6f: {  	[sflag:s18] =	ssyncset.done $0x0  }
0x70: {  	[sflag:s18] =	ssyncadd.s32 $0xFFFFFE00  }
0x71: {  	v1 =	vld [tilespmem:$0x190]  }
0x72: {  	v2 =	vld [tilespmem:$0x160]  }
0x73: {  	v0 =	vld [tilespmem:$0x1B0]  }
0x74: {  	v3 =	vld [tilespmem:$0x190]  }
0x75: {  	v4 =	vld [tilespmem:$0x180]  }
0x76: {  	[tilespmem:$0x390] =	vst v1;
	v1 =	vld [tilespmem:$0x170]  }
0x77: {  	v5 =	vld [tilespmem:$0xE0];
	v2 =	vadd.s32 $0x2710, v2  }
0x78: {  	v6 =	vld [tilespmem:$0x150];
	[tilespmem:$0x560] =	vst v2  }
0x79: {  	v2 =	vld [tilespmem:$0x140];
	v3 =	vadd.s32 $0x2710, v3  }
0x7a: {  	v7 =	vld [tilespmem:$0x130];
	v4 =	vadd.s32 $0x2710, v4;
	[tilespmem:$0x590] =	vst v3  }
0x7b: {  	v3 =	vld [tilespmem:$0x110];
	v1 =	vadd.s32 $0x2710, v1;
	[tilespmem:$0x580] =	vst v4  }
0x7c: {  	v4 =	vadd.s32 $0x2710, v5;
	v5 =	vld [tilespmem:$0x100];
	[tilespmem:$0x570] =	vst v1  }
0x7d: {  	[tilespmem:$0x4E0] =	vst v4;
	v1 =	vld [tilespmem:$0xF0];
	v4 =	vadd.s32 $0x2710, v6  }
0x7e: {  	v6 =	vld [tilespmem:$0x30];
	v2 =	vadd.s32 $0x2710, v2;
	[tilespmem:$0x550] =	vst v4  }
0x7f: {  	v4 =	vld [tilespmem:$0xD0];
	v7 =	vadd.s32 $0x2710, v7;
	[tilespmem:$0x540] =	vst v2  }
0x80: {  	v2 =	vld [tilespmem:$0xC0];
	v3 =	vadd.s32 $0x2710, v3;
	[tilespmem:$0x530] =	vst v7  }
0x81: {  	v7 =	vld [tilespmem:$0xB0];
	v5 =	vadd.s32 $0x2710, v5;
	[tilespmem:$0x510] =	vst v3  }
0x82: {  	v3 =	vld [tilespmem:$0xA0];
	v1 =	vadd.s32 $0x2710, v1;
	[tilespmem:$0x500] =	vst v5  }
0x83: {  	v5 =	vadd.s32 $0x2710, v6;
	v6 =	vld [tilespmem:$0x90];
	[tilespmem:$0x4F0] =	vst v1  }
0x84: {  	[tilespmem:$0x430] =	vst v5;
	v1 =	vld [tilespmem:$0x80];
	v4 =	vadd.s32 $0x2710, v4  }
0x85: {  	v5 =	vld [tilespmem:$0x60];
	v2 =	vadd.s32 $0x2710, v2;
	[tilespmem:$0x4D0] =	vst v4  }
0x86: {  	v4 =	vld [tilespmem:$0x50];
	v7 =	vadd.s32 $0x2710, v7;
	[tilespmem:$0x4C0] =	vst v2  }
0x87: {  	v2 =	vld [tilespmem:$0x40];
	v3 =	vadd.s32 $0x2710, v3;
	[tilespmem:$0x4B0] =	vst v7  }
0x88: {  	v6 =	vadd.s32 $0x2710, v6;
	[tilespmem:$0x4A0] =	vst v3;
	v7 =	vld [tilespmem:$0x1F0]  }
0x89: {  	v8 =	vld [tilespmem:$0x20];
	v1 =	vadd.s32 $0x2710, v1;
	[tilespmem:$0x490] =	vst v6  }
0x8a: {  	v6 =	vld [tilespmem:$0x10];
	v3 =	vadd.s32 $0x2710, v5;
	[tilespmem:$0x480] =	vst v1  }
.Ltmp1:
0x8b: {  	v1 =	vld [tilespmem:$0x0];
	v4 =	vadd.s32 $0x2710, v4;
	[tilespmem:$0x460] =	vst v3;
	(pc) =	sbr.rel @p0 .LBB2_1-.Ltmp1, $4  }
0x8c: {  	v3 =	vadd.s32 $0x2710, v2;
	[tilespmem:$0x450] =	vst v4;
	v2 =	vld [tilespmem:$0x1A0]  }
0x8d: {  	[tilespmem:$0x440] =	vst v3;
	v3 =	vld [tilespmem:$0x120];
	v5 =	vadd.s32 $0x2710, v7  }
0x8e: {  	v7 =	vadd.s32 $0x2710, v8;
	v4 =	vld [tilespmem:$0x70];
	[tilespmem:$0x5F0] =	vst v5  }
0x8f: {  	v6 =	vadd.s32 $0x2710, v6;
	[tilespmem:$0x420] =	vst v7;
	v5 =	vld [tilespmem:$0x1E0]  }
.LBB2_2:
0x90: {  	_ = 	snop  }
0x91: {  	[tilespmem:$0x410] =	vst v6;
	v0 =	vadd.s32 $0x2710, v0  }
0x92: {  	v7 =	vld [tilespmem:$0x1D0];
	[tilespmem:$0x5B0] =	vst v0;
	v3 =	vadd.s32 $0x2710, v3  }
0x93: {  	v28 =	vld [tilespmem:$0x30];
	v36 =	vadd.s32 $0x2710, v2;
	[tilespmem:$0x520] =	vst v3  }
0x94: {  	v30 =	vld [tilespmem:$0x60];
	v4 =	vadd.s32 $0x2710, v4;
	[tilespmem:$0x5A0] =	vst v36  }
0x95: {  	v33 =	vld [tilespmem:$0x50];
	v1 =	vadd.s32 $0x2710, v1;
	[tilespmem:$0x470] =	vst v4  }
0x96: {  	v34 =	vld [tilespmem:$0x90];
	v29 =	vadd.s32 $0x2710, v5;
	[tilespmem:$0x400] =	vst v1  }
0x97: {  	v35 =	vld [tilespmem:$0x20];
	[tilespmem:$0x5E0] =	vst v29  }
0x98: {  	v37 =	vld [tilespmem:$0x80];
	[tilespmem:$0x230] =	vst v28  }
0x99: {  	v38 =	vld [tilespmem:$0xC0];
	[tilespmem:$0x260] =	vst v30  }
0x9a: {  	v39 =	vld [tilespmem:$0xB0];
	[tilespmem:$0x250] =	vst v33  }
0x9b: {  	v40 =	vld [tilespmem:$0xF0];
	[tilespmem:$0x290] =	vst v34  }
0x9c: {  	v41 =	vld [tilespmem:$0x0];
	[tilespmem:$0x220] =	vst v35  }
0x9d: {  	v43 =	vld [tilespmem:$0xE0];
	[tilespmem:$0x280] =	vst v37  }
0x9e: {  	v44 =	vld [tilespmem:$0x120];
	[tilespmem:$0x2C0] =	vst v38  }
0x9f: {  	v45 =	vld [tilespmem:$0x10];
	[tilespmem:$0x2B0] =	vst v39  }
0xa0: {  	v46 =	vld [tilespmem:$0x110];
	[tilespmem:$0x2F0] =	vst v40  }
0xa1: {  	v47 =	vld [tilespmem:$0x150];
	[tilespmem:$0x200] =	vst v41  }
0xa2: {  	v48 =	vld [tilespmem:$0x70];
	[tilespmem:$0x2E0] =	vst v43  }
0xa3: {  	v49 =	vld [tilespmem:$0x140];
	[tilespmem:$0x320] =	vst v44  }
0xa4: {  	v50 =	vld [tilespmem:$0x180];
	[tilespmem:$0x210] =	vst v45  }
0xa5: {  	v51 =	vld [tilespmem:$0x40];
	[tilespmem:$0x310] =	vst v46  }
0xa6: {  	v52 =	vld [tilespmem:$0x170];
	[tilespmem:$0x350] =	vst v47  }
0xa7: {  	v53 =	vld [tilespmem:$0x1D0];
	[tilespmem:$0x270] =	vst v48  }
0xa8: {  	v54 =	vld [tilespmem:$0xD0];
	[tilespmem:$0x340] =	vst v49  }
0xa9: {  	v55 =	vld [tilespmem:$0x1A0];
	[tilespmem:$0x380] =	vst v50  }
0xaa: {  	v56 =	vld [tilespmem:$0x130];
	[tilespmem:$0x240] =	vst v51  }
0xab: {  	v57 =	vld [tilespmem:$0xA0];
	[tilespmem:$0x370] =	vst v52  }
0xac: {  	v58 =	vld [tilespmem:$0x1C0];
	[tilespmem:$0x3D0] =	vst v53  }
0xad: {  	v59 =	vld [tilespmem:$0x1B0];
	[tilespmem:$0x2D0] =	vst v54  }
0xae: {  	v60 =	vld [tilespmem:$0x1E0];
	[tilespmem:$0x3A0] =	vst v55  }
0xaf: {  	v61 =	vld [tilespmem:$0x1F0];
	[tilespmem:$0x330] =	vst v56  }
0xb0: {  	v62 =	vld [tilespmem:$0x160];
	[tilespmem:$0x2A0] =	vst v57  }
0xb1: {  	v63 =	vld [tilespmem:$0x100];
	[tilespmem:$0x3C0] =	vst v58  }
0xb2: {  	v31 =	vld [tilespmem:$0x1C0];
	[tilespmem:$0x3B0] =	vst v59  }
0xb3: {  	[tilespmem:$0x3E0] =	vst v60  }
0xb4: {  	[tilespmem:$0x3F0] =	vst v61  }
0xb5: {  	[tilespmem:$0x360] =	vst v62  }
0xb6: {  	v32 =	vadd.s32 $0x2710, v7;
	[tilespmem:$0x300] =	vst v63  }
0xb7: {  	v42 =	vadd.s32 $0x2710, v31;
	[tilespmem:$0x5D0] =	vst v32  }
0xb8: {  	[tilespmem:$0x5C0] =	vst v42  }
0xb9: {  	[tilespmem:s9], [sflag:$0x1] =	stream.indirect.gather [hbm4b:s6+s8], $0x1, s8, s8, $0xb8;
	[tilespmem:$0x10A00] =	vst v63  }
0xba: {  	_ = 	snop  }
0xbb: {  	[tilespmem:s11], [sflag:$0x2] =	stream.indirect.gather [hbm4b:s6+s8], $0x1, s19, s8, $0xb8;
	[tilespmem:$0x10A00] =	vst v63  }
0xbc: {  	_ =	swait.ge [sflag:s16], $0x200  }
0xbd: {  	[sflag:s16] =	ssyncset.done $0x0  }
0xbe: {  	[sflag:s16] =	ssyncadd.s32 $0xFFFFFE00  }
0xbf: {  	[tilespmem:s12], [sflag:$0x3] =	stream.indirect.gather [hbm4b:s3+s8], $0x40, s9, s8, $0xb8;
	[tilespmem:$0x10A00] =	vst v63  }
0xc0: {  	_ =	swait.ge [sflag:s20], $0x200  }
0xc1: {  	[sflag:s20] =	ssyncset.done $0x0  }
0xc2: {  	[sflag:s20] =	ssyncadd.s32 $0xFFFFFE00  }
0xc3: {  	[tilespmem:s10], [sflag:$0x4] =	stream.indirect.gather [hbm4b:s4+s8], $0x40, s11, s8, $0xb8;
	[tilespmem:$0x10A00] =	vst v63  }
0xc4: {  	_ =	swait.ge [sflag:s21], $0x8000  }
0xc5: {  	[sflag:s21] =	ssyncset.done $0x0  }
0xc6: {  	[sflag:s21] =	ssyncadd.s32 $0xFFFF8000  }
0xc7: {  	[hbm4b:s7+s2] =	stream.linear.scatter [tilespmem:s12], [sflag:$0x5], $0x8000, $0x38;
	[tilespmem:$0x10A00] =	vst v63  }
0xc8: {  	_ =	swait.ge [sflag:s14], $0x8000  }
0xc9: {  	[sflag:s14] =	ssyncset.done $0x0  }
0xca: {  	[sflag:s14] =	ssyncadd.s32 $0xFFFF8000  }
0xcb: {  	[hbm4b:s5+s2] =	stream.linear.scatter [tilespmem:s10], [sflag:$0x6], $0x8000, $0x38;
	[tilespmem:$0x10A00] =	vst v63  }
0xcc: {  	_ =	swait.ge [sflag:s17], $0x8000  }
0xcd: {  	[sflag:s17] =	ssyncset.done $0x0  }
0xce: {  	[sflag:s17] =	ssyncadd.s32 $0xFFFF8000  }
0xcf: {  	_ =	swait.ge [sflag:s13], $0x8000  }
0xd0: {  	[sflag:s13] =	ssyncset.done $0x0  }
0xd1: {  	[sflag:s13] =	ssyncadd.s32 $0xFFFF8000  }
0xd2: {  	_ =	sfence.sel $0x180000  }
0xd3: {  	[bflag:$0x0] =	sbarrier.arrive $0xFFFF  }
0xd4: {  	p0 =	sne.s32 s0, $0x0;
	_ =	strace $0x90000047  }
0xd5: {  	s0 =	sadd.s32 @!p0 $0x100000, s1;
	[bflag:$0x2] =	sbarrier.arrive $0xFFFF  }
0xd6: {  	[sflag:s0] =	ssyncadd.tile.s32 @!p0 $0x1;
	_ =	shalt  }
.Lfunc_end2:
_tile_overlayer_lowered:
.L_overlay_start_2:
0xd7: {  	(tag) =	ssettag $0x2  }
0xd8: {  	s0 =	rddreg [dreg:$0x0];
	s2 =	stileid.u32  }
0xd9: {  	s1 =	rddreg [dreg:$0x1];
	p0 =	sne.s32 s2, $0x0  }
0xda: {  	s3 =	rddreg [dreg:$0x2];
	[bflag:$0x3] =	sbarrier.arrive $0xFFFF;
	s2 =	simm.s32 @!p0 $0x1C07  }
0xdb: {  	[timem:s3], [sflag:s2] =	dma.local @!p0 [hbm:s0], s1  }
0xdc: {  	s0 =	simm.s32 @!p0 $0x7  }
0xdd: {  	_ =	swait.ge @!p0 [sflag:s0], s1  }
0xde: {  	s1 =	ssub.s32 @!p0 $0x0, s1;
	[sflag:s0] =	ssyncset.done @!p0 $0x0  }
0xdf: {  	[sflag:s0] =	ssyncadd.s32 @!p0 s1  }
0xe0: {  	[bflag:$0x3] =	sbarrier.arrive $0xFFFF  }
0xe1: {  	_ =	shalt  }

</sc_bundles>
